<compile_context>
chip_gen: v7x
topology: tpu7x:2x2x1
jax: 0.10.2.dev20260603
libtpu: 0.0.44.dev20260713+nightly
codegen_flags: <defaults>
</compile_context>

<pallas_src>
import jax
import jax.numpy as jnp
from jax import lax
from jax.experimental import pallas as pl
from jax.experimental.pallas import tpu as pltpu
from jax.experimental.pallas import tpu_sc as plsc

N_NODES = 10000
N_PAD = 10240
N_EDGES = 160000
NCORE = 2
NSUB = 16
CHUNK = 200
EDGES_PER_SUB = N_EDGES // NSUB
NCHUNK = EDGES_PER_SUB // CHUNK
CHUNK2 = 400
NCHUNK2 = EDGES_PER_SUB // CHUNK2
NBUF = 3
ROWS_PER_SUB = N_PAD // NSUB
DIN = 256
DSLAB = 64
DY = 32

_MESH = plsc.VectorSubcoreMesh(core_axis_name="c", subcore_axis_name="s",
                               num_cores=NCORE, num_subcores=NSUB)


def _ring_loop(nchunk, gather_slice, srcv, bufs, sems, scat):
    pre = min(NBUF - 1, nchunk)
    main = ((nchunk - pre) // NBUF) * NBUF

    def fire(j, b):
        pltpu.async_copy(gather_slice(j), bufs[b], sems[b])

    def wait(j, b):
        pltpu.make_async_copy(gather_slice(j), bufs[b], sems[b]).wait()

    for j in range(pre):
        fire(j, j % NBUF)

    def body(i, carry):
        for b in range(NBUF):
            j = NBUF * i + b
            wait(j, b)
            fire(j + pre, (b + pre) % NBUF)
            scat(j, bufs[b])
        return carry
    lax.fori_loop(0, main // NBUF, body, 0)

    for j in range(main, nchunk):
        wait(j, j % NBUF)
        if j + pre < nchunk:
            fire(j + pre, (j + pre) % NBUF)
        scat(j, bufs[j % NBUF])


def _agg1_body(x4, src4q, dst3, zer64, zer16, ones16,
               z, recip16,
               acc, deg, srcv, dstv, buf0, buf1, buf2, onesv, degbuf,
               sem0, sem1, sem2):
    c = lax.axis_index("c")
    s = lax.axis_index("s")
    row0 = s * ROWS_PER_SUB
    stripe = pl.ds(row0, ROWS_PER_SUB)

    pltpu.sync_copy(ones16, onesv)
    pltpu.sync_copy(dst3.at[s], dstv)

    def edge_loop(with_deg):
        def gather_slice(j):
            return x4.at[srcv.at[j]]

        def scat(j, buf):
            pltpu.sync_copy(buf, acc.at[dstv.at[j]], add=True)
            if with_deg:
                pltpu.sync_copy(onesv, deg.at[dstv.at[j]], add=True)

        _ring_loop(NCHUNK, gather_slice, srcv, (buf0, buf1, buf2),
                   (sem0, sem1, sem2), scat)

    for p in range(2):
        with_deg = p == 0
        pltpu.sync_copy(zer64, acc.at[stripe])
        if with_deg:
            pltpu.sync_copy(zer16, deg.at[stripe])

        @pl.when(c == 0)
        def _():
            pltpu.sync_copy(src4q.at[p, s], srcv)

        @pl.when(c == 1)
        def _():
            pltpu.sync_copy(src4q.at[2 + p, s], srcv)

        plsc.subcore_barrier()

        edge_loop(with_deg)

        plsc.subcore_barrier()

        @pl.when(c == 0)
        def _():
            pltpu.sync_copy(acc.at[stripe],
                            z.at[stripe, pl.ds(p * DSLAB, DSLAB)])

        @pl.when(c == 1)
        def _():
            pltpu.sync_copy(acc.at[stripe],
                            z.at[stripe, pl.ds(2 * DSLAB + p * DSLAB, DSLAB)])

        plsc.subcore_barrier()

    @pl.when(c == 0)
    def _():
        pltpu.sync_copy(deg.at[stripe], degbuf)

        def rbody(r, carry):
            d = degbuf[r, :]
            degbuf[r, :] = 1.0 / jnp.maximum(d, 1.0)
            return carry
        lax.fori_loop(0, ROWS_PER_SUB, rbody, 0)
        pltpu.sync_copy(degbuf, recip16.at[stripe])


_agg1 = pl.kernel(
    _agg1_body,
    out_type=(
        jax.ShapeDtypeStruct((N_PAD, DIN), jnp.float32),
        jax.ShapeDtypeStruct((N_PAD, 16), jnp.float32),
    ),
    mesh=_MESH,
    compiler_params=pltpu.CompilerParams(use_tc_tiling_on_sc=False),
    scratch_types=[
        pltpu.VMEM_SHARED((N_PAD, DSLAB), jnp.float32),
        pltpu.VMEM_SHARED((N_PAD, 16), jnp.float32),
        pltpu.VMEM((NCHUNK, CHUNK), jnp.int32),
        pltpu.VMEM((NCHUNK, CHUNK), jnp.int32),
        pltpu.VMEM((CHUNK, DSLAB), jnp.float32),
        pltpu.VMEM((CHUNK, DSLAB), jnp.float32),
        pltpu.VMEM((CHUNK, DSLAB), jnp.float32),
        pltpu.VMEM((CHUNK, 16), jnp.float32),
        pltpu.VMEM((ROWS_PER_SUB, 16), jnp.float32),
        pltpu.SemaphoreType.DMA,
        pltpu.SemaphoreType.DMA,
        pltpu.SemaphoreType.DMA,
    ],
)


def _agg2_body(y2, src2q, dst3, recip16, b2, zer32,
               out,
               acc, srcv, dstv, buf0, buf1, buf2, recipv, accbuf, b2v,
               sem0, sem1, sem2):
    c = lax.axis_index("c")
    s = lax.axis_index("s")
    row0 = s * ROWS_PER_SUB
    stripe = pl.ds(row0, ROWS_PER_SUB)

    pltpu.sync_copy(b2, b2v)
    pltpu.sync_copy(dst3.at[s], dstv)
    pltpu.sync_copy(zer32, acc.at[stripe])

    @pl.when(c == 0)
    def _():
        pltpu.sync_copy(src2q.at[0, s], srcv)

    @pl.when(c == 1)
    def _():
        pltpu.sync_copy(src2q.at[1, s], srcv)

    plsc.subcore_barrier()

    def edge_loop():
        def gather_slice(j):
            return y2.at[srcv.at[j]]

        def scat(j, buf):
            pltpu.sync_copy(buf, acc.at[dstv.at[j]], add=True)

        _ring_loop(NCHUNK2, gather_slice, srcv, (buf0, buf1, buf2),
                   (sem0, sem1, sem2), scat)

    edge_loop()

    plsc.subcore_barrier()

    pltpu.sync_copy(acc.at[stripe], accbuf)
    pltpu.sync_copy(recip16.at[stripe], recipv)
    b2a = b2v[pl.ds(c * DY, 16)]
    b2b = b2v[pl.ds(c * DY + 16, 16)]

    def rbody(r, carry):
        rv = recipv[r, :]
        accbuf[r, pl.ds(0, 16)] = accbuf[r, pl.ds(0, 16)] * rv + b2a
        accbuf[r, pl.ds(16, 16)] = accbuf[r, pl.ds(16, 16)] * rv + b2b
        return carry
    lax.fori_loop(0, ROWS_PER_SUB, rbody, 0)

    @pl.when(c == 0)
    def _():
        @pl.when(s < NSUB - 1)
        def _():
            pltpu.sync_copy(accbuf, out.at[stripe, pl.ds(0, DY)])

        @pl.when(s == NSUB - 1)
        def _():
            pltpu.sync_copy(
                accbuf.at[pl.ds(0, N_NODES - (NSUB - 1) * ROWS_PER_SUB)],
                out.at[pl.ds((NSUB - 1) * ROWS_PER_SUB,
                             N_NODES - (NSUB - 1) * ROWS_PER_SUB),
                       pl.ds(0, DY)])

    @pl.when(c == 1)
    def _():
        @pl.when(s < NSUB - 1)
        def _():
            pltpu.sync_copy(accbuf, out.at[stripe, pl.ds(DY, DY)])

        @pl.when(s == NSUB - 1)
        def _():
            pltpu.sync_copy(
                accbuf.at[pl.ds(0, N_NODES - (NSUB - 1) * ROWS_PER_SUB)],
                out.at[pl.ds((NSUB - 1) * ROWS_PER_SUB,
                             N_NODES - (NSUB - 1) * ROWS_PER_SUB),
                       pl.ds(DY, DY)])


_agg2 = pl.kernel(
    _agg2_body,
    out_type=(
        jax.ShapeDtypeStruct((N_NODES, 2 * DY), jnp.float32),
    ),
    mesh=_MESH,
    compiler_params=pltpu.CompilerParams(use_tc_tiling_on_sc=False),
    scratch_types=[
        pltpu.VMEM_SHARED((N_PAD, DY), jnp.float32),
        pltpu.VMEM((NCHUNK2, CHUNK2), jnp.int32),
        pltpu.VMEM((NCHUNK2, CHUNK2), jnp.int32),
        pltpu.VMEM((CHUNK2, DY), jnp.float32),
        pltpu.VMEM((CHUNK2, DY), jnp.float32),
        pltpu.VMEM((CHUNK2, DY), jnp.float32),
        pltpu.VMEM((ROWS_PER_SUB, 16), jnp.float32),
        pltpu.VMEM((ROWS_PER_SUB, DY), jnp.float32),
        pltpu.VMEM((2 * DY,), jnp.float32),
        pltpu.SemaphoreType.DMA,
        pltpu.SemaphoreType.DMA,
        pltpu.SemaphoreType.DMA,
    ],
)


def _mlp_body(z_ref, r16_ref, w1_ref, b1_ref, w2_ref, y_ref):
    z = z_ref[...]
    r = r16_ref[...][:, 0:1]
    h = jnp.dot(z * r, w1_ref[...], preferred_element_type=jnp.float32)
    h = jnp.maximum(h + b1_ref[...], 0.0)
    y_ref[...] = jnp.dot(h, w2_ref[...], preferred_element_type=jnp.float32)


def _mlp(z, recip16, W1, b1, W2):
    blk = 2048
    grid = (N_PAD // blk,)
    return pl.pallas_call(
        _mlp_body,
        grid=grid,
        in_specs=[
            pl.BlockSpec((blk, DIN), lambda i: (i, 0)),
            pl.BlockSpec((blk, 16), lambda i: (i, 0)),
            pl.BlockSpec((DIN, DIN), lambda i: (0, 0)),
            pl.BlockSpec((1, DIN), lambda i: (0, 0)),
            pl.BlockSpec((DIN, 2 * DY), lambda i: (0, 0)),
        ],
        out_specs=pl.BlockSpec((blk, 2 * DY), lambda i: (i, 0)),
        out_shape=jax.ShapeDtypeStruct((N_PAD, 2 * DY), jnp.float32),
    )(z, recip16, W1, b1, W2)


@jax.jit
def kernel(inputs, edge_index, W1, b1, W2, b2):
    src = edge_index[0].astype(jnp.int32)
    dst = edge_index[1].astype(jnp.int32)
    dst3 = dst.reshape(NSUB, NCHUNK, CHUNK)

    src4 = (src * 4).reshape(NSUB, NCHUNK, CHUNK)
    src4q = jnp.stack([src4, src4 + 1, src4 + 2, src4 + 3])
    src2 = (src * 2).reshape(NSUB, NCHUNK2, CHUNK2)
    src2q = jnp.stack([src2, src2 + 1])
    dst3b = dst.reshape(NSUB, NCHUNK2, CHUNK2)

    x4 = inputs.reshape(4 * N_NODES, DSLAB)

    zer64 = jnp.zeros((ROWS_PER_SUB, DSLAB), jnp.float32)
    zer16 = jnp.zeros((ROWS_PER_SUB, 16), jnp.float32)
    zer32 = jnp.zeros((ROWS_PER_SUB, DY), jnp.float32)
    ones16 = jnp.ones((CHUNK, 16), jnp.float32)

    z, recip16 = _agg1(x4, src4q, dst3, zer64, zer16, ones16)
    y = _mlp(z, recip16, W1, b1.reshape(1, -1), W2)
    y2 = y.reshape(2 * N_PAD, DY)
    out, = _agg2(y2, src2q, dst3b, recip16, b2, zer32)
    return out

# --- scband reference (transcript-rebuilt; emitter-appended) ---
"""Pipeline reference for scband-graph-sage-62543313764746 (READ-ONLY COPY).

The authoritative reference and input builder live on the scoring server;
editing this copy changes nothing except your own understanding.
"""

import jax, jax.numpy as jnp
import numpy as np

N_NODES = 10000
N_EDGES = 160000
IN_FEATS = 256
N_HIDDEN = 256
N_CLASSES = 64


def setup_inputs(seed: int = 0) -> dict:
    key = jax.random.key(seed)
    k1, k2, k3, k4, k5, k6 = jax.random.split(key, 6)
    inputs = jax.random.normal(k1, (N_NODES, IN_FEATS), dtype=jnp.float32)
    edge_index = jax.random.randint(k2, (2, N_EDGES), 0, N_NODES, dtype=jnp.int64)
    # learned parameters: one SAGEConvMLP per layer (2 layers with n_layers=1)
    W1 = jax.random.normal(k3, (IN_FEATS, N_HIDDEN), dtype=jnp.float32) / np.sqrt(IN_FEATS)
    b1 = jnp.zeros((N_HIDDEN,), dtype=jnp.float32)
    W2 = jax.random.normal(k4, (N_HIDDEN, N_CLASSES), dtype=jnp.float32) / np.sqrt(N_HIDDEN)
    b2 = jnp.zeros((N_CLASSES,), dtype=jnp.float32)
    return {"inputs": inputs, "edge_index": edge_index, "W1": W1, "b1": b1, "W2": W2, "b2": b2}


def _mean_agg(h, src, dst, n_nodes):
    # SAGEConvAgg with aggregator_type='mean': A_mean @ h (spmm), emulating broad_func's
    # distributed broadcast + local spmm + all_reduce collapsed to single device.
    msg = jnp.take(h, src, axis=0)                      # gather along edges
    agg = jax.ops.segment_sum(msg, dst, num_segments=n_nodes)  # scatter-add by dst
    deg = jax.ops.segment_sum(jnp.ones((src.shape[0],), dtype=h.dtype), dst, num_segments=n_nodes)
    return agg / jnp.clip(deg, 1.0, None)[:, None]


def reference(inputs, edge_index, W1, b1, W2, b2):
    src = edge_index[0]
    dst = edge_index[1]
    n = inputs.shape[0]
    # dropout(p=0.0) is identity in eval
    h = inputs
    # layer 0: agg -> mlp -> activation
    z = _mean_agg(h, src, dst, n)
    h = jax.nn.relu(z @ W1 + b1)
    # layer 1 (output layer): agg -> mlp (no activation on final logits)
    z = _mean_agg(h, src, dst, n)
    h = z @ W2 + b2
    return h

if __name__ == "__main__":
    import jax
    _d = setup_inputs()
    print(jax.jit(kernel)(*tuple(_d.values())))

</pallas_src>

<mosaic_0001>
#map = affine_map<(d0, d1) -> (0, 0)>
#map1 = affine_map<(d0, d1) -> (0, 0, 0, 0)>
#map2 = affine_map<(d0, d1) -> (0, 0, 0)>
module attributes {stable_mosaic.version = 14 : i64} {
  func.func @_agg1_body(%arg0: i32, %arg1: i32, %arg2: memref<40000x64xf32, #tpu.memory_space<hbm>>, %arg3: memref<4x16x50x200xi32, #tpu.memory_space<hbm>>, %arg4: memref<16x50x200xi32, #tpu.memory_space<hbm>>, %arg5: memref<640x64xf32, #tpu.memory_space<hbm>>, %arg6: memref<640x16xf32, #tpu.memory_space<hbm>>, %arg7: memref<200x16xf32, #tpu.memory_space<hbm>>, %arg8: memref<10240x256xf32, #tpu.memory_space<hbm>>, %arg9: memref<10240x16xf32, #tpu.memory_space<hbm>>, %arg10: memref<10240x64xf32, #tpu.memory_space<vmem_shared>>, %arg11: memref<10240x16xf32, #tpu.memory_space<vmem_shared>>, %arg12: memref<50x200xi32, #tpu.memory_space<vmem>>, %arg13: memref<50x200xi32, #tpu.memory_space<vmem>>, %arg14: memref<200x64xf32, #tpu.memory_space<vmem>>, %arg15: memref<200x64xf32, #tpu.memory_space<vmem>>, %arg16: memref<200x64xf32, #tpu.memory_space<vmem>>, %arg17: memref<200x16xf32, #tpu.memory_space<vmem>>, %arg18: memref<640x16xf32, #tpu.memory_space<vmem>>, %arg19: memref<!tpu.dma_semaphore, #tpu.memory_space<semaphore_mem>>, %arg20: memref<!tpu.dma_semaphore, #tpu.memory_space<semaphore_mem>>, %arg21: memref<!tpu.dma_semaphore, #tpu.memory_space<semaphore_mem>>) attributes {dimension_semantics = [#tpu.dimension_semantics<core_parallel>, #tpu.dimension_semantics<subcore_parallel>], iteration_bounds = array<i64: 2, 16>, scalar_prefetch = 0 : i64, scratch_operands = 12 : i64, tpu.core_type = #tpu.core_type<sc_vector_subcore>, window_params = [{transform_indices = #map}, {transform_indices = #map1}, {transform_indices = #map2}, {transform_indices = #map}, {transform_indices = #map}, {transform_indices = #map}, {transform_indices = #map}, {transform_indices = #map}]} {
    %mul3A = arith.constant 640 : i32
    %mul3A_0 = arith.muli %arg1, %mul3A : i32
    "tpu.region"() ({
      %run_scoped3A_118 = tpu.sem_alloc : memref<!tpu.dma_semaphore, #tpu.memory_space<semaphore_mem>>
      tpu.enqueue_dma source(%arg7 : memref<200x16xf32, #tpu.memory_space<hbm>>) target(%arg17 : memref<200x16xf32, #tpu.memory_space<vmem>>) target_semaphore(%run_scoped3A_118 : memref<!tpu.dma_semaphore, #tpu.memory_space<semaphore_mem>>)
      tpu.wait_dma2 semaphore(%run_scoped3A_118 : memref<!tpu.dma_semaphore, #tpu.memory_space<semaphore_mem>>) src(%arg7 : memref<200x16xf32, #tpu.memory_space<hbm>>) dst(%arg17 : memref<200x16xf32, #tpu.memory_space<vmem>>)
      tpu.yield
    }) : () -> ()
    "tpu.region"() ({
      %run_scoped3A_118 = tpu.sem_alloc : memref<!tpu.dma_semaphore, #tpu.memory_space<semaphore_mem>>
      %dma_start3A_119 = arith.constant 0 : i32
      %dma_start3A_120 = arith.constant 0 : i32
      %dma_start3A_121 = tpu.memref_slice %arg4[%arg1, %dma_start3A_119, %dma_start3A_120] : memref<16x50x200xi32, #tpu.memory_space<hbm>> -> memref<1x50x200xi32, #tpu.memory_space<hbm>>
      %dma_start3A_122 = tpu.memref_squeeze %dma_start3A_121 : memref<1x50x200xi32, #tpu.memory_space<hbm>> -> memref<50x200xi32, #tpu.memory_space<hbm>>
      %dma_start3A_123 = arith.constant 0 : i32
      %dma_start3A_124 = arith.constant 0 : i32
      %dma_start3A_125 = tpu.memref_slice %arg4[%arg1, %dma_start3A_123, %dma_start3A_124] : memref<16x50x200xi32, #tpu.memory_space<hbm>> -> memref<1x50x200xi32, #tpu.memory_space<hbm>>
      %dma_start3A_126 = tpu.memref_squeeze %dma_start3A_125 : memref<1x50x200xi32, #tpu.memory_space<hbm>> -> memref<50x200xi32, #tpu.memory_space<hbm>>
      tpu.enqueue_dma source(%dma_start3A_126 : memref<50x200xi32, #tpu.memory_space<hbm>>) target(%arg13 : memref<50x200xi32, #tpu.memory_space<vmem>>) target_semaphore(%run_scoped3A_118 : memref<!tpu.dma_semaphore, #tpu.memory_space<semaphore_mem>>)
      %dma_wait3A_127 = arith.constant 0 : i32
      %dma_wait3A_128 = arith.constant 0 : i32
      %dma_wait3A_129 = tpu.memref_slice %arg4[%arg1, %dma_wait3A_127, %dma_wait3A_128] : memref<16x50x200xi32, #tpu.memory_space<hbm>> -> memref<1x50x200xi32, #tpu.memory_space<hbm>>
      %dma_wait3A_130 = tpu.memref_squeeze %dma_wait3A_129 : memref<1x50x200xi32, #tpu.memory_space<hbm>> -> memref<50x200xi32, #tpu.memory_space<hbm>>
      %dma_wait3A_131 = arith.constant 0 : i32
      %dma_wait3A_132 = arith.constant 0 : i32
      %dma_wait3A_133 = tpu.memref_slice %arg4[%arg1, %dma_wait3A_131, %dma_wait3A_132] : memref<16x50x200xi32, #tpu.memory_space<hbm>> -> memref<1x50x200xi32, #tpu.memory_space<hbm>>
      %dma_wait3A_134 = tpu.memref_squeeze %dma_wait3A_133 : memref<1x50x200xi32, #tpu.memory_space<hbm>> -> memref<50x200xi32, #tpu.memory_space<hbm>>
      tpu.wait_dma2 semaphore(%run_scoped3A_118 : memref<!tpu.dma_semaphore, #tpu.memory_space<semaphore_mem>>) src(%dma_wait3A_134 : memref<50x200xi32, #tpu.memory_space<hbm>>) dst(%arg13 : memref<50x200xi32, #tpu.memory_space<vmem>>)
      tpu.yield
    }) : () -> ()
    "tpu.region"() ({
      %run_scoped3A_118 = tpu.sem_alloc : memref<!tpu.dma_semaphore, #tpu.memory_space<semaphore_mem>>
      %dma_start3A_119 = arith.constant 0 : i32
      %dma_start3A_120 = tpu.memref_slice %arg10[%mul3A_0, %dma_start3A_119] : memref<10240x64xf32, #tpu.memory_space<vmem_shared>> -> memref<640x64xf32, #tpu.memory_space<vmem_shared>>
      tpu.enqueue_dma source(%arg5 : memref<640x64xf32, #tpu.memory_space<hbm>>) target(%dma_start3A_120 : memref<640x64xf32, #tpu.memory_space<vmem_shared>>) target_semaphore(%run_scoped3A_118 : memref<!tpu.dma_semaphore, #tpu.memory_space<semaphore_mem>>)
      %dma_wait3A_121 = arith.constant 0 : i32
      %dma_wait3A_122 = tpu.memref_slice %arg10[%mul3A_0, %dma_wait3A_121] : memref<10240x64xf32, #tpu.memory_space<vmem_shared>> -> memref<640x64xf32, #tpu.memory_space<vmem_shared>>
      tpu.wait_dma2 semaphore(%run_scoped3A_118 : memref<!tpu.dma_semaphore, #tpu.memory_space<semaphore_mem>>) src(%arg5 : memref<640x64xf32, #tpu.memory_space<hbm>>) dst(%dma_wait3A_122 : memref<640x64xf32, #tpu.memory_space<vmem_shared>>)
      tpu.yield
    }) : () -> ()
    "tpu.region"() ({
      %run_scoped3A_118 = tpu.sem_alloc : memref<!tpu.dma_semaphore, #tpu.memory_space<semaphore_mem>>
      %dma_start3A_119 = arith.constant 0 : i32
      %dma_start3A_120 = tpu.memref_slice %arg11[%mul3A_0, %dma_start3A_119] : memref<10240x16xf32, #tpu.memory_space<vmem_shared>> -> memref<640x16xf32, #tpu.memory_space<vmem_shared>>
      tpu.enqueue_dma source(%arg6 : memref<640x16xf32, #tpu.memory_space<hbm>>) target(%dma_start3A_120 : memref<640x16xf32, #tpu.memory_space<vmem_shared>>) target_semaphore(%run_scoped3A_118 : memref<!tpu.dma_semaphore, #tpu.memory_space<semaphore_mem>>)
      %dma_wait3A_121 = arith.constant 0 : i32
      %dma_wait3A_122 = tpu.memref_slice %arg11[%mul3A_0, %dma_wait3A_121] : memref<10240x16xf32, #tpu.memory_space<vmem_shared>> -> memref<640x16xf32, #tpu.memory_space<vmem_shared>>
      tpu.wait_dma2 semaphore(%run_scoped3A_118 : memref<!tpu.dma_semaphore, #tpu.memory_space<semaphore_mem>>) src(%arg6 : memref<640x16xf32, #tpu.memory_space<hbm>>) dst(%dma_wait3A_122 : memref<640x16xf32, #tpu.memory_space<vmem_shared>>)
      tpu.yield
    }) : () -> ()
    %eq3A = arith.constant 0 : i32
    %eq3A_1 = arith.cmpi eq, %arg0, %eq3A : i32
    %convert_element_type3A = arith.extui %eq3A_1 : i1 to i32
    %cond3A = arith.constant 0 : i32
    %cond3A_2 = arith.cmpi ne, %convert_element_type3A, %cond3A : i32
    scf.if %cond3A_2 {
      %run_scoped3A_118 = arith.constant 0 : i32
      "tpu.region"() ({
        %run_scoped3A_119 = tpu.sem_alloc : memref<!tpu.dma_semaphore, #tpu.memory_space<semaphore_mem>>
        %dma_start3A_120 = arith.constant 0 : i32
        %dma_start3A_121 = arith.constant 0 : i32
        %dma_start3A_122 = tpu.memref_slice %arg3[%run_scoped3A_118, %arg1, %dma_start3A_120, %dma_start3A_121] : memref<4x16x50x200xi32, #tpu.memory_space<hbm>> -> memref<1x1x50x200xi32, #tpu.memory_space<hbm>>
        %dma_start3A_123 = tpu.memref_squeeze %dma_start3A_122 : memref<1x1x50x200xi32, #tpu.memory_space<hbm>> -> memref<50x200xi32, #tpu.memory_space<hbm>>
        %dma_start3A_124 = arith.constant 0 : i32
        %dma_start3A_125 = arith.constant 0 : i32
        %dma_start3A_126 = tpu.memref_slice %arg3[%run_scoped3A_118, %arg1, %dma_start3A_124, %dma_start3A_125] : memref<4x16x50x200xi32, #tpu.memory_space<hbm>> -> memref<1x1x50x200xi32, #tpu.memory_space<hbm>>
        %dma_start3A_127 = tpu.memref_squeeze %dma_start3A_126 : memref<1x1x50x200xi32, #tpu.memory_space<hbm>> -> memref<50x200xi32, #tpu.memory_space<hbm>>
        tpu.enqueue_dma source(%dma_start3A_127 : memref<50x200xi32, #tpu.memory_space<hbm>>) target(%arg12 : memref<50x200xi32, #tpu.memory_space<vmem>>) target_semaphore(%run_scoped3A_119 : memref<!tpu.dma_semaphore, #tpu.memory_space<semaphore_mem>>)
        %dma_wait3A_128 = arith.constant 0 : i32
        %dma_wait3A_129 = arith.constant 0 : i32
        %dma_wait3A_130 = tpu.memref_slice %arg3[%run_scoped3A_118, %arg1, %dma_wait3A_128, %dma_wait3A_129] : memref<4x16x50x200xi32, #tpu.memory_space<hbm>> -> memref<1x1x50x200xi32, #tpu.memory_space<hbm>>
        %dma_wait3A_131 = tpu.memref_squeeze %dma_wait3A_130 : memref<1x1x50x200xi32, #tpu.memory_space<hbm>> -> memref<50x200xi32, #tpu.memory_space<hbm>>
        %dma_wait3A_132 = arith.constant 0 : i32
        %dma_wait3A_133 = arith.constant 0 : i32
        %dma_wait3A_134 = tpu.memref_slice %arg3[%run_scoped3A_118, %arg1, %dma_wait3A_132, %dma_wait3A_133] : memref<4x16x50x200xi32, #tpu.memory_space<hbm>> -> memref<1x1x50x200xi32, #tpu.memory_space<hbm>>
        %dma_wait3A_135 = tpu.memref_squeeze %dma_wait3A_134 : memref<1x1x50x200xi32, #tpu.memory_space<hbm>> -> memref<50x200xi32, #tpu.memory_space<hbm>>
        tpu.wait_dma2 semaphore(%run_scoped3A_119 : memref<!tpu.dma_semaphore, #tpu.memory_space<semaphore_mem>>) src(%dma_wait3A_135 : memref<50x200xi32, #tpu.memory_space<hbm>>) dst(%arg12 : memref<50x200xi32, #tpu.memory_space<vmem>>)
        tpu.yield
      }) : () -> ()
    } else {
    }
    %eq3A_3 = arith.constant 1 : i32
    %eq3A_4 = arith.cmpi eq, %arg0, %eq3A_3 : i32
    %convert_element_type3A_5 = arith.extui %eq3A_4 : i1 to i32
    %cond3A_6 = arith.constant 0 : i32
    %cond3A_7 = arith.cmpi ne, %convert_element_type3A_5, %cond3A_6 : i32
    scf.if %cond3A_7 {
      %run_scoped3A_118 = arith.constant 2 : i32
      "tpu.region"() ({
        %run_scoped3A_119 = tpu.sem_alloc : memref<!tpu.dma_semaphore, #tpu.memory_space<semaphore_mem>>
        %dma_start3A_120 = arith.constant 0 : i32
        %dma_start3A_121 = arith.constant 0 : i32
        %dma_start3A_122 = tpu.memref_slice %arg3[%run_scoped3A_118, %arg1, %dma_start3A_120, %dma_start3A_121] : memref<4x16x50x200xi32, #tpu.memory_space<hbm>> -> memref<1x1x50x200xi32, #tpu.memory_space<hbm>>
        %dma_start3A_123 = tpu.memref_squeeze %dma_start3A_122 : memref<1x1x50x200xi32, #tpu.memory_space<hbm>> -> memref<50x200xi32, #tpu.memory_space<hbm>>
        %dma_start3A_124 = arith.constant 0 : i32
        %dma_start3A_125 = arith.constant 0 : i32
        %dma_start3A_126 = tpu.memref_slice %arg3[%run_scoped3A_118, %arg1, %dma_start3A_124, %dma_start3A_125] : memref<4x16x50x200xi32, #tpu.memory_space<hbm>> -> memref<1x1x50x200xi32, #tpu.memory_space<hbm>>
        %dma_start3A_127 = tpu.memref_squeeze %dma_start3A_126 : memref<1x1x50x200xi32, #tpu.memory_space<hbm>> -> memref<50x200xi32, #tpu.memory_space<hbm>>
        tpu.enqueue_dma source(%dma_start3A_127 : memref<50x200xi32, #tpu.memory_space<hbm>>) target(%arg12 : memref<50x200xi32, #tpu.memory_space<vmem>>) target_semaphore(%run_scoped3A_119 : memref<!tpu.dma_semaphore, #tpu.memory_space<semaphore_mem>>)
        %dma_wait3A_128 = arith.constant 0 : i32
        %dma_wait3A_129 = arith.constant 0 : i32
        %dma_wait3A_130 = tpu.memref_slice %arg3[%run_scoped3A_118, %arg1, %dma_wait3A_128, %dma_wait3A_129] : memref<4x16x50x200xi32, #tpu.memory_space<hbm>> -> memref<1x1x50x200xi32, #tpu.memory_space<hbm>>
        %dma_wait3A_131 = tpu.memref_squeeze %dma_wait3A_130 : memref<1x1x50x200xi32, #tpu.memory_space<hbm>> -> memref<50x200xi32, #tpu.memory_space<hbm>>
        %dma_wait3A_132 = arith.constant 0 : i32
        %dma_wait3A_133 = arith.constant 0 : i32
        %dma_wait3A_134 = tpu.memref_slice %arg3[%run_scoped3A_118, %arg1, %dma_wait3A_132, %dma_wait3A_133] : memref<4x16x50x200xi32, #tpu.memory_space<hbm>> -> memref<1x1x50x200xi32, #tpu.memory_space<hbm>>
        %dma_wait3A_135 = tpu.memref_squeeze %dma_wait3A_134 : memref<1x1x50x200xi32, #tpu.memory_space<hbm>> -> memref<50x200xi32, #tpu.memory_space<hbm>>
        tpu.wait_dma2 semaphore(%run_scoped3A_119 : memref<!tpu.dma_semaphore, #tpu.memory_space<semaphore_mem>>) src(%dma_wait3A_135 : memref<50x200xi32, #tpu.memory_space<hbm>>) dst(%arg12 : memref<50x200xi32, #tpu.memory_space<vmem>>)
        tpu.yield
      }) : () -> ()
    } else {
    }
    %barrier3A = arith.constant 0 : index
    tpu.barrier barrier_id(%barrier3A)
    %dma_start3A = arith.constant 0 : i32
    %dma_start3A_8 = arith.constant 0 : i32
    %dma_start3A_9 = tpu.memref_slice %arg12[%dma_start3A, %dma_start3A_8] : memref<50x200xi32, #tpu.memory_space<vmem>> -> memref<1x200xi32, #tpu.memory_space<vmem>>
    %dma_start3A_10 = tpu.memref_squeeze %dma_start3A_9 : memref<1x200xi32, #tpu.memory_space<vmem>> -> memref<200xi32, #tpu.memory_space<vmem>>
    %dma_start3A_11 = arith.constant 0 : i32
    %dma_start3A_12 = arith.constant 0 : i32
    %dma_start3A_13 = tpu.memref_slice %arg2[%dma_start3A_11, %dma_start3A_12] : memref<40000x64xf32, #tpu.memory_space<hbm>> -> memref<40000x64xf32, #tpu.memory_space<hbm>>
    tpu.enqueue_indirect_dma source(%dma_start3A_13 : memref<40000x64xf32, #tpu.memory_space<hbm>>) target(%arg14 : memref<200x64xf32, #tpu.memory_space<vmem>>) offsets(%dma_start3A_10 : memref<200xi32, #tpu.memory_space<vmem>>) semaphore(%arg19 : memref<!tpu.dma_semaphore, #tpu.memory_space<semaphore_mem>>)
    %dma_start3A_14 = arith.constant 1 : i32
    %dma_start3A_15 = arith.constant 0 : i32
    %dma_start3A_16 = tpu.memref_slice %arg12[%dma_start3A_14, %dma_start3A_15] : memref<50x200xi32, #tpu.memory_space<vmem>> -> memref<1x200xi32, #tpu.memory_space<vmem>>
    %dma_start3A_17 = tpu.memref_squeeze %dma_start3A_16 : memref<1x200xi32, #tpu.memory_space<vmem>> -> memref<200xi32, #tpu.memory_space<vmem>>
    %dma_start3A_18 = arith.constant 0 : i32
    %dma_start3A_19 = arith.constant 0 : i32
    %dma_start3A_20 = tpu.memref_slice %arg2[%dma_start3A_18, %dma_start3A_19] : memref<40000x64xf32, #tpu.memory_space<hbm>> -> memref<40000x64xf32, #tpu.memory_space<hbm>>
    tpu.enqueue_indirect_dma source(%dma_start3A_20 : memref<40000x64xf32, #tpu.memory_space<hbm>>) target(%arg15 : memref<200x64xf32, #tpu.memory_space<vmem>>) offsets(%dma_start3A_17 : memref<200xi32, #tpu.memory_space<vmem>>) semaphore(%arg20 : memref<!tpu.dma_semaphore, #tpu.memory_space<semaphore_mem>>)
    %scan3A = arith.constant 0 : i32
    %scan3A_21 = arith.constant 0 : i32
    %scan3A_22 = arith.constant 16 : i32
    %scan3A_23 = arith.addi %scan3A_21, %scan3A_22 : i32
    %scan3A_24 = arith.constant 1 : i32
    scf.for %scan3A_118 = %scan3A_21 to %scan3A_23 step %scan3A_24  : i32 {
      %mul3A_119 = arith.constant 3 : i32
      %mul3A_120 = arith.muli %mul3A_119, %scan3A_118 : i32
      %add3A = arith.constant 0 : i32
      %add3A_121 = arith.addi %mul3A_120, %add3A : i32
      %dma_wait3A_122 = arith.constant 0 : i32
      %dma_wait3A_123 = tpu.memref_slice %arg12[%add3A_121, %dma_wait3A_122] : memref<50x200xi32, #tpu.memory_space<vmem>> -> memref<1x200xi32, #tpu.memory_space<vmem>>
      %dma_wait3A_124 = tpu.memref_squeeze %dma_wait3A_123 : memref<1x200xi32, #tpu.memory_space<vmem>> -> memref<200xi32, #tpu.memory_space<vmem>>
      %dma_wait3A_125 = arith.constant 0 : i32
      %dma_wait3A_126 = arith.constant 0 : i32
      %dma_wait3A_127 = tpu.memref_slice %arg2[%dma_wait3A_125, %dma_wait3A_126] : memref<40000x64xf32, #tpu.memory_space<hbm>> -> memref<40000x64xf32, #tpu.memory_space<hbm>>
      tpu.wait_indirect_dma semaphore(%arg19 : memref<!tpu.dma_semaphore, #tpu.memory_space<semaphore_mem>>) src(%dma_wait3A_127 : memref<40000x64xf32, #tpu.memory_space<hbm>>) dst(%arg14 : memref<200x64xf32, #tpu.memory_space<vmem>>)
      %add3A_128 = arith.constant 2 : i32
      %add3A_129 = arith.addi %add3A_121, %add3A_128 : i32
      %dma_start3A_130 = arith.constant 0 : i32
      %dma_start3A_131 = tpu.memref_slice %arg12[%add3A_129, %dma_start3A_130] : memref<50x200xi32, #tpu.memory_space<vmem>> -> memref<1x200xi32, #tpu.memory_space<vmem>>
      %dma_start3A_132 = tpu.memref_squeeze %dma_start3A_131 : memref<1x200xi32, #tpu.memory_space<vmem>> -> memref<200xi32, #tpu.memory_space<vmem>>
      %dma_start3A_133 = arith.constant 0 : i32
      %dma_start3A_134 = arith.constant 0 : i32
      %dma_start3A_135 = tpu.memref_slice %arg2[%dma_start3A_133, %dma_start3A_134] : memref<40000x64xf32, #tpu.memory_space<hbm>> -> memref<40000x64xf32, #tpu.memory_space<hbm>>
      tpu.enqueue_indirect_dma source(%dma_start3A_135 : memref<40000x64xf32, #tpu.memory_space<hbm>>) target(%arg16 : memref<200x64xf32, #tpu.memory_space<vmem>>) offsets(%dma_start3A_132 : memref<200xi32, #tpu.memory_space<vmem>>) semaphore(%arg21 : memref<!tpu.dma_semaphore, #tpu.memory_space<semaphore_mem>>)
      "tpu.region"() ({
        %run_scoped3A_172 = tpu.sem_alloc : memref<!tpu.dma_semaphore, #tpu.memory_space<semaphore_mem>>
        %dma_start3A_173 = arith.constant 0 : i32
        %dma_start3A_174 = tpu.memref_slice %arg13[%add3A_121, %dma_start3A_173] : memref<50x200xi32, #tpu.memory_space<vmem>> -> memref<1x200xi32, #tpu.memory_space<vmem>>
        %dma_start3A_175 = tpu.memref_squeeze %dma_start3A_174 : memref<1x200xi32, #tpu.memory_space<vmem>> -> memref<200xi32, #tpu.memory_space<vmem>>
        %dma_start3A_176 = arith.constant 0 : i32
        %dma_start3A_177 = arith.constant 0 : i32
        %dma_start3A_178 = tpu.memref_slice %arg10[%dma_start3A_176, %dma_start3A_177] : memref<10240x64xf32, #tpu.memory_space<vmem_shared>> -> memref<10240x64xf32, #tpu.memory_space<vmem_shared>>
        tpu.enqueue_indirect_dma source(%arg14 : memref<200x64xf32, #tpu.memory_space<vmem>>) target(%dma_start3A_178 : memref<10240x64xf32, #tpu.memory_space<vmem_shared>>) offsets(%dma_start3A_175 : memref<200xi32, #tpu.memory_space<vmem>>) semaphore(%run_scoped3A_172 : memref<!tpu.dma_semaphore, #tpu.memory_space<semaphore_mem>>) {add = true}
        %dma_wait3A_179 = arith.constant 0 : i32
        %dma_wait3A_180 = tpu.memref_slice %arg13[%add3A_121, %dma_wait3A_179] : memref<50x200xi32, #tpu.memory_space<vmem>> -> memref<1x200xi32, #tpu.memory_space<vmem>>
        %dma_wait3A_181 = tpu.memref_squeeze %dma_wait3A_180 : memref<1x200xi32, #tpu.memory_space<vmem>> -> memref<200xi32, #tpu.memory_space<vmem>>
        %dma_wait3A_182 = arith.constant 0 : i32
        %dma_wait3A_183 = arith.constant 0 : i32
        %dma_wait3A_184 = tpu.memref_slice %arg10[%dma_wait3A_182, %dma_wait3A_183] : memref<10240x64xf32, #tpu.memory_space<vmem_shared>> -> memref<10240x64xf32, #tpu.memory_space<vmem_shared>>
        tpu.wait_indirect_dma semaphore(%run_scoped3A_172 : memref<!tpu.dma_semaphore, #tpu.memory_space<semaphore_mem>>) src(%arg14 : memref<200x64xf32, #tpu.memory_space<vmem>>) dst(%dma_wait3A_184 : memref<10240x64xf32, #tpu.memory_space<vmem_shared>>)
        tpu.yield
      }) : () -> ()
      "tpu.region"() ({
        %run_scoped3A_172 = tpu.sem_alloc : memref<!tpu.dma_semaphore, #tpu.memory_space<semaphore_mem>>
        %dma_start3A_173 = arith.constant 0 : i32
        %dma_start3A_174 = tpu.memref_slice %arg13[%add3A_121, %dma_start3A_173] : memref<50x200xi32, #tpu.memory_space<vmem>> -> memref<1x200xi32, #tpu.memory_space<vmem>>
        %dma_start3A_175 = tpu.memref_squeeze %dma_start3A_174 : memref<1x200xi32, #tpu.memory_space<vmem>> -> memref<200xi32, #tpu.memory_space<vmem>>
        %dma_start3A_176 = arith.constant 0 : i32
        %dma_start3A_177 = arith.constant 0 : i32
        %dma_start3A_178 = tpu.memref_slice %arg11[%dma_start3A_176, %dma_start3A_177] : memref<10240x16xf32, #tpu.memory_space<vmem_shared>> -> memref<10240x16xf32, #tpu.memory_space<vmem_shared>>
        tpu.enqueue_indirect_dma source(%arg17 : memref<200x16xf32, #tpu.memory_space<vmem>>) target(%dma_start3A_178 : memref<10240x16xf32, #tpu.memory_space<vmem_shared>>) offsets(%dma_start3A_175 : memref<200xi32, #tpu.memory_space<vmem>>) semaphore(%run_scoped3A_172 : memref<!tpu.dma_semaphore, #tpu.memory_space<semaphore_mem>>) {add = true}
        %dma_wait3A_179 = arith.constant 0 : i32
        %dma_wait3A_180 = tpu.memref_slice %arg13[%add3A_121, %dma_wait3A_179] : memref<50x200xi32, #tpu.memory_space<vmem>> -> memref<1x200xi32, #tpu.memory_space<vmem>>
        %dma_wait3A_181 = tpu.memref_squeeze %dma_wait3A_180 : memref<1x200xi32, #tpu.memory_space<vmem>> -> memref<200xi32, #tpu.memory_space<vmem>>
        %dma_wait3A_182 = arith.constant 0 : i32
        %dma_wait3A_183 = arith.constant 0 : i32
        %dma_wait3A_184 = tpu.memref_slice %arg11[%dma_wait3A_182, %dma_wait3A_183] : memref<10240x16xf32, #tpu.memory_space<vmem_shared>> -> memref<10240x16xf32, #tpu.memory_space<vmem_shared>>
        tpu.wait_indirect_dma semaphore(%run_scoped3A_172 : memref<!tpu.dma_semaphore, #tpu.memory_space<semaphore_mem>>) src(%arg17 : memref<200x16xf32, #tpu.memory_space<vmem>>) dst(%dma_wait3A_184 : memref<10240x16xf32, #tpu.memory_space<vmem_shared>>)
        tpu.yield
      }) : () -> ()
      %mul3A_136 = arith.constant 3 : i32
      %mul3A_137 = arith.muli %mul3A_136, %scan3A_118 : i32
      %add3A_138 = arith.constant 1 : i32
      %add3A_139 = arith.addi %mul3A_137, %add3A_138 : i32
      %dma_wait3A_140 = arith.constant 0 : i32
      %dma_wait3A_141 = tpu.memref_slice %arg12[%add3A_139, %dma_wait3A_140] : memref<50x200xi32, #tpu.memory_space<vmem>> -> memref<1x200xi32, #tpu.memory_space<vmem>>
      %dma_wait3A_142 = tpu.memref_squeeze %dma_wait3A_141 : memref<1x200xi32, #tpu.memory_space<vmem>> -> memref<200xi32, #tpu.memory_space<vmem>>
      %dma_wait3A_143 = arith.constant 0 : i32
      %dma_wait3A_144 = arith.constant 0 : i32
      %dma_wait3A_145 = tpu.memref_slice %arg2[%dma_wait3A_143, %dma_wait3A_144] : memref<40000x64xf32, #tpu.memory_space<hbm>> -> memref<40000x64xf32, #tpu.memory_space<hbm>>
      tpu.wait_indirect_dma semaphore(%arg20 : memref<!tpu.dma_semaphore, #tpu.memory_space<semaphore_mem>>) src(%dma_wait3A_145 : memref<40000x64xf32, #tpu.memory_space<hbm>>) dst(%arg15 : memref<200x64xf32, #tpu.memory_space<vmem>>)
      %add3A_146 = arith.constant 2 : i32
      %add3A_147 = arith.addi %add3A_139, %add3A_146 : i32
      %dma_start3A_148 = arith.constant 0 : i32
      %dma_start3A_149 = tpu.memref_slice %arg12[%add3A_147, %dma_start3A_148] : memref<50x200xi32, #tpu.memory_space<vmem>> -> memref<1x200xi32, #tpu.memory_space<vmem>>
      %dma_start3A_150 = tpu.memref_squeeze %dma_start3A_149 : memref<1x200xi32, #tpu.memory_space<vmem>> -> memref<200xi32, #tpu.memory_space<vmem>>
      %dma_start3A_151 = arith.constant 0 : i32
      %dma_start3A_152 = arith.constant 0 : i32
      %dma_start3A_153 = tpu.memref_slice %arg2[%dma_start3A_151, %dma_start3A_152] : memref<40000x64xf32, #tpu.memory_space<hbm>> -> memref<40000x64xf32, #tpu.memory_space<hbm>>
      tpu.enqueue_indirect_dma source(%dma_start3A_153 : memref<40000x64xf32, #tpu.memory_space<hbm>>) target(%arg14 : memref<200x64xf32, #tpu.memory_space<vmem>>) offsets(%dma_start3A_150 : memref<200xi32, #tpu.memory_space<vmem>>) semaphore(%arg19 : memref<!tpu.dma_semaphore, #tpu.memory_space<semaphore_mem>>)
      "tpu.region"() ({
        %run_scoped3A_172 = tpu.sem_alloc : memref<!tpu.dma_semaphore, #tpu.memory_space<semaphore_mem>>
        %dma_start3A_173 = arith.constant 0 : i32
        %dma_start3A_174 = tpu.memref_slice %arg13[%add3A_139, %dma_start3A_173] : memref<50x200xi32, #tpu.memory_space<vmem>> -> memref<1x200xi32, #tpu.memory_space<vmem>>
        %dma_start3A_175 = tpu.memref_squeeze %dma_start3A_174 : memref<1x200xi32, #tpu.memory_space<vmem>> -> memref<200xi32, #tpu.memory_space<vmem>>
        %dma_start3A_176 = arith.constant 0 : i32
        %dma_start3A_177 = arith.constant 0 : i32
        %dma_start3A_178 = tpu.memref_slice %arg10[%dma_start3A_176, %dma_start3A_177] : memref<10240x64xf32, #tpu.memory_space<vmem_shared>> -> memref<10240x64xf32, #tpu.memory_space<vmem_shared>>
        tpu.enqueue_indirect_dma source(%arg15 : memref<200x64xf32, #tpu.memory_space<vmem>>) target(%dma_start3A_178 : memref<10240x64xf32, #tpu.memory_space<vmem_shared>>) offsets(%dma_start3A_175 : memref<200xi32, #tpu.memory_space<vmem>>) semaphore(%run_scoped3A_172 : memref<!tpu.dma_semaphore, #tpu.memory_space<semaphore_mem>>) {add = true}
        %dma_wait3A_179 = arith.constant 0 : i32
        %dma_wait3A_180 = tpu.memref_slice %arg13[%add3A_139, %dma_wait3A_179] : memref<50x200xi32, #tpu.memory_space<vmem>> -> memref<1x200xi32, #tpu.memory_space<vmem>>
        %dma_wait3A_181 = tpu.memref_squeeze %dma_wait3A_180 : memref<1x200xi32, #tpu.memory_space<vmem>> -> memref<200xi32, #tpu.memory_space<vmem>>
        %dma_wait3A_182 = arith.constant 0 : i32
        %dma_wait3A_183 = arith.constant 0 : i32
        %dma_wait3A_184 = tpu.memref_slice %arg10[%dma_wait3A_182, %dma_wait3A_183] : memref<10240x64xf32, #tpu.memory_space<vmem_shared>> -> memref<10240x64xf32, #tpu.memory_space<vmem_shared>>
        tpu.wait_indirect_dma semaphore(%run_scoped3A_172 : memref<!tpu.dma_semaphore, #tpu.memory_space<semaphore_mem>>) src(%arg15 : memref<200x64xf32, #tpu.memory_space<vmem>>) dst(%dma_wait3A_184 : memref<10240x64xf32, #tpu.memory_space<vmem_shared>>)
        tpu.yield
      }) : () -> ()
      "tpu.region"() ({
        %run_scoped3A_172 = tpu.sem_alloc : memref<!tpu.dma_semaphore, #tpu.memory_space<semaphore_mem>>
        %dma_start3A_173 = arith.constant 0 : i32
        %dma_start3A_174 = tpu.memref_slice %arg13[%add3A_139, %dma_start3A_173] : memref<50x200xi32, #tpu.memory_space<vmem>> -> memref<1x200xi32, #tpu.memory_space<vmem>>
        %dma_start3A_175 = tpu.memref_squeeze %dma_start3A_174 : memref<1x200xi32, #tpu.memory_space<vmem>> -> memref<200xi32, #tpu.memory_space<vmem>>
        %dma_start3A_176 = arith.constant 0 : i32
        %dma_start3A_177 = arith.constant 0 : i32
        %dma_start3A_178 = tpu.memref_slice %arg11[%dma_start3A_176, %dma_start3A_177] : memref<10240x16xf32, #tpu.memory_space<vmem_shared>> -> memref<10240x16xf32, #tpu.memory_space<vmem_shared>>
        tpu.enqueue_indirect_dma source(%arg17 : memref<200x16xf32, #tpu.memory_space<vmem>>) target(%dma_start3A_178 : memref<10240x16xf32, #tpu.memory_space<vmem_shared>>) offsets(%dma_start3A_175 : memref<200xi32, #tpu.memory_space<vmem>>) semaphore(%run_scoped3A_172 : memref<!tpu.dma_semaphore, #tpu.memory_space<semaphore_mem>>) {add = true}
        %dma_wait3A_179 = arith.constant 0 : i32
        %dma_wait3A_180 = tpu.memref_slice %arg13[%add3A_139, %dma_wait3A_179] : memref<50x200xi32, #tpu.memory_space<vmem>> -> memref<1x200xi32, #tpu.memory_space<vmem>>
        %dma_wait3A_181 = tpu.memref_squeeze %dma_wait3A_180 : memref<1x200xi32, #tpu.memory_space<vmem>> -> memref<200xi32, #tpu.memory_space<vmem>>
        %dma_wait3A_182 = arith.constant 0 : i32
        %dma_wait3A_183 = arith.constant 0 : i32
        %dma_wait3A_184 = tpu.memref_slice %arg11[%dma_wait3A_182, %dma_wait3A_183] : memref<10240x16xf32, #tpu.memory_space<vmem_shared>> -> memref<10240x16xf32, #tpu.memory_space<vmem_shared>>
        tpu.wait_indirect_dma semaphore(%run_scoped3A_172 : memref<!tpu.dma_semaphore, #tpu.memory_space<semaphore_mem>>) src(%arg17 : memref<200x16xf32, #tpu.memory_space<vmem>>) dst(%dma_wait3A_184 : memref<10240x16xf32, #tpu.memory_space<vmem_shared>>)
        tpu.yield
      }) : () -> ()
      %mul3A_154 = arith.constant 3 : i32
      %mul3A_155 = arith.muli %mul3A_154, %scan3A_118 : i32
      %add3A_156 = arith.constant 2 : i32
      %add3A_157 = arith.addi %mul3A_155, %add3A_156 : i32
      %dma_wait3A_158 = arith.constant 0 : i32
      %dma_wait3A_159 = tpu.memref_slice %arg12[%add3A_157, %dma_wait3A_158] : memref<50x200xi32, #tpu.memory_space<vmem>> -> memref<1x200xi32, #tpu.memory_space<vmem>>
      %dma_wait3A_160 = tpu.memref_squeeze %dma_wait3A_159 : memref<1x200xi32, #tpu.memory_space<vmem>> -> memref<200xi32, #tpu.memory_space<vmem>>
      %dma_wait3A_161 = arith.constant 0 : i32
      %dma_wait3A_162 = arith.constant 0 : i32
      %dma_wait3A_163 = tpu.memref_slice %arg2[%dma_wait3A_161, %dma_wait3A_162] : memref<40000x64xf32, #tpu.memory_space<hbm>> -> memref<40000x64xf32, #tpu.memory_space<hbm>>
      tpu.wait_indirect_dma semaphore(%arg21 : memref<!tpu.dma_semaphore, #tpu.memory_space<semaphore_mem>>) src(%dma_wait3A_163 : memref<40000x64xf32, #tpu.memory_space<hbm>>) dst(%arg16 : memref<200x64xf32, #tpu.memory_space<vmem>>)
      %add3A_164 = arith.constant 2 : i32
      %add3A_165 = arith.addi %add3A_157, %add3A_164 : i32
      %dma_start3A_166 = arith.constant 0 : i32
      %dma_start3A_167 = tpu.memref_slice %arg12[%add3A_165, %dma_start3A_166] : memref<50x200xi32, #tpu.memory_space<vmem>> -> memref<1x200xi32, #tpu.memory_space<vmem>>
      %dma_start3A_168 = tpu.memref_squeeze %dma_start3A_167 : memref<1x200xi32, #tpu.memory_space<vmem>> -> memref<200xi32, #tpu.memory_space<vmem>>
      %dma_start3A_169 = arith.constant 0 : i32
      %dma_start3A_170 = arith.constant 0 : i32
      %dma_start3A_171 = tpu.memref_slice %arg2[%dma_start3A_169, %dma_start3A_170] : memref<40000x64xf32, #tpu.memory_space<hbm>> -> memref<40000x64xf32, #tpu.memory_space<hbm>>
      tpu.enqueue_indirect_dma source(%dma_start3A_171 : memref<40000x64xf32, #tpu.memory_space<hbm>>) target(%arg15 : memref<200x64xf32, #tpu.memory_space<vmem>>) offsets(%dma_start3A_168 : memref<200xi32, #tpu.memory_space<vmem>>) semaphore(%arg20 : memref<!tpu.dma_semaphore, #tpu.memory_space<semaphore_mem>>)
      "tpu.region"() ({
        %run_scoped3A_172 = tpu.sem_alloc : memref<!tpu.dma_semaphore, #tpu.memory_space<semaphore_mem>>
        %dma_start3A_173 = arith.constant 0 : i32
        %dma_start3A_174 = tpu.memref_slice %arg13[%add3A_157, %dma_start3A_173] : memref<50x200xi32, #tpu.memory_space<vmem>> -> memref<1x200xi32, #tpu.memory_space<vmem>>
        %dma_start3A_175 = tpu.memref_squeeze %dma_start3A_174 : memref<1x200xi32, #tpu.memory_space<vmem>> -> memref<200xi32, #tpu.memory_space<vmem>>
        %dma_start3A_176 = arith.constant 0 : i32
        %dma_start3A_177 = arith.constant 0 : i32
        %dma_start3A_178 = tpu.memref_slice %arg10[%dma_start3A_176, %dma_start3A_177] : memref<10240x64xf32, #tpu.memory_space<vmem_shared>> -> memref<10240x64xf32, #tpu.memory_space<vmem_shared>>
        tpu.enqueue_indirect_dma source(%arg16 : memref<200x64xf32, #tpu.memory_space<vmem>>) target(%dma_start3A_178 : memref<10240x64xf32, #tpu.memory_space<vmem_shared>>) offsets(%dma_start3A_175 : memref<200xi32, #tpu.memory_space<vmem>>) semaphore(%run_scoped3A_172 : memref<!tpu.dma_semaphore, #tpu.memory_space<semaphore_mem>>) {add = true}
        %dma_wait3A_179 = arith.constant 0 : i32
        %dma_wait3A_180 = tpu.memref_slice %arg13[%add3A_157, %dma_wait3A_179] : memref<50x200xi32, #tpu.memory_space<vmem>> -> memref<1x200xi32, #tpu.memory_space<vmem>>
        %dma_wait3A_181 = tpu.memref_squeeze %dma_wait3A_180 : memref<1x200xi32, #tpu.memory_space<vmem>> -> memref<200xi32, #tpu.memory_space<vmem>>
        %dma_wait3A_182 = arith.constant 0 : i32
        %dma_wait3A_183 = arith.constant 0 : i32
        %dma_wait3A_184 = tpu.memref_slice %arg10[%dma_wait3A_182, %dma_wait3A_183] : memref<10240x64xf32, #tpu.memory_space<vmem_shared>> -> memref<10240x64xf32, #tpu.memory_space<vmem_shared>>
        tpu.wait_indirect_dma semaphore(%run_scoped3A_172 : memref<!tpu.dma_semaphore, #tpu.memory_space<semaphore_mem>>) src(%arg16 : memref<200x64xf32, #tpu.memory_space<vmem>>) dst(%dma_wait3A_184 : memref<10240x64xf32, #tpu.memory_space<vmem_shared>>)
        tpu.yield
      }) : () -> ()
      "tpu.region"() ({
        %run_scoped3A_172 = tpu.sem_alloc : memref<!tpu.dma_semaphore, #tpu.memory_space<semaphore_mem>>
        %dma_start3A_173 = arith.constant 0 : i32
        %dma_start3A_174 = tpu.memref_slice %arg13[%add3A_157, %dma_start3A_173] : memref<50x200xi32, #tpu.memory_space<vmem>> -> memref<1x200xi32, #tpu.memory_space<vmem>>
        %dma_start3A_175 = tpu.memref_squeeze %dma_start3A_174 : memref<1x200xi32, #tpu.memory_space<vmem>> -> memref<200xi32, #tpu.memory_space<vmem>>
        %dma_start3A_176 = arith.constant 0 : i32
        %dma_start3A_177 = arith.constant 0 : i32
        %dma_start3A_178 = tpu.memref_slice %arg11[%dma_start3A_176, %dma_start3A_177] : memref<10240x16xf32, #tpu.memory_space<vmem_shared>> -> memref<10240x16xf32, #tpu.memory_space<vmem_shared>>
        tpu.enqueue_indirect_dma source(%arg17 : memref<200x16xf32, #tpu.memory_space<vmem>>) target(%dma_start3A_178 : memref<10240x16xf32, #tpu.memory_space<vmem_shared>>) offsets(%dma_start3A_175 : memref<200xi32, #tpu.memory_space<vmem>>) semaphore(%run_scoped3A_172 : memref<!tpu.dma_semaphore, #tpu.memory_space<semaphore_mem>>) {add = true}
        %dma_wait3A_179 = arith.constant 0 : i32
        %dma_wait3A_180 = tpu.memref_slice %arg13[%add3A_157, %dma_wait3A_179] : memref<50x200xi32, #tpu.memory_space<vmem>> -> memref<1x200xi32, #tpu.memory_space<vmem>>
        %dma_wait3A_181 = tpu.memref_squeeze %dma_wait3A_180 : memref<1x200xi32, #tpu.memory_space<vmem>> -> memref<200xi32, #tpu.memory_space<vmem>>
        %dma_wait3A_182 = arith.constant 0 : i32
        %dma_wait3A_183 = arith.constant 0 : i32
        %dma_wait3A_184 = tpu.memref_slice %arg11[%dma_wait3A_182, %dma_wait3A_183] : memref<10240x16xf32, #tpu.memory_space<vmem_shared>> -> memref<10240x16xf32, #tpu.memory_space<vmem_shared>>
        tpu.wait_indirect_dma semaphore(%run_scoped3A_172 : memref<!tpu.dma_semaphore, #tpu.memory_space<semaphore_mem>>) src(%arg17 : memref<200x16xf32, #tpu.memory_space<vmem>>) dst(%dma_wait3A_184 : memref<10240x16xf32, #tpu.memory_space<vmem_shared>>)
        tpu.yield
      }) : () -> ()
    }
    %scan3A_25 = arith.constant 16 : i32
    %dma_wait3A = arith.constant 48 : i32
    %dma_wait3A_26 = arith.constant 0 : i32
    %dma_wait3A_27 = tpu.memref_slice %arg12[%dma_wait3A, %dma_wait3A_26] : memref<50x200xi32, #tpu.memory_space<vmem>> -> memref<1x200xi32, #tpu.memory_space<vmem>>
    %dma_wait3A_28 = tpu.memref_squeeze %dma_wait3A_27 : memref<1x200xi32, #tpu.memory_space<vmem>> -> memref<200xi32, #tpu.memory_space<vmem>>
    %dma_wait3A_29 = arith.constant 0 : i32
    %dma_wait3A_30 = arith.constant 0 : i32
    %dma_wait3A_31 = tpu.memref_slice %arg2[%dma_wait3A_29, %dma_wait3A_30] : memref<40000x64xf32, #tpu.memory_space<hbm>> -> memref<40000x64xf32, #tpu.memory_space<hbm>>
    tpu.wait_indirect_dma semaphore(%arg19 : memref<!tpu.dma_semaphore, #tpu.memory_space<semaphore_mem>>) src(%dma_wait3A_31 : memref<40000x64xf32, #tpu.memory_space<hbm>>) dst(%arg14 : memref<200x64xf32, #tpu.memory_space<vmem>>)
    %run_scoped3A = arith.constant 48 : i32
    "tpu.region"() ({
      %run_scoped3A_118 = tpu.sem_alloc : memref<!tpu.dma_semaphore, #tpu.memory_space<semaphore_mem>>
      %dma_start3A_119 = arith.constant 0 : i32
      %dma_start3A_120 = tpu.memref_slice %arg13[%run_scoped3A, %dma_start3A_119] : memref<50x200xi32, #tpu.memory_space<vmem>> -> memref<1x200xi32, #tpu.memory_space<vmem>>
      %dma_start3A_121 = tpu.memref_squeeze %dma_start3A_120 : memref<1x200xi32, #tpu.memory_space<vmem>> -> memref<200xi32, #tpu.memory_space<vmem>>
      %dma_start3A_122 = arith.constant 0 : i32
      %dma_start3A_123 = arith.constant 0 : i32
      %dma_start3A_124 = tpu.memref_slice %arg10[%dma_start3A_122, %dma_start3A_123] : memref<10240x64xf32, #tpu.memory_space<vmem_shared>> -> memref<10240x64xf32, #tpu.memory_space<vmem_shared>>
      tpu.enqueue_indirect_dma source(%arg14 : memref<200x64xf32, #tpu.memory_space<vmem>>) target(%dma_start3A_124 : memref<10240x64xf32, #tpu.memory_space<vmem_shared>>) offsets(%dma_start3A_121 : memref<200xi32, #tpu.memory_space<vmem>>) semaphore(%run_scoped3A_118 : memref<!tpu.dma_semaphore, #tpu.memory_space<semaphore_mem>>) {add = true}
      %dma_wait3A_125 = arith.constant 0 : i32
      %dma_wait3A_126 = tpu.memref_slice %arg13[%run_scoped3A, %dma_wait3A_125] : memref<50x200xi32, #tpu.memory_space<vmem>> -> memref<1x200xi32, #tpu.memory_space<vmem>>
      %dma_wait3A_127 = tpu.memref_squeeze %dma_wait3A_126 : memref<1x200xi32, #tpu.memory_space<vmem>> -> memref<200xi32, #tpu.memory_space<vmem>>
      %dma_wait3A_128 = arith.constant 0 : i32
      %dma_wait3A_129 = arith.constant 0 : i32
      %dma_wait3A_130 = tpu.memref_slice %arg10[%dma_wait3A_128, %dma_wait3A_129] : memref<10240x64xf32, #tpu.memory_space<vmem_shared>> -> memref<10240x64xf32, #tpu.memory_space<vmem_shared>>
      tpu.wait_indirect_dma semaphore(%run_scoped3A_118 : memref<!tpu.dma_semaphore, #tpu.memory_space<semaphore_mem>>) src(%arg14 : memref<200x64xf32, #tpu.memory_space<vmem>>) dst(%dma_wait3A_130 : memref<10240x64xf32, #tpu.memory_space<vmem_shared>>)
      tpu.yield
    }) : () -> ()
    %run_scoped3A_32 = arith.constant 48 : i32
    "tpu.region"() ({
      %run_scoped3A_118 = tpu.sem_alloc : memref<!tpu.dma_semaphore, #tpu.memory_space<semaphore_mem>>
      %dma_start3A_119 = arith.constant 0 : i32
      %dma_start3A_120 = tpu.memref_slice %arg13[%run_scoped3A_32, %dma_start3A_119] : memref<50x200xi32, #tpu.memory_space<vmem>> -> memref<1x200xi32, #tpu.memory_space<vmem>>
      %dma_start3A_121 = tpu.memref_squeeze %dma_start3A_120 : memref<1x200xi32, #tpu.memory_space<vmem>> -> memref<200xi32, #tpu.memory_space<vmem>>
      %dma_start3A_122 = arith.constant 0 : i32
      %dma_start3A_123 = arith.constant 0 : i32
      %dma_start3A_124 = tpu.memref_slice %arg11[%dma_start3A_122, %dma_start3A_123] : memref<10240x16xf32, #tpu.memory_space<vmem_shared>> -> memref<10240x16xf32, #tpu.memory_space<vmem_shared>>
      tpu.enqueue_indirect_dma source(%arg17 : memref<200x16xf32, #tpu.memory_space<vmem>>) target(%dma_start3A_124 : memref<10240x16xf32, #tpu.memory_space<vmem_shared>>) offsets(%dma_start3A_121 : memref<200xi32, #tpu.memory_space<vmem>>) semaphore(%run_scoped3A_118 : memref<!tpu.dma_semaphore, #tpu.memory_space<semaphore_mem>>) {add = true}
      %dma_wait3A_125 = arith.constant 0 : i32
      %dma_wait3A_126 = tpu.memref_slice %arg13[%run_scoped3A_32, %dma_wait3A_125] : memref<50x200xi32, #tpu.memory_space<vmem>> -> memref<1x200xi32, #tpu.memory_space<vmem>>
      %dma_wait3A_127 = tpu.memref_squeeze %dma_wait3A_126 : memref<1x200xi32, #tpu.memory_space<vmem>> -> memref<200xi32, #tpu.memory_space<vmem>>
      %dma_wait3A_128 = arith.constant 0 : i32
      %dma_wait3A_129 = arith.constant 0 : i32
      %dma_wait3A_130 = tpu.memref_slice %arg11[%dma_wait3A_128, %dma_wait3A_129] : memref<10240x16xf32, #tpu.memory_space<vmem_shared>> -> memref<10240x16xf32, #tpu.memory_space<vmem_shared>>
      tpu.wait_indirect_dma semaphore(%run_scoped3A_118 : memref<!tpu.dma_semaphore, #tpu.memory_space<semaphore_mem>>) src(%arg17 : memref<200x16xf32, #tpu.memory_space<vmem>>) dst(%dma_wait3A_130 : memref<10240x16xf32, #tpu.memory_space<vmem_shared>>)
      tpu.yield
    }) : () -> ()
    %dma_wait3A_33 = arith.constant 49 : i32
    %dma_wait3A_34 = arith.constant 0 : i32
    %dma_wait3A_35 = tpu.memref_slice %arg12[%dma_wait3A_33, %dma_wait3A_34] : memref<50x200xi32, #tpu.memory_space<vmem>> -> memref<1x200xi32, #tpu.memory_space<vmem>>
    %dma_wait3A_36 = tpu.memref_squeeze %dma_wait3A_35 : memref<1x200xi32, #tpu.memory_space<vmem>> -> memref<200xi32, #tpu.memory_space<vmem>>
    %dma_wait3A_37 = arith.constant 0 : i32
    %dma_wait3A_38 = arith.constant 0 : i32
    %dma_wait3A_39 = tpu.memref_slice %arg2[%dma_wait3A_37, %dma_wait3A_38] : memref<40000x64xf32, #tpu.memory_space<hbm>> -> memref<40000x64xf32, #tpu.memory_space<hbm>>
    tpu.wait_indirect_dma semaphore(%arg20 : memref<!tpu.dma_semaphore, #tpu.memory_space<semaphore_mem>>) src(%dma_wait3A_39 : memref<40000x64xf32, #tpu.memory_space<hbm>>) dst(%arg15 : memref<200x64xf32, #tpu.memory_space<vmem>>)
    %run_scoped3A_40 = arith.constant 49 : i32
    "tpu.region"() ({
      %run_scoped3A_118 = tpu.sem_alloc : memref<!tpu.dma_semaphore, #tpu.memory_space<semaphore_mem>>
      %dma_start3A_119 = arith.constant 0 : i32
      %dma_start3A_120 = tpu.memref_slice %arg13[%run_scoped3A_40, %dma_start3A_119] : memref<50x200xi32, #tpu.memory_space<vmem>> -> memref<1x200xi32, #tpu.memory_space<vmem>>
      %dma_start3A_121 = tpu.memref_squeeze %dma_start3A_120 : memref<1x200xi32, #tpu.memory_space<vmem>> -> memref<200xi32, #tpu.memory_space<vmem>>
      %dma_start3A_122 = arith.constant 0 : i32
      %dma_start3A_123 = arith.constant 0 : i32
      %dma_start3A_124 = tpu.memref_slice %arg10[%dma_start3A_122, %dma_start3A_123] : memref<10240x64xf32, #tpu.memory_space<vmem_shared>> -> memref<10240x64xf32, #tpu.memory_space<vmem_shared>>
      tpu.enqueue_indirect_dma source(%arg15 : memref<200x64xf32, #tpu.memory_space<vmem>>) target(%dma_start3A_124 : memref<10240x64xf32, #tpu.memory_space<vmem_shared>>) offsets(%dma_start3A_121 : memref<200xi32, #tpu.memory_space<vmem>>) semaphore(%run_scoped3A_118 : memref<!tpu.dma_semaphore, #tpu.memory_space<semaphore_mem>>) {add = true}
      %dma_wait3A_125 = arith.constant 0 : i32
      %dma_wait3A_126 = tpu.memref_slice %arg13[%run_scoped3A_40, %dma_wait3A_125] : memref<50x200xi32, #tpu.memory_space<vmem>> -> memref<1x200xi32, #tpu.memory_space<vmem>>
      %dma_wait3A_127 = tpu.memref_squeeze %dma_wait3A_126 : memref<1x200xi32, #tpu.memory_space<vmem>> -> memref<200xi32, #tpu.memory_space<vmem>>
      %dma_wait3A_128 = arith.constant 0 : i32
      %dma_wait3A_129 = arith.constant 0 : i32
      %dma_wait3A_130 = tpu.memref_slice %arg10[%dma_wait3A_128, %dma_wait3A_129] : memref<10240x64xf32, #tpu.memory_space<vmem_shared>> -> memref<10240x64xf32, #tpu.memory_space<vmem_shared>>
      tpu.wait_indirect_dma semaphore(%run_scoped3A_118 : memref<!tpu.dma_semaphore, #tpu.memory_space<semaphore_mem>>) src(%arg15 : memref<200x64xf32, #tpu.memory_space<vmem>>) dst(%dma_wait3A_130 : memref<10240x64xf32, #tpu.memory_space<vmem_shared>>)
      tpu.yield
    }) : () -> ()
    %run_scoped3A_41 = arith.constant 49 : i32
    "tpu.region"() ({
      %run_scoped3A_118 = tpu.sem_alloc : memref<!tpu.dma_semaphore, #tpu.memory_space<semaphore_mem>>
      %dma_start3A_119 = arith.constant 0 : i32
      %dma_start3A_120 = tpu.memref_slice %arg13[%run_scoped3A_41, %dma_start3A_119] : memref<50x200xi32, #tpu.memory_space<vmem>> -> memref<1x200xi32, #tpu.memory_space<vmem>>
      %dma_start3A_121 = tpu.memref_squeeze %dma_start3A_120 : memref<1x200xi32, #tpu.memory_space<vmem>> -> memref<200xi32, #tpu.memory_space<vmem>>
      %dma_start3A_122 = arith.constant 0 : i32
      %dma_start3A_123 = arith.constant 0 : i32
      %dma_start3A_124 = tpu.memref_slice %arg11[%dma_start3A_122, %dma_start3A_123] : memref<10240x16xf32, #tpu.memory_space<vmem_shared>> -> memref<10240x16xf32, #tpu.memory_space<vmem_shared>>
      tpu.enqueue_indirect_dma source(%arg17 : memref<200x16xf32, #tpu.memory_space<vmem>>) target(%dma_start3A_124 : memref<10240x16xf32, #tpu.memory_space<vmem_shared>>) offsets(%dma_start3A_121 : memref<200xi32, #tpu.memory_space<vmem>>) semaphore(%run_scoped3A_118 : memref<!tpu.dma_semaphore, #tpu.memory_space<semaphore_mem>>) {add = true}
      %dma_wait3A_125 = arith.constant 0 : i32
      %dma_wait3A_126 = tpu.memref_slice %arg13[%run_scoped3A_41, %dma_wait3A_125] : memref<50x200xi32, #tpu.memory_space<vmem>> -> memref<1x200xi32, #tpu.memory_space<vmem>>
      %dma_wait3A_127 = tpu.memref_squeeze %dma_wait3A_126 : memref<1x200xi32, #tpu.memory_space<vmem>> -> memref<200xi32, #tpu.memory_space<vmem>>
      %dma_wait3A_128 = arith.constant 0 : i32
      %dma_wait3A_129 = arith.constant 0 : i32
      %dma_wait3A_130 = tpu.memref_slice %arg11[%dma_wait3A_128, %dma_wait3A_129] : memref<10240x16xf32, #tpu.memory_space<vmem_shared>> -> memref<10240x16xf32, #tpu.memory_space<vmem_shared>>
      tpu.wait_indirect_dma semaphore(%run_scoped3A_118 : memref<!tpu.dma_semaphore, #tpu.memory_space<semaphore_mem>>) src(%arg17 : memref<200x16xf32, #tpu.memory_space<vmem>>) dst(%dma_wait3A_130 : memref<10240x16xf32, #tpu.memory_space<vmem_shared>>)
      tpu.yield
    }) : () -> ()
    %barrier3A_42 = arith.constant 0 : index
    tpu.barrier barrier_id(%barrier3A_42)
    %eq3A_43 = arith.constant 0 : i32
    %eq3A_44 = arith.cmpi eq, %arg0, %eq3A_43 : i32
    %convert_element_type3A_45 = arith.extui %eq3A_44 : i1 to i32
    %cond3A_46 = arith.constant 0 : i32
    %cond3A_47 = arith.cmpi ne, %convert_element_type3A_45, %cond3A_46 : i32
    scf.if %cond3A_47 {
      "tpu.region"() ({
        %run_scoped3A_118 = tpu.sem_alloc : memref<!tpu.dma_semaphore, #tpu.memory_space<semaphore_mem>>
        %dma_start3A_119 = arith.constant 0 : i32
        %dma_start3A_120 = tpu.memref_slice %arg8[%mul3A_0, %dma_start3A_119] : memref<10240x256xf32, #tpu.memory_space<hbm>> -> memref<640x64xf32, #tpu.memory_space<hbm>>
        %dma_start3A_121 = arith.constant 0 : i32
        %dma_start3A_122 = tpu.memref_slice %arg10[%mul3A_0, %dma_start3A_121] : memref<10240x64xf32, #tpu.memory_space<vmem_shared>> -> memref<640x64xf32, #tpu.memory_space<vmem_shared>>
        tpu.enqueue_dma source(%dma_start3A_122 : memref<640x64xf32, #tpu.memory_space<vmem_shared>>) target(%dma_start3A_120 : memref<640x64xf32, #tpu.memory_space<hbm>>) target_semaphore(%run_scoped3A_118 : memref<!tpu.dma_semaphore, #tpu.memory_space<semaphore_mem>>)
        %dma_wait3A_123 = arith.constant 0 : i32
        %dma_wait3A_124 = tpu.memref_slice %arg8[%mul3A_0, %dma_wait3A_123] : memref<10240x256xf32, #tpu.memory_space<hbm>> -> memref<640x64xf32, #tpu.memory_space<hbm>>
        %dma_wait3A_125 = arith.constant 0 : i32
        %dma_wait3A_126 = tpu.memref_slice %arg10[%mul3A_0, %dma_wait3A_125] : memref<10240x64xf32, #tpu.memory_space<vmem_shared>> -> memref<640x64xf32, #tpu.memory_space<vmem_shared>>
        tpu.wait_dma2 semaphore(%run_scoped3A_118 : memref<!tpu.dma_semaphore, #tpu.memory_space<semaphore_mem>>) src(%dma_wait3A_126 : memref<640x64xf32, #tpu.memory_space<vmem_shared>>) dst(%dma_wait3A_124 : memref<640x64xf32, #tpu.memory_space<hbm>>)
        tpu.yield
      }) : () -> ()
    } else {
    }
    %eq3A_48 = arith.constant 1 : i32
    %eq3A_49 = arith.cmpi eq, %arg0, %eq3A_48 : i32
    %convert_element_type3A_50 = arith.extui %eq3A_49 : i1 to i32
    %cond3A_51 = arith.constant 0 : i32
    %cond3A_52 = arith.cmpi ne, %convert_element_type3A_50, %cond3A_51 : i32
    scf.if %cond3A_52 {
      "tpu.region"() ({
        %run_scoped3A_118 = tpu.sem_alloc : memref<!tpu.dma_semaphore, #tpu.memory_space<semaphore_mem>>
        %dma_start3A_119 = arith.constant 128 : i32
        %dma_start3A_120 = tpu.memref_slice %arg8[%mul3A_0, %dma_start3A_119] : memref<10240x256xf32, #tpu.memory_space<hbm>> -> memref<640x64xf32, #tpu.memory_space<hbm>>
        %dma_start3A_121 = arith.constant 0 : i32
        %dma_start3A_122 = tpu.memref_slice %arg10[%mul3A_0, %dma_start3A_121] : memref<10240x64xf32, #tpu.memory_space<vmem_shared>> -> memref<640x64xf32, #tpu.memory_space<vmem_shared>>
        tpu.enqueue_dma source(%dma_start3A_122 : memref<640x64xf32, #tpu.memory_space<vmem_shared>>) target(%dma_start3A_120 : memref<640x64xf32, #tpu.memory_space<hbm>>) target_semaphore(%run_scoped3A_118 : memref<!tpu.dma_semaphore, #tpu.memory_space<semaphore_mem>>)
        %dma_wait3A_123 = arith.constant 128 : i32
        %dma_wait3A_124 = tpu.memref_slice %arg8[%mul3A_0, %dma_wait3A_123] : memref<10240x256xf32, #tpu.memory_space<hbm>> -> memref<640x64xf32, #tpu.memory_space<hbm>>
        %dma_wait3A_125 = arith.constant 0 : i32
        %dma_wait3A_126 = tpu.memref_slice %arg10[%mul3A_0, %dma_wait3A_125] : memref<10240x64xf32, #tpu.memory_space<vmem_shared>> -> memref<640x64xf32, #tpu.memory_space<vmem_shared>>
        tpu.wait_dma2 semaphore(%run_scoped3A_118 : memref<!tpu.dma_semaphore, #tpu.memory_space<semaphore_mem>>) src(%dma_wait3A_126 : memref<640x64xf32, #tpu.memory_space<vmem_shared>>) dst(%dma_wait3A_124 : memref<640x64xf32, #tpu.memory_space<hbm>>)
        tpu.yield
      }) : () -> ()
    } else {
    }
    %barrier3A_53 = arith.constant 0 : index
    tpu.barrier barrier_id(%barrier3A_53)
    "tpu.region"() ({
      %run_scoped3A_118 = tpu.sem_alloc : memref<!tpu.dma_semaphore, #tpu.memory_space<semaphore_mem>>
      %dma_start3A_119 = arith.constant 0 : i32
      %dma_start3A_120 = tpu.memref_slice %arg10[%mul3A_0, %dma_start3A_119] : memref<10240x64xf32, #tpu.memory_space<vmem_shared>> -> memref<640x64xf32, #tpu.memory_space<vmem_shared>>
      tpu.enqueue_dma source(%arg5 : memref<640x64xf32, #tpu.memory_space<hbm>>) target(%dma_start3A_120 : memref<640x64xf32, #tpu.memory_space<vmem_shared>>) target_semaphore(%run_scoped3A_118 : memref<!tpu.dma_semaphore, #tpu.memory_space<semaphore_mem>>)
      %dma_wait3A_121 = arith.constant 0 : i32
      %dma_wait3A_122 = tpu.memref_slice %arg10[%mul3A_0, %dma_wait3A_121] : memref<10240x64xf32, #tpu.memory_space<vmem_shared>> -> memref<640x64xf32, #tpu.memory_space<vmem_shared>>
      tpu.wait_dma2 semaphore(%run_scoped3A_118 : memref<!tpu.dma_semaphore, #tpu.memory_space<semaphore_mem>>) src(%arg5 : memref<640x64xf32, #tpu.memory_space<hbm>>) dst(%dma_wait3A_122 : memref<640x64xf32, #tpu.memory_space<vmem_shared>>)
      tpu.yield
    }) : () -> ()
    %eq3A_54 = arith.constant 0 : i32
    %eq3A_55 = arith.cmpi eq, %arg0, %eq3A_54 : i32
    %convert_element_type3A_56 = arith.extui %eq3A_55 : i1 to i32
    %cond3A_57 = arith.constant 0 : i32
    %cond3A_58 = arith.cmpi ne, %convert_element_type3A_56, %cond3A_57 : i32
    scf.if %cond3A_58 {
      %run_scoped3A_118 = arith.constant 1 : i32
      "tpu.region"() ({
        %run_scoped3A_119 = tpu.sem_alloc : memref<!tpu.dma_semaphore, #tpu.memory_space<semaphore_mem>>
        %dma_start3A_120 = arith.constant 0 : i32
        %dma_start3A_121 = arith.constant 0 : i32
        %dma_start3A_122 = tpu.memref_slice %arg3[%run_scoped3A_118, %arg1, %dma_start3A_120, %dma_start3A_121] : memref<4x16x50x200xi32, #tpu.memory_space<hbm>> -> memref<1x1x50x200xi32, #tpu.memory_space<hbm>>
        %dma_start3A_123 = tpu.memref_squeeze %dma_start3A_122 : memref<1x1x50x200xi32, #tpu.memory_space<hbm>> -> memref<50x200xi32, #tpu.memory_space<hbm>>
        %dma_start3A_124 = arith.constant 0 : i32
        %dma_start3A_125 = arith.constant 0 : i32
        %dma_start3A_126 = tpu.memref_slice %arg3[%run_scoped3A_118, %arg1, %dma_start3A_124, %dma_start3A_125] : memref<4x16x50x200xi32, #tpu.memory_space<hbm>> -> memref<1x1x50x200xi32, #tpu.memory_space<hbm>>
        %dma_start3A_127 = tpu.memref_squeeze %dma_start3A_126 : memref<1x1x50x200xi32, #tpu.memory_space<hbm>> -> memref<50x200xi32, #tpu.memory_space<hbm>>
        tpu.enqueue_dma source(%dma_start3A_127 : memref<50x200xi32, #tpu.memory_space<hbm>>) target(%arg12 : memref<50x200xi32, #tpu.memory_space<vmem>>) target_semaphore(%run_scoped3A_119 : memref<!tpu.dma_semaphore, #tpu.memory_space<semaphore_mem>>)
        %dma_wait3A_128 = arith.constant 0 : i32
        %dma_wait3A_129 = arith.constant 0 : i32
        %dma_wait3A_130 = tpu.memref_slice %arg3[%run_scoped3A_118, %arg1, %dma_wait3A_128, %dma_wait3A_129] : memref<4x16x50x200xi32, #tpu.memory_space<hbm>> -> memref<1x1x50x200xi32, #tpu.memory_space<hbm>>
        %dma_wait3A_131 = tpu.memref_squeeze %dma_wait3A_130 : memref<1x1x50x200xi32, #tpu.memory_space<hbm>> -> memref<50x200xi32, #tpu.memory_space<hbm>>
        %dma_wait3A_132 = arith.constant 0 : i32
        %dma_wait3A_133 = arith.constant 0 : i32
        %dma_wait3A_134 = tpu.memref_slice %arg3[%run_scoped3A_118, %arg1, %dma_wait3A_132, %dma_wait3A_133] : memref<4x16x50x200xi32, #tpu.memory_space<hbm>> -> memref<1x1x50x200xi32, #tpu.memory_space<hbm>>
        %dma_wait3A_135 = tpu.memref_squeeze %dma_wait3A_134 : memref<1x1x50x200xi32, #tpu.memory_space<hbm>> -> memref<50x200xi32, #tpu.memory_space<hbm>>
        tpu.wait_dma2 semaphore(%run_scoped3A_119 : memref<!tpu.dma_semaphore, #tpu.memory_space<semaphore_mem>>) src(%dma_wait3A_135 : memref<50x200xi32, #tpu.memory_space<hbm>>) dst(%arg12 : memref<50x200xi32, #tpu.memory_space<vmem>>)
        tpu.yield
      }) : () -> ()
    } else {
    }
    %eq3A_59 = arith.constant 1 : i32
    %eq3A_60 = arith.cmpi eq, %arg0, %eq3A_59 : i32
    %convert_element_type3A_61 = arith.extui %eq3A_60 : i1 to i32
    %cond3A_62 = arith.constant 0 : i32
    %cond3A_63 = arith.cmpi ne, %convert_element_type3A_61, %cond3A_62 : i32
    scf.if %cond3A_63 {
      %run_scoped3A_118 = arith.constant 3 : i32
      "tpu.region"() ({
        %run_scoped3A_119 = tpu.sem_alloc : memref<!tpu.dma_semaphore, #tpu.memory_space<semaphore_mem>>
        %dma_start3A_120 = arith.constant 0 : i32
        %dma_start3A_121 = arith.constant 0 : i32
        %dma_start3A_122 = tpu.memref_slice %arg3[%run_scoped3A_118, %arg1, %dma_start3A_120, %dma_start3A_121] : memref<4x16x50x200xi32, #tpu.memory_space<hbm>> -> memref<1x1x50x200xi32, #tpu.memory_space<hbm>>
        %dma_start3A_123 = tpu.memref_squeeze %dma_start3A_122 : memref<1x1x50x200xi32, #tpu.memory_space<hbm>> -> memref<50x200xi32, #tpu.memory_space<hbm>>
        %dma_start3A_124 = arith.constant 0 : i32
        %dma_start3A_125 = arith.constant 0 : i32
        %dma_start3A_126 = tpu.memref_slice %arg3[%run_scoped3A_118, %arg1, %dma_start3A_124, %dma_start3A_125] : memref<4x16x50x200xi32, #tpu.memory_space<hbm>> -> memref<1x1x50x200xi32, #tpu.memory_space<hbm>>
        %dma_start3A_127 = tpu.memref_squeeze %dma_start3A_126 : memref<1x1x50x200xi32, #tpu.memory_space<hbm>> -> memref<50x200xi32, #tpu.memory_space<hbm>>
        tpu.enqueue_dma source(%dma_start3A_127 : memref<50x200xi32, #tpu.memory_space<hbm>>) target(%arg12 : memref<50x200xi32, #tpu.memory_space<vmem>>) target_semaphore(%run_scoped3A_119 : memref<!tpu.dma_semaphore, #tpu.memory_space<semaphore_mem>>)
        %dma_wait3A_128 = arith.constant 0 : i32
        %dma_wait3A_129 = arith.constant 0 : i32
        %dma_wait3A_130 = tpu.memref_slice %arg3[%run_scoped3A_118, %arg1, %dma_wait3A_128, %dma_wait3A_129] : memref<4x16x50x200xi32, #tpu.memory_space<hbm>> -> memref<1x1x50x200xi32, #tpu.memory_space<hbm>>
        %dma_wait3A_131 = tpu.memref_squeeze %dma_wait3A_130 : memref<1x1x50x200xi32, #tpu.memory_space<hbm>> -> memref<50x200xi32, #tpu.memory_space<hbm>>
        %dma_wait3A_132 = arith.constant 0 : i32
        %dma_wait3A_133 = arith.constant 0 : i32
        %dma_wait3A_134 = tpu.memref_slice %arg3[%run_scoped3A_118, %arg1, %dma_wait3A_132, %dma_wait3A_133] : memref<4x16x50x200xi32, #tpu.memory_space<hbm>> -> memref<1x1x50x200xi32, #tpu.memory_space<hbm>>
        %dma_wait3A_135 = tpu.memref_squeeze %dma_wait3A_134 : memref<1x1x50x200xi32, #tpu.memory_space<hbm>> -> memref<50x200xi32, #tpu.memory_space<hbm>>
        tpu.wait_dma2 semaphore(%run_scoped3A_119 : memref<!tpu.dma_semaphore, #tpu.memory_space<semaphore_mem>>) src(%dma_wait3A_135 : memref<50x200xi32, #tpu.memory_space<hbm>>) dst(%arg12 : memref<50x200xi32, #tpu.memory_space<vmem>>)
        tpu.yield
      }) : () -> ()
    } else {
    }
    %barrier3A_64 = arith.constant 0 : index
    tpu.barrier barrier_id(%barrier3A_64)
    %dma_start3A_65 = arith.constant 0 : i32
    %dma_start3A_66 = arith.constant 0 : i32
    %dma_start3A_67 = tpu.memref_slice %arg12[%dma_start3A_65, %dma_start3A_66] : memref<50x200xi32, #tpu.memory_space<vmem>> -> memref<1x200xi32, #tpu.memory_space<vmem>>
    %dma_start3A_68 = tpu.memref_squeeze %dma_start3A_67 : memref<1x200xi32, #tpu.memory_space<vmem>> -> memref<200xi32, #tpu.memory_space<vmem>>
    %dma_start3A_69 = arith.constant 0 : i32
    %dma_start3A_70 = arith.constant 0 : i32
    %dma_start3A_71 = tpu.memref_slice %arg2[%dma_start3A_69, %dma_start3A_70] : memref<40000x64xf32, #tpu.memory_space<hbm>> -> memref<40000x64xf32, #tpu.memory_space<hbm>>
    tpu.enqueue_indirect_dma source(%dma_start3A_71 : memref<40000x64xf32, #tpu.memory_space<hbm>>) target(%arg14 : memref<200x64xf32, #tpu.memory_space<vmem>>) offsets(%dma_start3A_68 : memref<200xi32, #tpu.memory_space<vmem>>) semaphore(%arg19 : memref<!tpu.dma_semaphore, #tpu.memory_space<semaphore_mem>>)
    %dma_start3A_72 = arith.constant 1 : i32
    %dma_start3A_73 = arith.constant 0 : i32
    %dma_start3A_74 = tpu.memref_slice %arg12[%dma_start3A_72, %dma_start3A_73] : memref<50x200xi32, #tpu.memory_space<vmem>> -> memref<1x200xi32, #tpu.memory_space<vmem>>
    %dma_start3A_75 = tpu.memref_squeeze %dma_start3A_74 : memref<1x200xi32, #tpu.memory_space<vmem>> -> memref<200xi32, #tpu.memory_space<vmem>>
    %dma_start3A_76 = arith.constant 0 : i32
    %dma_start3A_77 = arith.constant 0 : i32
    %dma_start3A_78 = tpu.memref_slice %arg2[%dma_start3A_76, %dma_start3A_77] : memref<40000x64xf32, #tpu.memory_space<hbm>> -> memref<40000x64xf32, #tpu.memory_space<hbm>>
    tpu.enqueue_indirect_dma source(%dma_start3A_78 : memref<40000x64xf32, #tpu.memory_space<hbm>>) target(%arg15 : memref<200x64xf32, #tpu.memory_space<vmem>>) offsets(%dma_start3A_75 : memref<200xi32, #tpu.memory_space<vmem>>) semaphore(%arg20 : memref<!tpu.dma_semaphore, #tpu.memory_space<semaphore_mem>>)
    %scan3A_79 = arith.constant 0 : i32
    %scan3A_80 = arith.constant 0 : i32
    %scan3A_81 = arith.constant 16 : i32
    %scan3A_82 = arith.addi %scan3A_80, %scan3A_81 : i32
    %scan3A_83 = arith.constant 1 : i32
    scf.for %scan3A_118 = %scan3A_80 to %scan3A_82 step %scan3A_83  : i32 {
      %mul3A_119 = arith.constant 3 : i32
      %mul3A_120 = arith.muli %mul3A_119, %scan3A_118 : i32
      %add3A = arith.constant 0 : i32
      %add3A_121 = arith.addi %mul3A_120, %add3A : i32
      %dma_wait3A_122 = arith.constant 0 : i32
      %dma_wait3A_123 = tpu.memref_slice %arg12[%add3A_121, %dma_wait3A_122] : memref<50x200xi32, #tpu.memory_space<vmem>> -> memref<1x200xi32, #tpu.memory_space<vmem>>
      %dma_wait3A_124 = tpu.memref_squeeze %dma_wait3A_123 : memref<1x200xi32, #tpu.memory_space<vmem>> -> memref<200xi32, #tpu.memory_space<vmem>>
      %dma_wait3A_125 = arith.constant 0 : i32
      %dma_wait3A_126 = arith.constant 0 : i32
      %dma_wait3A_127 = tpu.memref_slice %arg2[%dma_wait3A_125, %dma_wait3A_126] : memref<40000x64xf32, #tpu.memory_space<hbm>> -> memref<40000x64xf32, #tpu.memory_space<hbm>>
      tpu.wait_indirect_dma semaphore(%arg19 : memref<!tpu.dma_semaphore, #tpu.memory_space<semaphore_mem>>) src(%dma_wait3A_127 : memref<40000x64xf32, #tpu.memory_space<hbm>>) dst(%arg14 : memref<200x64xf32, #tpu.memory_space<vmem>>)
      %add3A_128 = arith.constant 2 : i32
      %add3A_129 = arith.addi %add3A_121, %add3A_128 : i32
      %dma_start3A_130 = arith.constant 0 : i32
      %dma_start3A_131 = tpu.memref_slice %arg12[%add3A_129, %dma_start3A_130] : memref<50x200xi32, #tpu.memory_space<vmem>> -> memref<1x200xi32, #tpu.memory_space<vmem>>
      %dma_start3A_132 = tpu.memref_squeeze %dma_start3A_131 : memref<1x200xi32, #tpu.memory_space<vmem>> -> memref<200xi32, #tpu.memory_space<vmem>>
      %dma_start3A_133 = arith.constant 0 : i32
      %dma_start3A_134 = arith.constant 0 : i32
      %dma_start3A_135 = tpu.memref_slice %arg2[%dma_start3A_133, %dma_start3A_134] : memref<40000x64xf32, #tpu.memory_space<hbm>> -> memref<40000x64xf32, #tpu.memory_space<hbm>>
      tpu.enqueue_indirect_dma source(%dma_start3A_135 : memref<40000x64xf32, #tpu.memory_space<hbm>>) target(%arg16 : memref<200x64xf32, #tpu.memory_space<vmem>>) offsets(%dma_start3A_132 : memref<200xi32, #tpu.memory_space<vmem>>) semaphore(%arg21 : memref<!tpu.dma_semaphore, #tpu.memory_space<semaphore_mem>>)
      "tpu.region"() ({
        %run_scoped3A_172 = tpu.sem_alloc : memref<!tpu.dma_semaphore, #tpu.memory_space<semaphore_mem>>
        %dma_start3A_173 = arith.constant 0 : i32
        %dma_start3A_174 = tpu.memref_slice %arg13[%add3A_121, %dma_start3A_173] : memref<50x200xi32, #tpu.memory_space<vmem>> -> memref<1x200xi32, #tpu.memory_space<vmem>>
        %dma_start3A_175 = tpu.memref_squeeze %dma_start3A_174 : memref<1x200xi32, #tpu.memory_space<vmem>> -> memref<200xi32, #tpu.memory_space<vmem>>
        %dma_start3A_176 = arith.constant 0 : i32
        %dma_start3A_177 = arith.constant 0 : i32
        %dma_start3A_178 = tpu.memref_slice %arg10[%dma_start3A_176, %dma_start3A_177] : memref<10240x64xf32, #tpu.memory_space<vmem_shared>> -> memref<10240x64xf32, #tpu.memory_space<vmem_shared>>
        tpu.enqueue_indirect_dma source(%arg14 : memref<200x64xf32, #tpu.memory_space<vmem>>) target(%dma_start3A_178 : memref<10240x64xf32, #tpu.memory_space<vmem_shared>>) offsets(%dma_start3A_175 : memref<200xi32, #tpu.memory_space<vmem>>) semaphore(%run_scoped3A_172 : memref<!tpu.dma_semaphore, #tpu.memory_space<semaphore_mem>>) {add = true}
        %dma_wait3A_179 = arith.constant 0 : i32
        %dma_wait3A_180 = tpu.memref_slice %arg13[%add3A_121, %dma_wait3A_179] : memref<50x200xi32, #tpu.memory_space<vmem>> -> memref<1x200xi32, #tpu.memory_space<vmem>>
        %dma_wait3A_181 = tpu.memref_squeeze %dma_wait3A_180 : memref<1x200xi32, #tpu.memory_space<vmem>> -> memref<200xi32, #tpu.memory_space<vmem>>
        %dma_wait3A_182 = arith.constant 0 : i32
        %dma_wait3A_183 = arith.constant 0 : i32
        %dma_wait3A_184 = tpu.memref_slice %arg10[%dma_wait3A_182, %dma_wait3A_183] : memref<10240x64xf32, #tpu.memory_space<vmem_shared>> -> memref<10240x64xf32, #tpu.memory_space<vmem_shared>>
        tpu.wait_indirect_dma semaphore(%run_scoped3A_172 : memref<!tpu.dma_semaphore, #tpu.memory_space<semaphore_mem>>) src(%arg14 : memref<200x64xf32, #tpu.memory_space<vmem>>) dst(%dma_wait3A_184 : memref<10240x64xf32, #tpu.memory_space<vmem_shared>>)
        tpu.yield
      }) : () -> ()
      %mul3A_136 = arith.constant 3 : i32
      %mul3A_137 = arith.muli %mul3A_136, %scan3A_118 : i32
      %add3A_138 = arith.constant 1 : i32
      %add3A_139 = arith.addi %mul3A_137, %add3A_138 : i32
      %dma_wait3A_140 = arith.constant 0 : i32
      %dma_wait3A_141 = tpu.memref_slice %arg12[%add3A_139, %dma_wait3A_140] : memref<50x200xi32, #tpu.memory_space<vmem>> -> memref<1x200xi32, #tpu.memory_space<vmem>>
      %dma_wait3A_142 = tpu.memref_squeeze %dma_wait3A_141 : memref<1x200xi32, #tpu.memory_space<vmem>> -> memref<200xi32, #tpu.memory_space<vmem>>
      %dma_wait3A_143 = arith.constant 0 : i32
      %dma_wait3A_144 = arith.constant 0 : i32
      %dma_wait3A_145 = tpu.memref_slice %arg2[%dma_wait3A_143, %dma_wait3A_144] : memref<40000x64xf32, #tpu.memory_space<hbm>> -> memref<40000x64xf32, #tpu.memory_space<hbm>>
      tpu.wait_indirect_dma semaphore(%arg20 : memref<!tpu.dma_semaphore, #tpu.memory_space<semaphore_mem>>) src(%dma_wait3A_145 : memref<40000x64xf32, #tpu.memory_space<hbm>>) dst(%arg15 : memref<200x64xf32, #tpu.memory_space<vmem>>)
      %add3A_146 = arith.constant 2 : i32
      %add3A_147 = arith.addi %add3A_139, %add3A_146 : i32
      %dma_start3A_148 = arith.constant 0 : i32
      %dma_start3A_149 = tpu.memref_slice %arg12[%add3A_147, %dma_start3A_148] : memref<50x200xi32, #tpu.memory_space<vmem>> -> memref<1x200xi32, #tpu.memory_space<vmem>>
      %dma_start3A_150 = tpu.memref_squeeze %dma_start3A_149 : memref<1x200xi32, #tpu.memory_space<vmem>> -> memref<200xi32, #tpu.memory_space<vmem>>
      %dma_start3A_151 = arith.constant 0 : i32
      %dma_start3A_152 = arith.constant 0 : i32
      %dma_start3A_153 = tpu.memref_slice %arg2[%dma_start3A_151, %dma_start3A_152] : memref<40000x64xf32, #tpu.memory_space<hbm>> -> memref<40000x64xf32, #tpu.memory_space<hbm>>
      tpu.enqueue_indirect_dma source(%dma_start3A_153 : memref<40000x64xf32, #tpu.memory_space<hbm>>) target(%arg14 : memref<200x64xf32, #tpu.memory_space<vmem>>) offsets(%dma_start3A_150 : memref<200xi32, #tpu.memory_space<vmem>>) semaphore(%arg19 : memref<!tpu.dma_semaphore, #tpu.memory_space<semaphore_mem>>)
      "tpu.region"() ({
        %run_scoped3A_172 = tpu.sem_alloc : memref<!tpu.dma_semaphore, #tpu.memory_space<semaphore_mem>>
        %dma_start3A_173 = arith.constant 0 : i32
        %dma_start3A_174 = tpu.memref_slice %arg13[%add3A_139, %dma_start3A_173] : memref<50x200xi32, #tpu.memory_space<vmem>> -> memref<1x200xi32, #tpu.memory_space<vmem>>
        %dma_start3A_175 = tpu.memref_squeeze %dma_start3A_174 : memref<1x200xi32, #tpu.memory_space<vmem>> -> memref<200xi32, #tpu.memory_space<vmem>>
        %dma_start3A_176 = arith.constant 0 : i32
        %dma_start3A_177 = arith.constant 0 : i32
        %dma_start3A_178 = tpu.memref_slice %arg10[%dma_start3A_176, %dma_start3A_177] : memref<10240x64xf32, #tpu.memory_space<vmem_shared>> -> memref<10240x64xf32, #tpu.memory_space<vmem_shared>>
        tpu.enqueue_indirect_dma source(%arg15 : memref<200x64xf32, #tpu.memory_space<vmem>>) target(%dma_start3A_178 : memref<10240x64xf32, #tpu.memory_space<vmem_shared>>) offsets(%dma_start3A_175 : memref<200xi32, #tpu.memory_space<vmem>>) semaphore(%run_scoped3A_172 : memref<!tpu.dma_semaphore, #tpu.memory_space<semaphore_mem>>) {add = true}
        %dma_wait3A_179 = arith.constant 0 : i32
        %dma_wait3A_180 = tpu.memref_slice %arg13[%add3A_139, %dma_wait3A_179] : memref<50x200xi32, #tpu.memory_space<vmem>> -> memref<1x200xi32, #tpu.memory_space<vmem>>
        %dma_wait3A_181 = tpu.memref_squeeze %dma_wait3A_180 : memref<1x200xi32, #tpu.memory_space<vmem>> -> memref<200xi32, #tpu.memory_space<vmem>>
        %dma_wait3A_182 = arith.constant 0 : i32
        %dma_wait3A_183 = arith.constant 0 : i32
        %dma_wait3A_184 = tpu.memref_slice %arg10[%dma_wait3A_182, %dma_wait3A_183] : memref<10240x64xf32, #tpu.memory_space<vmem_shared>> -> memref<10240x64xf32, #tpu.memory_space<vmem_shared>>
        tpu.wait_indirect_dma semaphore(%run_scoped3A_172 : memref<!tpu.dma_semaphore, #tpu.memory_space<semaphore_mem>>) src(%arg15 : memref<200x64xf32, #tpu.memory_space<vmem>>) dst(%dma_wait3A_184 : memref<10240x64xf32, #tpu.memory_space<vmem_shared>>)
        tpu.yield
      }) : () -> ()
      %mul3A_154 = arith.constant 3 : i32
      %mul3A_155 = arith.muli %mul3A_154, %scan3A_118 : i32
      %add3A_156 = arith.constant 2 : i32
      %add3A_157 = arith.addi %mul3A_155, %add3A_156 : i32
      %dma_wait3A_158 = arith.constant 0 : i32
      %dma_wait3A_159 = tpu.memref_slice %arg12[%add3A_157, %dma_wait3A_158] : memref<50x200xi32, #tpu.memory_space<vmem>> -> memref<1x200xi32, #tpu.memory_space<vmem>>
      %dma_wait3A_160 = tpu.memref_squeeze %dma_wait3A_159 : memref<1x200xi32, #tpu.memory_space<vmem>> -> memref<200xi32, #tpu.memory_space<vmem>>
      %dma_wait3A_161 = arith.constant 0 : i32
      %dma_wait3A_162 = arith.constant 0 : i32
      %dma_wait3A_163 = tpu.memref_slice %arg2[%dma_wait3A_161, %dma_wait3A_162] : memref<40000x64xf32, #tpu.memory_space<hbm>> -> memref<40000x64xf32, #tpu.memory_space<hbm>>
      tpu.wait_indirect_dma semaphore(%arg21 : memref<!tpu.dma_semaphore, #tpu.memory_space<semaphore_mem>>) src(%dma_wait3A_163 : memref<40000x64xf32, #tpu.memory_space<hbm>>) dst(%arg16 : memref<200x64xf32, #tpu.memory_space<vmem>>)
      %add3A_164 = arith.constant 2 : i32
      %add3A_165 = arith.addi %add3A_157, %add3A_164 : i32
      %dma_start3A_166 = arith.constant 0 : i32
      %dma_start3A_167 = tpu.memref_slice %arg12[%add3A_165, %dma_start3A_166] : memref<50x200xi32, #tpu.memory_space<vmem>> -> memref<1x200xi32, #tpu.memory_space<vmem>>
      %dma_start3A_168 = tpu.memref_squeeze %dma_start3A_167 : memref<1x200xi32, #tpu.memory_space<vmem>> -> memref<200xi32, #tpu.memory_space<vmem>>
      %dma_start3A_169 = arith.constant 0 : i32
      %dma_start3A_170 = arith.constant 0 : i32
      %dma_start3A_171 = tpu.memref_slice %arg2[%dma_start3A_169, %dma_start3A_170] : memref<40000x64xf32, #tpu.memory_space<hbm>> -> memref<40000x64xf32, #tpu.memory_space<hbm>>
      tpu.enqueue_indirect_dma source(%dma_start3A_171 : memref<40000x64xf32, #tpu.memory_space<hbm>>) target(%arg15 : memref<200x64xf32, #tpu.memory_space<vmem>>) offsets(%dma_start3A_168 : memref<200xi32, #tpu.memory_space<vmem>>) semaphore(%arg20 : memref<!tpu.dma_semaphore, #tpu.memory_space<semaphore_mem>>)
      "tpu.region"() ({
        %run_scoped3A_172 = tpu.sem_alloc : memref<!tpu.dma_semaphore, #tpu.memory_space<semaphore_mem>>
        %dma_start3A_173 = arith.constant 0 : i32
        %dma_start3A_174 = tpu.memref_slice %arg13[%add3A_157, %dma_start3A_173] : memref<50x200xi32, #tpu.memory_space<vmem>> -> memref<1x200xi32, #tpu.memory_space<vmem>>
        %dma_start3A_175 = tpu.memref_squeeze %dma_start3A_174 : memref<1x200xi32, #tpu.memory_space<vmem>> -> memref<200xi32, #tpu.memory_space<vmem>>
        %dma_start3A_176 = arith.constant 0 : i32
        %dma_start3A_177 = arith.constant 0 : i32
        %dma_start3A_178 = tpu.memref_slice %arg10[%dma_start3A_176, %dma_start3A_177] : memref<10240x64xf32, #tpu.memory_space<vmem_shared>> -> memref<10240x64xf32, #tpu.memory_space<vmem_shared>>
        tpu.enqueue_indirect_dma source(%arg16 : memref<200x64xf32, #tpu.memory_space<vmem>>) target(%dma_start3A_178 : memref<10240x64xf32, #tpu.memory_space<vmem_shared>>) offsets(%dma_start3A_175 : memref<200xi32, #tpu.memory_space<vmem>>) semaphore(%run_scoped3A_172 : memref<!tpu.dma_semaphore, #tpu.memory_space<semaphore_mem>>) {add = true}
        %dma_wait3A_179 = arith.constant 0 : i32
        %dma_wait3A_180 = tpu.memref_slice %arg13[%add3A_157, %dma_wait3A_179] : memref<50x200xi32, #tpu.memory_space<vmem>> -> memref<1x200xi32, #tpu.memory_space<vmem>>
        %dma_wait3A_181 = tpu.memref_squeeze %dma_wait3A_180 : memref<1x200xi32, #tpu.memory_space<vmem>> -> memref<200xi32, #tpu.memory_space<vmem>>
        %dma_wait3A_182 = arith.constant 0 : i32
        %dma_wait3A_183 = arith.constant 0 : i32
        %dma_wait3A_184 = tpu.memref_slice %arg10[%dma_wait3A_182, %dma_wait3A_183] : memref<10240x64xf32, #tpu.memory_space<vmem_shared>> -> memref<10240x64xf32, #tpu.memory_space<vmem_shared>>
        tpu.wait_indirect_dma semaphore(%run_scoped3A_172 : memref<!tpu.dma_semaphore, #tpu.memory_space<semaphore_mem>>) src(%arg16 : memref<200x64xf32, #tpu.memory_space<vmem>>) dst(%dma_wait3A_184 : memref<10240x64xf32, #tpu.memory_space<vmem_shared>>)
        tpu.yield
      }) : () -> ()
    }
    %scan3A_84 = arith.constant 16 : i32
    %dma_wait3A_85 = arith.constant 48 : i32
    %dma_wait3A_86 = arith.constant 0 : i32
    %dma_wait3A_87 = tpu.memref_slice %arg12[%dma_wait3A_85, %dma_wait3A_86] : memref<50x200xi32, #tpu.memory_space<vmem>> -> memref<1x200xi32, #tpu.memory_space<vmem>>
    %dma_wait3A_88 = tpu.memref_squeeze %dma_wait3A_87 : memref<1x200xi32, #tpu.memory_space<vmem>> -> memref<200xi32, #tpu.memory_space<vmem>>
    %dma_wait3A_89 = arith.constant 0 : i32
    %dma_wait3A_90 = arith.constant 0 : i32
    %dma_wait3A_91 = tpu.memref_slice %arg2[%dma_wait3A_89, %dma_wait3A_90] : memref<40000x64xf32, #tpu.memory_space<hbm>> -> memref<40000x64xf32, #tpu.memory_space<hbm>>
    tpu.wait_indirect_dma semaphore(%arg19 : memref<!tpu.dma_semaphore, #tpu.memory_space<semaphore_mem>>) src(%dma_wait3A_91 : memref<40000x64xf32, #tpu.memory_space<hbm>>) dst(%arg14 : memref<200x64xf32, #tpu.memory_space<vmem>>)
    %run_scoped3A_92 = arith.constant 48 : i32
    "tpu.region"() ({
      %run_scoped3A_118 = tpu.sem_alloc : memref<!tpu.dma_semaphore, #tpu.memory_space<semaphore_mem>>
      %dma_start3A_119 = arith.constant 0 : i32
      %dma_start3A_120 = tpu.memref_slice %arg13[%run_scoped3A_92, %dma_start3A_119] : memref<50x200xi32, #tpu.memory_space<vmem>> -> memref<1x200xi32, #tpu.memory_space<vmem>>
      %dma_start3A_121 = tpu.memref_squeeze %dma_start3A_120 : memref<1x200xi32, #tpu.memory_space<vmem>> -> memref<200xi32, #tpu.memory_space<vmem>>
      %dma_start3A_122 = arith.constant 0 : i32
      %dma_start3A_123 = arith.constant 0 : i32
      %dma_start3A_124 = tpu.memref_slice %arg10[%dma_start3A_122, %dma_start3A_123] : memref<10240x64xf32, #tpu.memory_space<vmem_shared>> -> memref<10240x64xf32, #tpu.memory_space<vmem_shared>>
      tpu.enqueue_indirect_dma source(%arg14 : memref<200x64xf32, #tpu.memory_space<vmem>>) target(%dma_start3A_124 : memref<10240x64xf32, #tpu.memory_space<vmem_shared>>) offsets(%dma_start3A_121 : memref<200xi32, #tpu.memory_space<vmem>>) semaphore(%run_scoped3A_118 : memref<!tpu.dma_semaphore, #tpu.memory_space<semaphore_mem>>) {add = true}
      %dma_wait3A_125 = arith.constant 0 : i32
      %dma_wait3A_126 = tpu.memref_slice %arg13[%run_scoped3A_92, %dma_wait3A_125] : memref<50x200xi32, #tpu.memory_space<vmem>> -> memref<1x200xi32, #tpu.memory_space<vmem>>
      %dma_wait3A_127 = tpu.memref_squeeze %dma_wait3A_126 : memref<1x200xi32, #tpu.memory_space<vmem>> -> memref<200xi32, #tpu.memory_space<vmem>>
      %dma_wait3A_128 = arith.constant 0 : i32
      %dma_wait3A_129 = arith.constant 0 : i32
      %dma_wait3A_130 = tpu.memref_slice %arg10[%dma_wait3A_128, %dma_wait3A_129] : memref<10240x64xf32, #tpu.memory_space<vmem_shared>> -> memref<10240x64xf32, #tpu.memory_space<vmem_shared>>
      tpu.wait_indirect_dma semaphore(%run_scoped3A_118 : memref<!tpu.dma_semaphore, #tpu.memory_space<semaphore_mem>>) src(%arg14 : memref<200x64xf32, #tpu.memory_space<vmem>>) dst(%dma_wait3A_130 : memref<10240x64xf32, #tpu.memory_space<vmem_shared>>)
      tpu.yield
    }) : () -> ()
    %dma_wait3A_93 = arith.constant 49 : i32
    %dma_wait3A_94 = arith.constant 0 : i32
    %dma_wait3A_95 = tpu.memref_slice %arg12[%dma_wait3A_93, %dma_wait3A_94] : memref<50x200xi32, #tpu.memory_space<vmem>> -> memref<1x200xi32, #tpu.memory_space<vmem>>
    %dma_wait3A_96 = tpu.memref_squeeze %dma_wait3A_95 : memref<1x200xi32, #tpu.memory_space<vmem>> -> memref<200xi32, #tpu.memory_space<vmem>>
    %dma_wait3A_97 = arith.constant 0 : i32
    %dma_wait3A_98 = arith.constant 0 : i32
    %dma_wait3A_99 = tpu.memref_slice %arg2[%dma_wait3A_97, %dma_wait3A_98] : memref<40000x64xf32, #tpu.memory_space<hbm>> -> memref<40000x64xf32, #tpu.memory_space<hbm>>
    tpu.wait_indirect_dma semaphore(%arg20 : memref<!tpu.dma_semaphore, #tpu.memory_space<semaphore_mem>>) src(%dma_wait3A_99 : memref<40000x64xf32, #tpu.memory_space<hbm>>) dst(%arg15 : memref<200x64xf32, #tpu.memory_space<vmem>>)
    %run_scoped3A_100 = arith.constant 49 : i32
    "tpu.region"() ({
      %run_scoped3A_118 = tpu.sem_alloc : memref<!tpu.dma_semaphore, #tpu.memory_space<semaphore_mem>>
      %dma_start3A_119 = arith.constant 0 : i32
      %dma_start3A_120 = tpu.memref_slice %arg13[%run_scoped3A_100, %dma_start3A_119] : memref<50x200xi32, #tpu.memory_space<vmem>> -> memref<1x200xi32, #tpu.memory_space<vmem>>
      %dma_start3A_121 = tpu.memref_squeeze %dma_start3A_120 : memref<1x200xi32, #tpu.memory_space<vmem>> -> memref<200xi32, #tpu.memory_space<vmem>>
      %dma_start3A_122 = arith.constant 0 : i32
      %dma_start3A_123 = arith.constant 0 : i32
      %dma_start3A_124 = tpu.memref_slice %arg10[%dma_start3A_122, %dma_start3A_123] : memref<10240x64xf32, #tpu.memory_space<vmem_shared>> -> memref<10240x64xf32, #tpu.memory_space<vmem_shared>>
      tpu.enqueue_indirect_dma source(%arg15 : memref<200x64xf32, #tpu.memory_space<vmem>>) target(%dma_start3A_124 : memref<10240x64xf32, #tpu.memory_space<vmem_shared>>) offsets(%dma_start3A_121 : memref<200xi32, #tpu.memory_space<vmem>>) semaphore(%run_scoped3A_118 : memref<!tpu.dma_semaphore, #tpu.memory_space<semaphore_mem>>) {add = true}
      %dma_wait3A_125 = arith.constant 0 : i32
      %dma_wait3A_126 = tpu.memref_slice %arg13[%run_scoped3A_100, %dma_wait3A_125] : memref<50x200xi32, #tpu.memory_space<vmem>> -> memref<1x200xi32, #tpu.memory_space<vmem>>
      %dma_wait3A_127 = tpu.memref_squeeze %dma_wait3A_126 : memref<1x200xi32, #tpu.memory_space<vmem>> -> memref<200xi32, #tpu.memory_space<vmem>>
      %dma_wait3A_128 = arith.constant 0 : i32
      %dma_wait3A_129 = arith.constant 0 : i32
      %dma_wait3A_130 = tpu.memref_slice %arg10[%dma_wait3A_128, %dma_wait3A_129] : memref<10240x64xf32, #tpu.memory_space<vmem_shared>> -> memref<10240x64xf32, #tpu.memory_space<vmem_shared>>
      tpu.wait_indirect_dma semaphore(%run_scoped3A_118 : memref<!tpu.dma_semaphore, #tpu.memory_space<semaphore_mem>>) src(%arg15 : memref<200x64xf32, #tpu.memory_space<vmem>>) dst(%dma_wait3A_130 : memref<10240x64xf32, #tpu.memory_space<vmem_shared>>)
      tpu.yield
    }) : () -> ()
    %barrier3A_101 = arith.constant 0 : index
    tpu.barrier barrier_id(%barrier3A_101)
    %eq3A_102 = arith.constant 0 : i32
    %eq3A_103 = arith.cmpi eq, %arg0, %eq3A_102 : i32
    %convert_element_type3A_104 = arith.extui %eq3A_103 : i1 to i32
    %cond3A_105 = arith.constant 0 : i32
    %cond3A_106 = arith.cmpi ne, %convert_element_type3A_104, %cond3A_105 : i32
    scf.if %cond3A_106 {
      "tpu.region"() ({
        %run_scoped3A_118 = tpu.sem_alloc : memref<!tpu.dma_semaphore, #tpu.memory_space<semaphore_mem>>
        %dma_start3A_119 = arith.constant 64 : i32
        %dma_start3A_120 = tpu.memref_slice %arg8[%mul3A_0, %dma_start3A_119] : memref<10240x256xf32, #tpu.memory_space<hbm>> -> memref<640x64xf32, #tpu.memory_space<hbm>>
        %dma_start3A_121 = arith.constant 0 : i32
        %dma_start3A_122 = tpu.memref_slice %arg10[%mul3A_0, %dma_start3A_121] : memref<10240x64xf32, #tpu.memory_space<vmem_shared>> -> memref<640x64xf32, #tpu.memory_space<vmem_shared>>
        tpu.enqueue_dma source(%dma_start3A_122 : memref<640x64xf32, #tpu.memory_space<vmem_shared>>) target(%dma_start3A_120 : memref<640x64xf32, #tpu.memory_space<hbm>>) target_semaphore(%run_scoped3A_118 : memref<!tpu.dma_semaphore, #tpu.memory_space<semaphore_mem>>)
        %dma_wait3A_123 = arith.constant 64 : i32
        %dma_wait3A_124 = tpu.memref_slice %arg8[%mul3A_0, %dma_wait3A_123] : memref<10240x256xf32, #tpu.memory_space<hbm>> -> memref<640x64xf32, #tpu.memory_space<hbm>>
        %dma_wait3A_125 = arith.constant 0 : i32
        %dma_wait3A_126 = tpu.memref_slice %arg10[%mul3A_0, %dma_wait3A_125] : memref<10240x64xf32, #tpu.memory_space<vmem_shared>> -> memref<640x64xf32, #tpu.memory_space<vmem_shared>>
        tpu.wait_dma2 semaphore(%run_scoped3A_118 : memref<!tpu.dma_semaphore, #tpu.memory_space<semaphore_mem>>) src(%dma_wait3A_126 : memref<640x64xf32, #tpu.memory_space<vmem_shared>>) dst(%dma_wait3A_124 : memref<640x64xf32, #tpu.memory_space<hbm>>)
        tpu.yield
      }) : () -> ()
    } else {
    }
    %eq3A_107 = arith.constant 1 : i32
    %eq3A_108 = arith.cmpi eq, %arg0, %eq3A_107 : i32
    %convert_element_type3A_109 = arith.extui %eq3A_108 : i1 to i32
    %cond3A_110 = arith.constant 0 : i32
    %cond3A_111 = arith.cmpi ne, %convert_element_type3A_109, %cond3A_110 : i32
    scf.if %cond3A_111 {
      "tpu.region"() ({
        %run_scoped3A_118 = tpu.sem_alloc : memref<!tpu.dma_semaphore, #tpu.memory_space<semaphore_mem>>
        %dma_start3A_119 = arith.constant 192 : i32
        %dma_start3A_120 = tpu.memref_slice %arg8[%mul3A_0, %dma_start3A_119] : memref<10240x256xf32, #tpu.memory_space<hbm>> -> memref<640x64xf32, #tpu.memory_space<hbm>>
        %dma_start3A_121 = arith.constant 0 : i32
        %dma_start3A_122 = tpu.memref_slice %arg10[%mul3A_0, %dma_start3A_121] : memref<10240x64xf32, #tpu.memory_space<vmem_shared>> -> memref<640x64xf32, #tpu.memory_space<vmem_shared>>
        tpu.enqueue_dma source(%dma_start3A_122 : memref<640x64xf32, #tpu.memory_space<vmem_shared>>) target(%dma_start3A_120 : memref<640x64xf32, #tpu.memory_space<hbm>>) target_semaphore(%run_scoped3A_118 : memref<!tpu.dma_semaphore, #tpu.memory_space<semaphore_mem>>)
        %dma_wait3A_123 = arith.constant 192 : i32
        %dma_wait3A_124 = tpu.memref_slice %arg8[%mul3A_0, %dma_wait3A_123] : memref<10240x256xf32, #tpu.memory_space<hbm>> -> memref<640x64xf32, #tpu.memory_space<hbm>>
        %dma_wait3A_125 = arith.constant 0 : i32
        %dma_wait3A_126 = tpu.memref_slice %arg10[%mul3A_0, %dma_wait3A_125] : memref<10240x64xf32, #tpu.memory_space<vmem_shared>> -> memref<640x64xf32, #tpu.memory_space<vmem_shared>>
        tpu.wait_dma2 semaphore(%run_scoped3A_118 : memref<!tpu.dma_semaphore, #tpu.memory_space<semaphore_mem>>) src(%dma_wait3A_126 : memref<640x64xf32, #tpu.memory_space<vmem_shared>>) dst(%dma_wait3A_124 : memref<640x64xf32, #tpu.memory_space<hbm>>)
        tpu.yield
      }) : () -> ()
    } else {
    }
    %barrier3A_112 = arith.constant 0 : index
    tpu.barrier barrier_id(%barrier3A_112)
    %eq3A_113 = arith.constant 0 : i32
    %eq3A_114 = arith.cmpi eq, %arg0, %eq3A_113 : i32
    %convert_element_type3A_115 = arith.extui %eq3A_114 : i1 to i32
    %cond3A_116 = arith.constant 0 : i32
    %cond3A_117 = arith.cmpi ne, %convert_element_type3A_115, %cond3A_116 : i32
    scf.if %cond3A_117 {
      "tpu.region"() ({
        %run_scoped3A_124 = tpu.sem_alloc : memref<!tpu.dma_semaphore, #tpu.memory_space<semaphore_mem>>
        %dma_start3A_125 = arith.constant 0 : i32
        %dma_start3A_126 = tpu.memref_slice %arg11[%mul3A_0, %dma_start3A_125] : memref<10240x16xf32, #tpu.memory_space<vmem_shared>> -> memref<640x16xf32, #tpu.memory_space<vmem_shared>>
        %dma_start3A_127 = arith.constant 0 : i32
        %dma_start3A_128 = tpu.memref_slice %arg11[%mul3A_0, %dma_start3A_127] : memref<10240x16xf32, #tpu.memory_space<vmem_shared>> -> memref<640x16xf32, #tpu.memory_space<vmem_shared>>
        tpu.enqueue_dma source(%dma_start3A_128 : memref<640x16xf32, #tpu.memory_space<vmem_shared>>) target(%arg18 : memref<640x16xf32, #tpu.memory_space<vmem>>) target_semaphore(%run_scoped3A_124 : memref<!tpu.dma_semaphore, #tpu.memory_space<semaphore_mem>>)
        %dma_wait3A_129 = arith.constant 0 : i32
        %dma_wait3A_130 = tpu.memref_slice %arg11[%mul3A_0, %dma_wait3A_129] : memref<10240x16xf32, #tpu.memory_space<vmem_shared>> -> memref<640x16xf32, #tpu.memory_space<vmem_shared>>
        %dma_wait3A_131 = arith.constant 0 : i32
        %dma_wait3A_132 = tpu.memref_slice %arg11[%mul3A_0, %dma_wait3A_131] : memref<10240x16xf32, #tpu.memory_space<vmem_shared>> -> memref<640x16xf32, #tpu.memory_space<vmem_shared>>
        tpu.wait_dma2 semaphore(%run_scoped3A_124 : memref<!tpu.dma_semaphore, #tpu.memory_space<semaphore_mem>>) src(%dma_wait3A_132 : memref<640x16xf32, #tpu.memory_space<vmem_shared>>) dst(%arg18 : memref<640x16xf32, #tpu.memory_space<vmem>>)
        tpu.yield
      }) : () -> ()
      %scan3A_118 = arith.constant 0 : i32
      %scan3A_119 = arith.constant 0 : i32
      %scan3A_120 = arith.constant 640 : i32
      %scan3A_121 = arith.addi %scan3A_119, %scan3A_120 : i32
      %scan3A_122 = arith.constant 1 : i32
      scf.for %scan3A_124 = %scan3A_119 to %scan3A_121 step %scan3A_122  : i32 {
        %get3A = arith.index_cast %scan3A_124 : i32 to index
        %get3A_125 = arith.constant 0 : index
        %get3A_126 = tpu.vector_load %arg18[%get3A, %get3A_125] {strides = array<i32>} : memref<640x16xf32, #tpu.memory_space<vmem>>, vector<1x16xf32>,
        %get3A_127 = vector.shape_cast %get3A_126 : vector<1x16xf32> to vector<16xf32>
        %max3A = arith.constant 1.000000e+00 : f32
        %max3A_128 = vector.broadcast %max3A : f32 to vector<16xf32>
        %max3A_129 = arith.maximumf %get3A_127, %max3A_128 : vector<16xf32>
        %div3A = arith.constant 1.000000e+00 : f32
        %div3A_130 = vector.broadcast %div3A : f32 to vector<16xf32>
        %div3A_131 = arith.divf %div3A_130, %max3A_129 : vector<16xf32>
        %swap3A = arith.index_cast %scan3A_124 : i32 to index
        %swap3A_132 = arith.constant 0 : index
        %swap3A_133 = tpu.vector_load %arg18[%swap3A, %swap3A_132] {strides = array<i32>} : memref<640x16xf32, #tpu.memory_space<vmem>>, vector<1x16xf32>,
        %swap3A_134 = vector.shape_cast %swap3A_133 : vector<1x16xf32> to vector<16xf32>
        %swap3A_135 = vector.shape_cast %div3A_131 : vector<16xf32> to vector<1x16xf32>
        tpu.vector_store %arg18[%swap3A, %swap3A_132], %swap3A_135 {strides = array<i32>} : memref<640x16xf32, #tpu.memory_space<vmem>>, vector<1x16xf32>,
      }
      %scan3A_123 = arith.constant 640 : i32
      "tpu.region"() ({
        %run_scoped3A_124 = tpu.sem_alloc : memref<!tpu.dma_semaphore, #tpu.memory_space<semaphore_mem>>
        %dma_start3A_125 = arith.constant 0 : i32
        %dma_start3A_126 = tpu.memref_slice %arg9[%mul3A_0, %dma_start3A_125] : memref<10240x16xf32, #tpu.memory_space<hbm>> -> memref<640x16xf32, #tpu.memory_space<hbm>>
        %dma_start3A_127 = arith.constant 0 : i32
        %dma_start3A_128 = tpu.memref_slice %arg9[%mul3A_0, %dma_start3A_127] : memref<10240x16xf32, #tpu.memory_space<hbm>> -> memref<640x16xf32, #tpu.memory_space<hbm>>
        tpu.enqueue_dma source(%arg18 : memref<640x16xf32, #tpu.memory_space<vmem>>) target(%dma_start3A_128 : memref<640x16xf32, #tpu.memory_space<hbm>>) target_semaphore(%run_scoped3A_124 : memref<!tpu.dma_semaphore, #tpu.memory_space<semaphore_mem>>)
        %dma_wait3A_129 = arith.constant 0 : i32
        %dma_wait3A_130 = tpu.memref_slice %arg9[%mul3A_0, %dma_wait3A_129] : memref<10240x16xf32, #tpu.memory_space<hbm>> -> memref<640x16xf32, #tpu.memory_space<hbm>>
        %dma_wait3A_131 = arith.constant 0 : i32
        %dma_wait3A_132 = tpu.memref_slice %arg9[%mul3A_0, %dma_wait3A_131] : memref<10240x16xf32, #tpu.memory_space<hbm>> -> memref<640x16xf32, #tpu.memory_space<hbm>>
        tpu.wait_dma2 semaphore(%run_scoped3A_124 : memref<!tpu.dma_semaphore, #tpu.memory_space<semaphore_mem>>) src(%arg18 : memref<640x16xf32, #tpu.memory_space<vmem>>) dst(%dma_wait3A_132 : memref<640x16xf32, #tpu.memory_space<hbm>>)
        tpu.yield
      }) : () -> ()
    } else {
    }
    return
  }
}

#map = affine_map<(d0, d1) -> (0, 0)>
#map1 = affine_map<(d0, d1) -> (0, 0, 0, 0)>
#map2 = affine_map<(d0, d1) -> (0, 0, 0)>
#map3 = affine_map<(d0, d1) -> (0)>
module attributes {stable_mosaic.version = 14 : i64} {
  func.func @_agg2_body(%arg0: i32, %arg1: i32, %arg2: memref<20480x32xf32, #tpu.memory_space<hbm>>, %arg3: memref<2x16x25x400xi32, #tpu.memory_space<hbm>>, %arg4: memref<16x25x400xi32, #tpu.memory_space<hbm>>, %arg5: memref<10240x16xf32, #tpu.memory_space<hbm>>, %arg6: memref<64xf32, #tpu.memory_space<hbm>>, %arg7: memref<640x32xf32, #tpu.memory_space<hbm>>, %arg8: memref<10000x64xf32, #tpu.memory_space<hbm>>, %arg9: memref<10240x32xf32, #tpu.memory_space<vmem_shared>>, %arg10: memref<25x400xi32, #tpu.memory_space<vmem>>, %arg11: memref<25x400xi32, #tpu.memory_space<vmem>>, %arg12: memref<400x32xf32, #tpu.memory_space<vmem>>, %arg13: memref<400x32xf32, #tpu.memory_space<vmem>>, %arg14: memref<400x32xf32, #tpu.memory_space<vmem>>, %arg15: memref<640x16xf32, #tpu.memory_space<vmem>>, %arg16: memref<640x32xf32, #tpu.memory_space<vmem>>, %arg17: memref<64xf32, #tpu.memory_space<vmem>>, %arg18: memref<!tpu.dma_semaphore, #tpu.memory_space<semaphore_mem>>, %arg19: memref<!tpu.dma_semaphore, #tpu.memory_space<semaphore_mem>>, %arg20: memref<!tpu.dma_semaphore, #tpu.memory_space<semaphore_mem>>) attributes {dimension_semantics = [#tpu.dimension_semantics<core_parallel>, #tpu.dimension_semantics<subcore_parallel>], iteration_bounds = array<i64: 2, 16>, scalar_prefetch = 0 : i64, scratch_operands = 12 : i64, tpu.core_type = #tpu.core_type<sc_vector_subcore>, window_params = [{transform_indices = #map}, {transform_indices = #map1}, {transform_indices = #map2}, {transform_indices = #map}, {transform_indices = #map3}, {transform_indices = #map}, {transform_indices = #map}]} {
    %mul3A = arith.constant 640 : i32
    %mul3A_0 = arith.muli %arg1, %mul3A : i32
    "tpu.region"() ({
      %run_scoped3A_97 = tpu.sem_alloc : memref<!tpu.dma_semaphore, #tpu.memory_space<semaphore_mem>>
      tpu.enqueue_dma source(%arg6 : memref<64xf32, #tpu.memory_space<hbm>>) target(%arg17 : memref<64xf32, #tpu.memory_space<vmem>>) target_semaphore(%run_scoped3A_97 : memref<!tpu.dma_semaphore, #tpu.memory_space<semaphore_mem>>)
      tpu.wait_dma2 semaphore(%run_scoped3A_97 : memref<!tpu.dma_semaphore, #tpu.memory_space<semaphore_mem>>) src(%arg6 : memref<64xf32, #tpu.memory_space<hbm>>) dst(%arg17 : memref<64xf32, #tpu.memory_space<vmem>>)
      tpu.yield
    }) : () -> ()
    "tpu.region"() ({
      %run_scoped3A_97 = tpu.sem_alloc : memref<!tpu.dma_semaphore, #tpu.memory_space<semaphore_mem>>
      %dma_start3A_98 = arith.constant 0 : i32
      %dma_start3A_99 = arith.constant 0 : i32
      %dma_start3A_100 = tpu.memref_slice %arg4[%arg1, %dma_start3A_98, %dma_start3A_99] : memref<16x25x400xi32, #tpu.memory_space<hbm>> -> memref<1x25x400xi32, #tpu.memory_space<hbm>>
      %dma_start3A_101 = tpu.memref_squeeze %dma_start3A_100 : memref<1x25x400xi32, #tpu.memory_space<hbm>> -> memref<25x400xi32, #tpu.memory_space<hbm>>
      %dma_start3A_102 = arith.constant 0 : i32
      %dma_start3A_103 = arith.constant 0 : i32
      %dma_start3A_104 = tpu.memref_slice %arg4[%arg1, %dma_start3A_102, %dma_start3A_103] : memref<16x25x400xi32, #tpu.memory_space<hbm>> -> memref<1x25x400xi32, #tpu.memory_space<hbm>>
      %dma_start3A_105 = tpu.memref_squeeze %dma_start3A_104 : memref<1x25x400xi32, #tpu.memory_space<hbm>> -> memref<25x400xi32, #tpu.memory_space<hbm>>
      tpu.enqueue_dma source(%dma_start3A_105 : memref<25x400xi32, #tpu.memory_space<hbm>>) target(%arg11 : memref<25x400xi32, #tpu.memory_space<vmem>>) target_semaphore(%run_scoped3A_97 : memref<!tpu.dma_semaphore, #tpu.memory_space<semaphore_mem>>)
      %dma_wait3A_106 = arith.constant 0 : i32
      %dma_wait3A_107 = arith.constant 0 : i32
      %dma_wait3A_108 = tpu.memref_slice %arg4[%arg1, %dma_wait3A_106, %dma_wait3A_107] : memref<16x25x400xi32, #tpu.memory_space<hbm>> -> memref<1x25x400xi32, #tpu.memory_space<hbm>>
      %dma_wait3A_109 = tpu.memref_squeeze %dma_wait3A_108 : memref<1x25x400xi32, #tpu.memory_space<hbm>> -> memref<25x400xi32, #tpu.memory_space<hbm>>
      %dma_wait3A_110 = arith.constant 0 : i32
      %dma_wait3A_111 = arith.constant 0 : i32
      %dma_wait3A_112 = tpu.memref_slice %arg4[%arg1, %dma_wait3A_110, %dma_wait3A_111] : memref<16x25x400xi32, #tpu.memory_space<hbm>> -> memref<1x25x400xi32, #tpu.memory_space<hbm>>
      %dma_wait3A_113 = tpu.memref_squeeze %dma_wait3A_112 : memref<1x25x400xi32, #tpu.memory_space<hbm>> -> memref<25x400xi32, #tpu.memory_space<hbm>>
      tpu.wait_dma2 semaphore(%run_scoped3A_97 : memref<!tpu.dma_semaphore, #tpu.memory_space<semaphore_mem>>) src(%dma_wait3A_113 : memref<25x400xi32, #tpu.memory_space<hbm>>) dst(%arg11 : memref<25x400xi32, #tpu.memory_space<vmem>>)
      tpu.yield
    }) : () -> ()
    "tpu.region"() ({
      %run_scoped3A_97 = tpu.sem_alloc : memref<!tpu.dma_semaphore, #tpu.memory_space<semaphore_mem>>
      %dma_start3A_98 = arith.constant 0 : i32
      %dma_start3A_99 = tpu.memref_slice %arg9[%mul3A_0, %dma_start3A_98] : memref<10240x32xf32, #tpu.memory_space<vmem_shared>> -> memref<640x32xf32, #tpu.memory_space<vmem_shared>>
      tpu.enqueue_dma source(%arg7 : memref<640x32xf32, #tpu.memory_space<hbm>>) target(%dma_start3A_99 : memref<640x32xf32, #tpu.memory_space<vmem_shared>>) target_semaphore(%run_scoped3A_97 : memref<!tpu.dma_semaphore, #tpu.memory_space<semaphore_mem>>)
      %dma_wait3A_100 = arith.constant 0 : i32
      %dma_wait3A_101 = tpu.memref_slice %arg9[%mul3A_0, %dma_wait3A_100] : memref<10240x32xf32, #tpu.memory_space<vmem_shared>> -> memref<640x32xf32, #tpu.memory_space<vmem_shared>>
      tpu.wait_dma2 semaphore(%run_scoped3A_97 : memref<!tpu.dma_semaphore, #tpu.memory_space<semaphore_mem>>) src(%arg7 : memref<640x32xf32, #tpu.memory_space<hbm>>) dst(%dma_wait3A_101 : memref<640x32xf32, #tpu.memory_space<vmem_shared>>)
      tpu.yield
    }) : () -> ()
    %eq3A = arith.constant 0 : i32
    %eq3A_1 = arith.cmpi eq, %arg0, %eq3A : i32
    %convert_element_type3A = arith.extui %eq3A_1 : i1 to i32
    %cond3A = arith.constant 0 : i32
    %cond3A_2 = arith.cmpi ne, %convert_element_type3A, %cond3A : i32
    scf.if %cond3A_2 {
      %run_scoped3A_97 = arith.constant 0 : i32
      "tpu.region"() ({
        %run_scoped3A_98 = tpu.sem_alloc : memref<!tpu.dma_semaphore, #tpu.memory_space<semaphore_mem>>
        %dma_start3A_99 = arith.constant 0 : i32
        %dma_start3A_100 = arith.constant 0 : i32
        %dma_start3A_101 = tpu.memref_slice %arg3[%run_scoped3A_97, %arg1, %dma_start3A_99, %dma_start3A_100] : memref<2x16x25x400xi32, #tpu.memory_space<hbm>> -> memref<1x1x25x400xi32, #tpu.memory_space<hbm>>
        %dma_start3A_102 = tpu.memref_squeeze %dma_start3A_101 : memref<1x1x25x400xi32, #tpu.memory_space<hbm>> -> memref<25x400xi32, #tpu.memory_space<hbm>>
        %dma_start3A_103 = arith.constant 0 : i32
        %dma_start3A_104 = arith.constant 0 : i32
        %dma_start3A_105 = tpu.memref_slice %arg3[%run_scoped3A_97, %arg1, %dma_start3A_103, %dma_start3A_104] : memref<2x16x25x400xi32, #tpu.memory_space<hbm>> -> memref<1x1x25x400xi32, #tpu.memory_space<hbm>>
        %dma_start3A_106 = tpu.memref_squeeze %dma_start3A_105 : memref<1x1x25x400xi32, #tpu.memory_space<hbm>> -> memref<25x400xi32, #tpu.memory_space<hbm>>
        tpu.enqueue_dma source(%dma_start3A_106 : memref<25x400xi32, #tpu.memory_space<hbm>>) target(%arg10 : memref<25x400xi32, #tpu.memory_space<vmem>>) target_semaphore(%run_scoped3A_98 : memref<!tpu.dma_semaphore, #tpu.memory_space<semaphore_mem>>)
        %dma_wait3A_107 = arith.constant 0 : i32
        %dma_wait3A_108 = arith.constant 0 : i32
        %dma_wait3A_109 = tpu.memref_slice %arg3[%run_scoped3A_97, %arg1, %dma_wait3A_107, %dma_wait3A_108] : memref<2x16x25x400xi32, #tpu.memory_space<hbm>> -> memref<1x1x25x400xi32, #tpu.memory_space<hbm>>
        %dma_wait3A_110 = tpu.memref_squeeze %dma_wait3A_109 : memref<1x1x25x400xi32, #tpu.memory_space<hbm>> -> memref<25x400xi32, #tpu.memory_space<hbm>>
        %dma_wait3A_111 = arith.constant 0 : i32
        %dma_wait3A_112 = arith.constant 0 : i32
        %dma_wait3A_113 = tpu.memref_slice %arg3[%run_scoped3A_97, %arg1, %dma_wait3A_111, %dma_wait3A_112] : memref<2x16x25x400xi32, #tpu.memory_space<hbm>> -> memref<1x1x25x400xi32, #tpu.memory_space<hbm>>
        %dma_wait3A_114 = tpu.memref_squeeze %dma_wait3A_113 : memref<1x1x25x400xi32, #tpu.memory_space<hbm>> -> memref<25x400xi32, #tpu.memory_space<hbm>>
        tpu.wait_dma2 semaphore(%run_scoped3A_98 : memref<!tpu.dma_semaphore, #tpu.memory_space<semaphore_mem>>) src(%dma_wait3A_114 : memref<25x400xi32, #tpu.memory_space<hbm>>) dst(%arg10 : memref<25x400xi32, #tpu.memory_space<vmem>>)
        tpu.yield
      }) : () -> ()
    } else {
    }
    %eq3A_3 = arith.constant 1 : i32
    %eq3A_4 = arith.cmpi eq, %arg0, %eq3A_3 : i32
    %convert_element_type3A_5 = arith.extui %eq3A_4 : i1 to i32
    %cond3A_6 = arith.constant 0 : i32
    %cond3A_7 = arith.cmpi ne, %convert_element_type3A_5, %cond3A_6 : i32
    scf.if %cond3A_7 {
      %run_scoped3A_97 = arith.constant 1 : i32
      "tpu.region"() ({
        %run_scoped3A_98 = tpu.sem_alloc : memref<!tpu.dma_semaphore, #tpu.memory_space<semaphore_mem>>
        %dma_start3A_99 = arith.constant 0 : i32
        %dma_start3A_100 = arith.constant 0 : i32
        %dma_start3A_101 = tpu.memref_slice %arg3[%run_scoped3A_97, %arg1, %dma_start3A_99, %dma_start3A_100] : memref<2x16x25x400xi32, #tpu.memory_space<hbm>> -> memref<1x1x25x400xi32, #tpu.memory_space<hbm>>
        %dma_start3A_102 = tpu.memref_squeeze %dma_start3A_101 : memref<1x1x25x400xi32, #tpu.memory_space<hbm>> -> memref<25x400xi32, #tpu.memory_space<hbm>>
        %dma_start3A_103 = arith.constant 0 : i32
        %dma_start3A_104 = arith.constant 0 : i32
        %dma_start3A_105 = tpu.memref_slice %arg3[%run_scoped3A_97, %arg1, %dma_start3A_103, %dma_start3A_104] : memref<2x16x25x400xi32, #tpu.memory_space<hbm>> -> memref<1x1x25x400xi32, #tpu.memory_space<hbm>>
        %dma_start3A_106 = tpu.memref_squeeze %dma_start3A_105 : memref<1x1x25x400xi32, #tpu.memory_space<hbm>> -> memref<25x400xi32, #tpu.memory_space<hbm>>
        tpu.enqueue_dma source(%dma_start3A_106 : memref<25x400xi32, #tpu.memory_space<hbm>>) target(%arg10 : memref<25x400xi32, #tpu.memory_space<vmem>>) target_semaphore(%run_scoped3A_98 : memref<!tpu.dma_semaphore, #tpu.memory_space<semaphore_mem>>)
        %dma_wait3A_107 = arith.constant 0 : i32
        %dma_wait3A_108 = arith.constant 0 : i32
        %dma_wait3A_109 = tpu.memref_slice %arg3[%run_scoped3A_97, %arg1, %dma_wait3A_107, %dma_wait3A_108] : memref<2x16x25x400xi32, #tpu.memory_space<hbm>> -> memref<1x1x25x400xi32, #tpu.memory_space<hbm>>
        %dma_wait3A_110 = tpu.memref_squeeze %dma_wait3A_109 : memref<1x1x25x400xi32, #tpu.memory_space<hbm>> -> memref<25x400xi32, #tpu.memory_space<hbm>>
        %dma_wait3A_111 = arith.constant 0 : i32
        %dma_wait3A_112 = arith.constant 0 : i32
        %dma_wait3A_113 = tpu.memref_slice %arg3[%run_scoped3A_97, %arg1, %dma_wait3A_111, %dma_wait3A_112] : memref<2x16x25x400xi32, #tpu.memory_space<hbm>> -> memref<1x1x25x400xi32, #tpu.memory_space<hbm>>
        %dma_wait3A_114 = tpu.memref_squeeze %dma_wait3A_113 : memref<1x1x25x400xi32, #tpu.memory_space<hbm>> -> memref<25x400xi32, #tpu.memory_space<hbm>>
        tpu.wait_dma2 semaphore(%run_scoped3A_98 : memref<!tpu.dma_semaphore, #tpu.memory_space<semaphore_mem>>) src(%dma_wait3A_114 : memref<25x400xi32, #tpu.memory_space<hbm>>) dst(%arg10 : memref<25x400xi32, #tpu.memory_space<vmem>>)
        tpu.yield
      }) : () -> ()
    } else {
    }
    %barrier3A = arith.constant 0 : index
    tpu.barrier barrier_id(%barrier3A)
    %dma_start3A = arith.constant 0 : i32
    %dma_start3A_8 = arith.constant 0 : i32
    %dma_start3A_9 = tpu.memref_slice %arg10[%dma_start3A, %dma_start3A_8] : memref<25x400xi32, #tpu.memory_space<vmem>> -> memref<1x400xi32, #tpu.memory_space<vmem>>
    %dma_start3A_10 = tpu.memref_squeeze %dma_start3A_9 : memref<1x400xi32, #tpu.memory_space<vmem>> -> memref<400xi32, #tpu.memory_space<vmem>>
    %dma_start3A_11 = arith.constant 0 : i32
    %dma_start3A_12 = arith.constant 0 : i32
    %dma_start3A_13 = tpu.memref_slice %arg2[%dma_start3A_11, %dma_start3A_12] : memref<20480x32xf32, #tpu.memory_space<hbm>> -> memref<20480x32xf32, #tpu.memory_space<hbm>>
    tpu.enqueue_indirect_dma source(%dma_start3A_13 : memref<20480x32xf32, #tpu.memory_space<hbm>>) target(%arg12 : memref<400x32xf32, #tpu.memory_space<vmem>>) offsets(%dma_start3A_10 : memref<400xi32, #tpu.memory_space<vmem>>) semaphore(%arg18 : memref<!tpu.dma_semaphore, #tpu.memory_space<semaphore_mem>>)
    %dma_start3A_14 = arith.constant 1 : i32
    %dma_start3A_15 = arith.constant 0 : i32
    %dma_start3A_16 = tpu.memref_slice %arg10[%dma_start3A_14, %dma_start3A_15] : memref<25x400xi32, #tpu.memory_space<vmem>> -> memref<1x400xi32, #tpu.memory_space<vmem>>
    %dma_start3A_17 = tpu.memref_squeeze %dma_start3A_16 : memref<1x400xi32, #tpu.memory_space<vmem>> -> memref<400xi32, #tpu.memory_space<vmem>>
    %dma_start3A_18 = arith.constant 0 : i32
    %dma_start3A_19 = arith.constant 0 : i32
    %dma_start3A_20 = tpu.memref_slice %arg2[%dma_start3A_18, %dma_start3A_19] : memref<20480x32xf32, #tpu.memory_space<hbm>> -> memref<20480x32xf32, #tpu.memory_space<hbm>>
    tpu.enqueue_indirect_dma source(%dma_start3A_20 : memref<20480x32xf32, #tpu.memory_space<hbm>>) target(%arg13 : memref<400x32xf32, #tpu.memory_space<vmem>>) offsets(%dma_start3A_17 : memref<400xi32, #tpu.memory_space<vmem>>) semaphore(%arg19 : memref<!tpu.dma_semaphore, #tpu.memory_space<semaphore_mem>>)
    %scan3A = arith.constant 0 : i32
    %scan3A_21 = arith.constant 0 : i32
    %scan3A_22 = arith.constant 7 : i32
    %scan3A_23 = arith.addi %scan3A_21, %scan3A_22 : i32
    %scan3A_24 = arith.constant 1 : i32
    scf.for %scan3A_97 = %scan3A_21 to %scan3A_23 step %scan3A_24  : i32 {
      %mul3A_98 = arith.constant 3 : i32
      %mul3A_99 = arith.muli %mul3A_98, %scan3A_97 : i32
      %add3A_100 = arith.constant 0 : i32
      %add3A_101 = arith.addi %mul3A_99, %add3A_100 : i32
      %dma_wait3A_102 = arith.constant 0 : i32
      %dma_wait3A_103 = tpu.memref_slice %arg10[%add3A_101, %dma_wait3A_102] : memref<25x400xi32, #tpu.memory_space<vmem>> -> memref<1x400xi32, #tpu.memory_space<vmem>>
      %dma_wait3A_104 = tpu.memref_squeeze %dma_wait3A_103 : memref<1x400xi32, #tpu.memory_space<vmem>> -> memref<400xi32, #tpu.memory_space<vmem>>
      %dma_wait3A_105 = arith.constant 0 : i32
      %dma_wait3A_106 = arith.constant 0 : i32
      %dma_wait3A_107 = tpu.memref_slice %arg2[%dma_wait3A_105, %dma_wait3A_106] : memref<20480x32xf32, #tpu.memory_space<hbm>> -> memref<20480x32xf32, #tpu.memory_space<hbm>>
      tpu.wait_indirect_dma semaphore(%arg18 : memref<!tpu.dma_semaphore, #tpu.memory_space<semaphore_mem>>) src(%dma_wait3A_107 : memref<20480x32xf32, #tpu.memory_space<hbm>>) dst(%arg12 : memref<400x32xf32, #tpu.memory_space<vmem>>)
      %add3A_108 = arith.constant 2 : i32
      %add3A_109 = arith.addi %add3A_101, %add3A_108 : i32
      %dma_start3A_110 = arith.constant 0 : i32
      %dma_start3A_111 = tpu.memref_slice %arg10[%add3A_109, %dma_start3A_110] : memref<25x400xi32, #tpu.memory_space<vmem>> -> memref<1x400xi32, #tpu.memory_space<vmem>>
      %dma_start3A_112 = tpu.memref_squeeze %dma_start3A_111 : memref<1x400xi32, #tpu.memory_space<vmem>> -> memref<400xi32, #tpu.memory_space<vmem>>
      %dma_start3A_113 = arith.constant 0 : i32
      %dma_start3A_114 = arith.constant 0 : i32
      %dma_start3A_115 = tpu.memref_slice %arg2[%dma_start3A_113, %dma_start3A_114] : memref<20480x32xf32, #tpu.memory_space<hbm>> -> memref<20480x32xf32, #tpu.memory_space<hbm>>
      tpu.enqueue_indirect_dma source(%dma_start3A_115 : memref<20480x32xf32, #tpu.memory_space<hbm>>) target(%arg14 : memref<400x32xf32, #tpu.memory_space<vmem>>) offsets(%dma_start3A_112 : memref<400xi32, #tpu.memory_space<vmem>>) semaphore(%arg20 : memref<!tpu.dma_semaphore, #tpu.memory_space<semaphore_mem>>)
      "tpu.region"() ({
        %run_scoped3A_152 = tpu.sem_alloc : memref<!tpu.dma_semaphore, #tpu.memory_space<semaphore_mem>>
        %dma_start3A_153 = arith.constant 0 : i32
        %dma_start3A_154 = tpu.memref_slice %arg11[%add3A_101, %dma_start3A_153] : memref<25x400xi32, #tpu.memory_space<vmem>> -> memref<1x400xi32, #tpu.memory_space<vmem>>
        %dma_start3A_155 = tpu.memref_squeeze %dma_start3A_154 : memref<1x400xi32, #tpu.memory_space<vmem>> -> memref<400xi32, #tpu.memory_space<vmem>>
        %dma_start3A_156 = arith.constant 0 : i32
        %dma_start3A_157 = arith.constant 0 : i32
        %dma_start3A_158 = tpu.memref_slice %arg9[%dma_start3A_156, %dma_start3A_157] : memref<10240x32xf32, #tpu.memory_space<vmem_shared>> -> memref<10240x32xf32, #tpu.memory_space<vmem_shared>>
        tpu.enqueue_indirect_dma source(%arg12 : memref<400x32xf32, #tpu.memory_space<vmem>>) target(%dma_start3A_158 : memref<10240x32xf32, #tpu.memory_space<vmem_shared>>) offsets(%dma_start3A_155 : memref<400xi32, #tpu.memory_space<vmem>>) semaphore(%run_scoped3A_152 : memref<!tpu.dma_semaphore, #tpu.memory_space<semaphore_mem>>) {add = true}
        %dma_wait3A_159 = arith.constant 0 : i32
        %dma_wait3A_160 = tpu.memref_slice %arg11[%add3A_101, %dma_wait3A_159] : memref<25x400xi32, #tpu.memory_space<vmem>> -> memref<1x400xi32, #tpu.memory_space<vmem>>
        %dma_wait3A_161 = tpu.memref_squeeze %dma_wait3A_160 : memref<1x400xi32, #tpu.memory_space<vmem>> -> memref<400xi32, #tpu.memory_space<vmem>>
        %dma_wait3A_162 = arith.constant 0 : i32
        %dma_wait3A_163 = arith.constant 0 : i32
        %dma_wait3A_164 = tpu.memref_slice %arg9[%dma_wait3A_162, %dma_wait3A_163] : memref<10240x32xf32, #tpu.memory_space<vmem_shared>> -> memref<10240x32xf32, #tpu.memory_space<vmem_shared>>
        tpu.wait_indirect_dma semaphore(%run_scoped3A_152 : memref<!tpu.dma_semaphore, #tpu.memory_space<semaphore_mem>>) src(%arg12 : memref<400x32xf32, #tpu.memory_space<vmem>>) dst(%dma_wait3A_164 : memref<10240x32xf32, #tpu.memory_space<vmem_shared>>)
        tpu.yield
      }) : () -> ()
      %mul3A_116 = arith.constant 3 : i32
      %mul3A_117 = arith.muli %mul3A_116, %scan3A_97 : i32
      %add3A_118 = arith.constant 1 : i32
      %add3A_119 = arith.addi %mul3A_117, %add3A_118 : i32
      %dma_wait3A_120 = arith.constant 0 : i32
      %dma_wait3A_121 = tpu.memref_slice %arg10[%add3A_119, %dma_wait3A_120] : memref<25x400xi32, #tpu.memory_space<vmem>> -> memref<1x400xi32, #tpu.memory_space<vmem>>
      %dma_wait3A_122 = tpu.memref_squeeze %dma_wait3A_121 : memref<1x400xi32, #tpu.memory_space<vmem>> -> memref<400xi32, #tpu.memory_space<vmem>>
      %dma_wait3A_123 = arith.constant 0 : i32
      %dma_wait3A_124 = arith.constant 0 : i32
      %dma_wait3A_125 = tpu.memref_slice %arg2[%dma_wait3A_123, %dma_wait3A_124] : memref<20480x32xf32, #tpu.memory_space<hbm>> -> memref<20480x32xf32, #tpu.memory_space<hbm>>
      tpu.wait_indirect_dma semaphore(%arg19 : memref<!tpu.dma_semaphore, #tpu.memory_space<semaphore_mem>>) src(%dma_wait3A_125 : memref<20480x32xf32, #tpu.memory_space<hbm>>) dst(%arg13 : memref<400x32xf32, #tpu.memory_space<vmem>>)
      %add3A_126 = arith.constant 2 : i32
      %add3A_127 = arith.addi %add3A_119, %add3A_126 : i32
      %dma_start3A_128 = arith.constant 0 : i32
      %dma_start3A_129 = tpu.memref_slice %arg10[%add3A_127, %dma_start3A_128] : memref<25x400xi32, #tpu.memory_space<vmem>> -> memref<1x400xi32, #tpu.memory_space<vmem>>
      %dma_start3A_130 = tpu.memref_squeeze %dma_start3A_129 : memref<1x400xi32, #tpu.memory_space<vmem>> -> memref<400xi32, #tpu.memory_space<vmem>>
      %dma_start3A_131 = arith.constant 0 : i32
      %dma_start3A_132 = arith.constant 0 : i32
      %dma_start3A_133 = tpu.memref_slice %arg2[%dma_start3A_131, %dma_start3A_132] : memref<20480x32xf32, #tpu.memory_space<hbm>> -> memref<20480x32xf32, #tpu.memory_space<hbm>>
      tpu.enqueue_indirect_dma source(%dma_start3A_133 : memref<20480x32xf32, #tpu.memory_space<hbm>>) target(%arg12 : memref<400x32xf32, #tpu.memory_space<vmem>>) offsets(%dma_start3A_130 : memref<400xi32, #tpu.memory_space<vmem>>) semaphore(%arg18 : memref<!tpu.dma_semaphore, #tpu.memory_space<semaphore_mem>>)
      "tpu.region"() ({
        %run_scoped3A_152 = tpu.sem_alloc : memref<!tpu.dma_semaphore, #tpu.memory_space<semaphore_mem>>
        %dma_start3A_153 = arith.constant 0 : i32
        %dma_start3A_154 = tpu.memref_slice %arg11[%add3A_119, %dma_start3A_153] : memref<25x400xi32, #tpu.memory_space<vmem>> -> memref<1x400xi32, #tpu.memory_space<vmem>>
        %dma_start3A_155 = tpu.memref_squeeze %dma_start3A_154 : memref<1x400xi32, #tpu.memory_space<vmem>> -> memref<400xi32, #tpu.memory_space<vmem>>
        %dma_start3A_156 = arith.constant 0 : i32
        %dma_start3A_157 = arith.constant 0 : i32
        %dma_start3A_158 = tpu.memref_slice %arg9[%dma_start3A_156, %dma_start3A_157] : memref<10240x32xf32, #tpu.memory_space<vmem_shared>> -> memref<10240x32xf32, #tpu.memory_space<vmem_shared>>
        tpu.enqueue_indirect_dma source(%arg13 : memref<400x32xf32, #tpu.memory_space<vmem>>) target(%dma_start3A_158 : memref<10240x32xf32, #tpu.memory_space<vmem_shared>>) offsets(%dma_start3A_155 : memref<400xi32, #tpu.memory_space<vmem>>) semaphore(%run_scoped3A_152 : memref<!tpu.dma_semaphore, #tpu.memory_space<semaphore_mem>>) {add = true}
        %dma_wait3A_159 = arith.constant 0 : i32
        %dma_wait3A_160 = tpu.memref_slice %arg11[%add3A_119, %dma_wait3A_159] : memref<25x400xi32, #tpu.memory_space<vmem>> -> memref<1x400xi32, #tpu.memory_space<vmem>>
        %dma_wait3A_161 = tpu.memref_squeeze %dma_wait3A_160 : memref<1x400xi32, #tpu.memory_space<vmem>> -> memref<400xi32, #tpu.memory_space<vmem>>
        %dma_wait3A_162 = arith.constant 0 : i32
        %dma_wait3A_163 = arith.constant 0 : i32
        %dma_wait3A_164 = tpu.memref_slice %arg9[%dma_wait3A_162, %dma_wait3A_163] : memref<10240x32xf32, #tpu.memory_space<vmem_shared>> -> memref<10240x32xf32, #tpu.memory_space<vmem_shared>>
        tpu.wait_indirect_dma semaphore(%run_scoped3A_152 : memref<!tpu.dma_semaphore, #tpu.memory_space<semaphore_mem>>) src(%arg13 : memref<400x32xf32, #tpu.memory_space<vmem>>) dst(%dma_wait3A_164 : memref<10240x32xf32, #tpu.memory_space<vmem_shared>>)
        tpu.yield
      }) : () -> ()
      %mul3A_134 = arith.constant 3 : i32
      %mul3A_135 = arith.muli %mul3A_134, %scan3A_97 : i32
      %add3A_136 = arith.constant 2 : i32
      %add3A_137 = arith.addi %mul3A_135, %add3A_136 : i32
      %dma_wait3A_138 = arith.constant 0 : i32
      %dma_wait3A_139 = tpu.memref_slice %arg10[%add3A_137, %dma_wait3A_138] : memref<25x400xi32, #tpu.memory_space<vmem>> -> memref<1x400xi32, #tpu.memory_space<vmem>>
      %dma_wait3A_140 = tpu.memref_squeeze %dma_wait3A_139 : memref<1x400xi32, #tpu.memory_space<vmem>> -> memref<400xi32, #tpu.memory_space<vmem>>
      %dma_wait3A_141 = arith.constant 0 : i32
      %dma_wait3A_142 = arith.constant 0 : i32
      %dma_wait3A_143 = tpu.memref_slice %arg2[%dma_wait3A_141, %dma_wait3A_142] : memref<20480x32xf32, #tpu.memory_space<hbm>> -> memref<20480x32xf32, #tpu.memory_space<hbm>>
      tpu.wait_indirect_dma semaphore(%arg20 : memref<!tpu.dma_semaphore, #tpu.memory_space<semaphore_mem>>) src(%dma_wait3A_143 : memref<20480x32xf32, #tpu.memory_space<hbm>>) dst(%arg14 : memref<400x32xf32, #tpu.memory_space<vmem>>)
      %add3A_144 = arith.constant 2 : i32
      %add3A_145 = arith.addi %add3A_137, %add3A_144 : i32
      %dma_start3A_146 = arith.constant 0 : i32
      %dma_start3A_147 = tpu.memref_slice %arg10[%add3A_145, %dma_start3A_146] : memref<25x400xi32, #tpu.memory_space<vmem>> -> memref<1x400xi32, #tpu.memory_space<vmem>>
      %dma_start3A_148 = tpu.memref_squeeze %dma_start3A_147 : memref<1x400xi32, #tpu.memory_space<vmem>> -> memref<400xi32, #tpu.memory_space<vmem>>
      %dma_start3A_149 = arith.constant 0 : i32
      %dma_start3A_150 = arith.constant 0 : i32
      %dma_start3A_151 = tpu.memref_slice %arg2[%dma_start3A_149, %dma_start3A_150] : memref<20480x32xf32, #tpu.memory_space<hbm>> -> memref<20480x32xf32, #tpu.memory_space<hbm>>
      tpu.enqueue_indirect_dma source(%dma_start3A_151 : memref<20480x32xf32, #tpu.memory_space<hbm>>) target(%arg13 : memref<400x32xf32, #tpu.memory_space<vmem>>) offsets(%dma_start3A_148 : memref<400xi32, #tpu.memory_space<vmem>>) semaphore(%arg19 : memref<!tpu.dma_semaphore, #tpu.memory_space<semaphore_mem>>)
      "tpu.region"() ({
        %run_scoped3A_152 = tpu.sem_alloc : memref<!tpu.dma_semaphore, #tpu.memory_space<semaphore_mem>>
        %dma_start3A_153 = arith.constant 0 : i32
        %dma_start3A_154 = tpu.memref_slice %arg11[%add3A_137, %dma_start3A_153] : memref<25x400xi32, #tpu.memory_space<vmem>> -> memref<1x400xi32, #tpu.memory_space<vmem>>
        %dma_start3A_155 = tpu.memref_squeeze %dma_start3A_154 : memref<1x400xi32, #tpu.memory_space<vmem>> -> memref<400xi32, #tpu.memory_space<vmem>>
        %dma_start3A_156 = arith.constant 0 : i32
        %dma_start3A_157 = arith.constant 0 : i32
        %dma_start3A_158 = tpu.memref_slice %arg9[%dma_start3A_156, %dma_start3A_157] : memref<10240x32xf32, #tpu.memory_space<vmem_shared>> -> memref<10240x32xf32, #tpu.memory_space<vmem_shared>>
        tpu.enqueue_indirect_dma source(%arg14 : memref<400x32xf32, #tpu.memory_space<vmem>>) target(%dma_start3A_158 : memref<10240x32xf32, #tpu.memory_space<vmem_shared>>) offsets(%dma_start3A_155 : memref<400xi32, #tpu.memory_space<vmem>>) semaphore(%run_scoped3A_152 : memref<!tpu.dma_semaphore, #tpu.memory_space<semaphore_mem>>) {add = true}
        %dma_wait3A_159 = arith.constant 0 : i32
        %dma_wait3A_160 = tpu.memref_slice %arg11[%add3A_137, %dma_wait3A_159] : memref<25x400xi32, #tpu.memory_space<vmem>> -> memref<1x400xi32, #tpu.memory_space<vmem>>
        %dma_wait3A_161 = tpu.memref_squeeze %dma_wait3A_160 : memref<1x400xi32, #tpu.memory_space<vmem>> -> memref<400xi32, #tpu.memory_space<vmem>>
        %dma_wait3A_162 = arith.constant 0 : i32
        %dma_wait3A_163 = arith.constant 0 : i32
        %dma_wait3A_164 = tpu.memref_slice %arg9[%dma_wait3A_162, %dma_wait3A_163] : memref<10240x32xf32, #tpu.memory_space<vmem_shared>> -> memref<10240x32xf32, #tpu.memory_space<vmem_shared>>
        tpu.wait_indirect_dma semaphore(%run_scoped3A_152 : memref<!tpu.dma_semaphore, #tpu.memory_space<semaphore_mem>>) src(%arg14 : memref<400x32xf32, #tpu.memory_space<vmem>>) dst(%dma_wait3A_164 : memref<10240x32xf32, #tpu.memory_space<vmem_shared>>)
        tpu.yield
      }) : () -> ()
    }
    %scan3A_25 = arith.constant 7 : i32
    %dma_wait3A = arith.constant 21 : i32
    %dma_wait3A_26 = arith.constant 0 : i32
    %dma_wait3A_27 = tpu.memref_slice %arg10[%dma_wait3A, %dma_wait3A_26] : memref<25x400xi32, #tpu.memory_space<vmem>> -> memref<1x400xi32, #tpu.memory_space<vmem>>
    %dma_wait3A_28 = tpu.memref_squeeze %dma_wait3A_27 : memref<1x400xi32, #tpu.memory_space<vmem>> -> memref<400xi32, #tpu.memory_space<vmem>>
    %dma_wait3A_29 = arith.constant 0 : i32
    %dma_wait3A_30 = arith.constant 0 : i32
    %dma_wait3A_31 = tpu.memref_slice %arg2[%dma_wait3A_29, %dma_wait3A_30] : memref<20480x32xf32, #tpu.memory_space<hbm>> -> memref<20480x32xf32, #tpu.memory_space<hbm>>
    tpu.wait_indirect_dma semaphore(%arg18 : memref<!tpu.dma_semaphore, #tpu.memory_space<semaphore_mem>>) src(%dma_wait3A_31 : memref<20480x32xf32, #tpu.memory_space<hbm>>) dst(%arg12 : memref<400x32xf32, #tpu.memory_space<vmem>>)
    %dma_start3A_32 = arith.constant 23 : i32
    %dma_start3A_33 = arith.constant 0 : i32
    %dma_start3A_34 = tpu.memref_slice %arg10[%dma_start3A_32, %dma_start3A_33] : memref<25x400xi32, #tpu.memory_space<vmem>> -> memref<1x400xi32, #tpu.memory_space<vmem>>
    %dma_start3A_35 = tpu.memref_squeeze %dma_start3A_34 : memref<1x400xi32, #tpu.memory_space<vmem>> -> memref<400xi32, #tpu.memory_space<vmem>>
    %dma_start3A_36 = arith.constant 0 : i32
    %dma_start3A_37 = arith.constant 0 : i32
    %dma_start3A_38 = tpu.memref_slice %arg2[%dma_start3A_36, %dma_start3A_37] : memref<20480x32xf32, #tpu.memory_space<hbm>> -> memref<20480x32xf32, #tpu.memory_space<hbm>>
    tpu.enqueue_indirect_dma source(%dma_start3A_38 : memref<20480x32xf32, #tpu.memory_space<hbm>>) target(%arg14 : memref<400x32xf32, #tpu.memory_space<vmem>>) offsets(%dma_start3A_35 : memref<400xi32, #tpu.memory_space<vmem>>) semaphore(%arg20 : memref<!tpu.dma_semaphore, #tpu.memory_space<semaphore_mem>>)
    %run_scoped3A = arith.constant 21 : i32
    "tpu.region"() ({
      %run_scoped3A_97 = tpu.sem_alloc : memref<!tpu.dma_semaphore, #tpu.memory_space<semaphore_mem>>
      %dma_start3A_98 = arith.constant 0 : i32
      %dma_start3A_99 = tpu.memref_slice %arg11[%run_scoped3A, %dma_start3A_98] : memref<25x400xi32, #tpu.memory_space<vmem>> -> memref<1x400xi32, #tpu.memory_space<vmem>>
      %dma_start3A_100 = tpu.memref_squeeze %dma_start3A_99 : memref<1x400xi32, #tpu.memory_space<vmem>> -> memref<400xi32, #tpu.memory_space<vmem>>
      %dma_start3A_101 = arith.constant 0 : i32
      %dma_start3A_102 = arith.constant 0 : i32
      %dma_start3A_103 = tpu.memref_slice %arg9[%dma_start3A_101, %dma_start3A_102] : memref<10240x32xf32, #tpu.memory_space<vmem_shared>> -> memref<10240x32xf32, #tpu.memory_space<vmem_shared>>
      tpu.enqueue_indirect_dma source(%arg12 : memref<400x32xf32, #tpu.memory_space<vmem>>) target(%dma_start3A_103 : memref<10240x32xf32, #tpu.memory_space<vmem_shared>>) offsets(%dma_start3A_100 : memref<400xi32, #tpu.memory_space<vmem>>) semaphore(%run_scoped3A_97 : memref<!tpu.dma_semaphore, #tpu.memory_space<semaphore_mem>>) {add = true}
      %dma_wait3A_104 = arith.constant 0 : i32
      %dma_wait3A_105 = tpu.memref_slice %arg11[%run_scoped3A, %dma_wait3A_104] : memref<25x400xi32, #tpu.memory_space<vmem>> -> memref<1x400xi32, #tpu.memory_space<vmem>>
      %dma_wait3A_106 = tpu.memref_squeeze %dma_wait3A_105 : memref<1x400xi32, #tpu.memory_space<vmem>> -> memref<400xi32, #tpu.memory_space<vmem>>
      %dma_wait3A_107 = arith.constant 0 : i32
      %dma_wait3A_108 = arith.constant 0 : i32
      %dma_wait3A_109 = tpu.memref_slice %arg9[%dma_wait3A_107, %dma_wait3A_108] : memref<10240x32xf32, #tpu.memory_space<vmem_shared>> -> memref<10240x32xf32, #tpu.memory_space<vmem_shared>>
      tpu.wait_indirect_dma semaphore(%run_scoped3A_97 : memref<!tpu.dma_semaphore, #tpu.memory_space<semaphore_mem>>) src(%arg12 : memref<400x32xf32, #tpu.memory_space<vmem>>) dst(%dma_wait3A_109 : memref<10240x32xf32, #tpu.memory_space<vmem_shared>>)
      tpu.yield
    }) : () -> ()
    %dma_wait3A_39 = arith.constant 22 : i32
    %dma_wait3A_40 = arith.constant 0 : i32
    %dma_wait3A_41 = tpu.memref_slice %arg10[%dma_wait3A_39, %dma_wait3A_40] : memref<25x400xi32, #tpu.memory_space<vmem>> -> memref<1x400xi32, #tpu.memory_space<vmem>>
    %dma_wait3A_42 = tpu.memref_squeeze %dma_wait3A_41 : memref<1x400xi32, #tpu.memory_space<vmem>> -> memref<400xi32, #tpu.memory_space<vmem>>
    %dma_wait3A_43 = arith.constant 0 : i32
    %dma_wait3A_44 = arith.constant 0 : i32
    %dma_wait3A_45 = tpu.memref_slice %arg2[%dma_wait3A_43, %dma_wait3A_44] : memref<20480x32xf32, #tpu.memory_space<hbm>> -> memref<20480x32xf32, #tpu.memory_space<hbm>>
    tpu.wait_indirect_dma semaphore(%arg19 : memref<!tpu.dma_semaphore, #tpu.memory_space<semaphore_mem>>) src(%dma_wait3A_45 : memref<20480x32xf32, #tpu.memory_space<hbm>>) dst(%arg13 : memref<400x32xf32, #tpu.memory_space<vmem>>)
    %dma_start3A_46 = arith.constant 24 : i32
    %dma_start3A_47 = arith.constant 0 : i32
    %dma_start3A_48 = tpu.memref_slice %arg10[%dma_start3A_46, %dma_start3A_47] : memref<25x400xi32, #tpu.memory_space<vmem>> -> memref<1x400xi32, #tpu.memory_space<vmem>>
    %dma_start3A_49 = tpu.memref_squeeze %dma_start3A_48 : memref<1x400xi32, #tpu.memory_space<vmem>> -> memref<400xi32, #tpu.memory_space<vmem>>
    %dma_start3A_50 = arith.constant 0 : i32
    %dma_start3A_51 = arith.constant 0 : i32
    %dma_start3A_52 = tpu.memref_slice %arg2[%dma_start3A_50, %dma_start3A_51] : memref<20480x32xf32, #tpu.memory_space<hbm>> -> memref<20480x32xf32, #tpu.memory_space<hbm>>
    tpu.enqueue_indirect_dma source(%dma_start3A_52 : memref<20480x32xf32, #tpu.memory_space<hbm>>) target(%arg12 : memref<400x32xf32, #tpu.memory_space<vmem>>) offsets(%dma_start3A_49 : memref<400xi32, #tpu.memory_space<vmem>>) semaphore(%arg18 : memref<!tpu.dma_semaphore, #tpu.memory_space<semaphore_mem>>)
    %run_scoped3A_53 = arith.constant 22 : i32
    "tpu.region"() ({
      %run_scoped3A_97 = tpu.sem_alloc : memref<!tpu.dma_semaphore, #tpu.memory_space<semaphore_mem>>
      %dma_start3A_98 = arith.constant 0 : i32
      %dma_start3A_99 = tpu.memref_slice %arg11[%run_scoped3A_53, %dma_start3A_98] : memref<25x400xi32, #tpu.memory_space<vmem>> -> memref<1x400xi32, #tpu.memory_space<vmem>>
      %dma_start3A_100 = tpu.memref_squeeze %dma_start3A_99 : memref<1x400xi32, #tpu.memory_space<vmem>> -> memref<400xi32, #tpu.memory_space<vmem>>
      %dma_start3A_101 = arith.constant 0 : i32
      %dma_start3A_102 = arith.constant 0 : i32
      %dma_start3A_103 = tpu.memref_slice %arg9[%dma_start3A_101, %dma_start3A_102] : memref<10240x32xf32, #tpu.memory_space<vmem_shared>> -> memref<10240x32xf32, #tpu.memory_space<vmem_shared>>
      tpu.enqueue_indirect_dma source(%arg13 : memref<400x32xf32, #tpu.memory_space<vmem>>) target(%dma_start3A_103 : memref<10240x32xf32, #tpu.memory_space<vmem_shared>>) offsets(%dma_start3A_100 : memref<400xi32, #tpu.memory_space<vmem>>) semaphore(%run_scoped3A_97 : memref<!tpu.dma_semaphore, #tpu.memory_space<semaphore_mem>>) {add = true}
      %dma_wait3A_104 = arith.constant 0 : i32
      %dma_wait3A_105 = tpu.memref_slice %arg11[%run_scoped3A_53, %dma_wait3A_104] : memref<25x400xi32, #tpu.memory_space<vmem>> -> memref<1x400xi32, #tpu.memory_space<vmem>>
      %dma_wait3A_106 = tpu.memref_squeeze %dma_wait3A_105 : memref<1x400xi32, #tpu.memory_space<vmem>> -> memref<400xi32, #tpu.memory_space<vmem>>
      %dma_wait3A_107 = arith.constant 0 : i32
      %dma_wait3A_108 = arith.constant 0 : i32
      %dma_wait3A_109 = tpu.memref_slice %arg9[%dma_wait3A_107, %dma_wait3A_108] : memref<10240x32xf32, #tpu.memory_space<vmem_shared>> -> memref<10240x32xf32, #tpu.memory_space<vmem_shared>>
      tpu.wait_indirect_dma semaphore(%run_scoped3A_97 : memref<!tpu.dma_semaphore, #tpu.memory_space<semaphore_mem>>) src(%arg13 : memref<400x32xf32, #tpu.memory_space<vmem>>) dst(%dma_wait3A_109 : memref<10240x32xf32, #tpu.memory_space<vmem_shared>>)
      tpu.yield
    }) : () -> ()
    %dma_wait3A_54 = arith.constant 23 : i32
    %dma_wait3A_55 = arith.constant 0 : i32
    %dma_wait3A_56 = tpu.memref_slice %arg10[%dma_wait3A_54, %dma_wait3A_55] : memref<25x400xi32, #tpu.memory_space<vmem>> -> memref<1x400xi32, #tpu.memory_space<vmem>>
    %dma_wait3A_57 = tpu.memref_squeeze %dma_wait3A_56 : memref<1x400xi32, #tpu.memory_space<vmem>> -> memref<400xi32, #tpu.memory_space<vmem>>
    %dma_wait3A_58 = arith.constant 0 : i32
    %dma_wait3A_59 = arith.constant 0 : i32
    %dma_wait3A_60 = tpu.memref_slice %arg2[%dma_wait3A_58, %dma_wait3A_59] : memref<20480x32xf32, #tpu.memory_space<hbm>> -> memref<20480x32xf32, #tpu.memory_space<hbm>>
    tpu.wait_indirect_dma semaphore(%arg20 : memref<!tpu.dma_semaphore, #tpu.memory_space<semaphore_mem>>) src(%dma_wait3A_60 : memref<20480x32xf32, #tpu.memory_space<hbm>>) dst(%arg14 : memref<400x32xf32, #tpu.memory_space<vmem>>)
    %run_scoped3A_61 = arith.constant 23 : i32
    "tpu.region"() ({
      %run_scoped3A_97 = tpu.sem_alloc : memref<!tpu.dma_semaphore, #tpu.memory_space<semaphore_mem>>
      %dma_start3A_98 = arith.constant 0 : i32
      %dma_start3A_99 = tpu.memref_slice %arg11[%run_scoped3A_61, %dma_start3A_98] : memref<25x400xi32, #tpu.memory_space<vmem>> -> memref<1x400xi32, #tpu.memory_space<vmem>>
      %dma_start3A_100 = tpu.memref_squeeze %dma_start3A_99 : memref<1x400xi32, #tpu.memory_space<vmem>> -> memref<400xi32, #tpu.memory_space<vmem>>
      %dma_start3A_101 = arith.constant 0 : i32
      %dma_start3A_102 = arith.constant 0 : i32
      %dma_start3A_103 = tpu.memref_slice %arg9[%dma_start3A_101, %dma_start3A_102] : memref<10240x32xf32, #tpu.memory_space<vmem_shared>> -> memref<10240x32xf32, #tpu.memory_space<vmem_shared>>
      tpu.enqueue_indirect_dma source(%arg14 : memref<400x32xf32, #tpu.memory_space<vmem>>) target(%dma_start3A_103 : memref<10240x32xf32, #tpu.memory_space<vmem_shared>>) offsets(%dma_start3A_100 : memref<400xi32, #tpu.memory_space<vmem>>) semaphore(%run_scoped3A_97 : memref<!tpu.dma_semaphore, #tpu.memory_space<semaphore_mem>>) {add = true}
      %dma_wait3A_104 = arith.constant 0 : i32
      %dma_wait3A_105 = tpu.memref_slice %arg11[%run_scoped3A_61, %dma_wait3A_104] : memref<25x400xi32, #tpu.memory_space<vmem>> -> memref<1x400xi32, #tpu.memory_space<vmem>>
      %dma_wait3A_106 = tpu.memref_squeeze %dma_wait3A_105 : memref<1x400xi32, #tpu.memory_space<vmem>> -> memref<400xi32, #tpu.memory_space<vmem>>
      %dma_wait3A_107 = arith.constant 0 : i32
      %dma_wait3A_108 = arith.constant 0 : i32
      %dma_wait3A_109 = tpu.memref_slice %arg9[%dma_wait3A_107, %dma_wait3A_108] : memref<10240x32xf32, #tpu.memory_space<vmem_shared>> -> memref<10240x32xf32, #tpu.memory_space<vmem_shared>>
      tpu.wait_indirect_dma semaphore(%run_scoped3A_97 : memref<!tpu.dma_semaphore, #tpu.memory_space<semaphore_mem>>) src(%arg14 : memref<400x32xf32, #tpu.memory_space<vmem>>) dst(%dma_wait3A_109 : memref<10240x32xf32, #tpu.memory_space<vmem_shared>>)
      tpu.yield
    }) : () -> ()
    %dma_wait3A_62 = arith.constant 24 : i32
    %dma_wait3A_63 = arith.constant 0 : i32
    %dma_wait3A_64 = tpu.memref_slice %arg10[%dma_wait3A_62, %dma_wait3A_63] : memref<25x400xi32, #tpu.memory_space<vmem>> -> memref<1x400xi32, #tpu.memory_space<vmem>>
    %dma_wait3A_65 = tpu.memref_squeeze %dma_wait3A_64 : memref<1x400xi32, #tpu.memory_space<vmem>> -> memref<400xi32, #tpu.memory_space<vmem>>
    %dma_wait3A_66 = arith.constant 0 : i32
    %dma_wait3A_67 = arith.constant 0 : i32
    %dma_wait3A_68 = tpu.memref_slice %arg2[%dma_wait3A_66, %dma_wait3A_67] : memref<20480x32xf32, #tpu.memory_space<hbm>> -> memref<20480x32xf32, #tpu.memory_space<hbm>>
    tpu.wait_indirect_dma semaphore(%arg18 : memref<!tpu.dma_semaphore, #tpu.memory_space<semaphore_mem>>) src(%dma_wait3A_68 : memref<20480x32xf32, #tpu.memory_space<hbm>>) dst(%arg12 : memref<400x32xf32, #tpu.memory_space<vmem>>)
    %run_scoped3A_69 = arith.constant 24 : i32
    "tpu.region"() ({
      %run_scoped3A_97 = tpu.sem_alloc : memref<!tpu.dma_semaphore, #tpu.memory_space<semaphore_mem>>
      %dma_start3A_98 = arith.constant 0 : i32
      %dma_start3A_99 = tpu.memref_slice %arg11[%run_scoped3A_69, %dma_start3A_98] : memref<25x400xi32, #tpu.memory_space<vmem>> -> memref<1x400xi32, #tpu.memory_space<vmem>>
      %dma_start3A_100 = tpu.memref_squeeze %dma_start3A_99 : memref<1x400xi32, #tpu.memory_space<vmem>> -> memref<400xi32, #tpu.memory_space<vmem>>
      %dma_start3A_101 = arith.constant 0 : i32
      %dma_start3A_102 = arith.constant 0 : i32
      %dma_start3A_103 = tpu.memref_slice %arg9[%dma_start3A_101, %dma_start3A_102] : memref<10240x32xf32, #tpu.memory_space<vmem_shared>> -> memref<10240x32xf32, #tpu.memory_space<vmem_shared>>
      tpu.enqueue_indirect_dma source(%arg12 : memref<400x32xf32, #tpu.memory_space<vmem>>) target(%dma_start3A_103 : memref<10240x32xf32, #tpu.memory_space<vmem_shared>>) offsets(%dma_start3A_100 : memref<400xi32, #tpu.memory_space<vmem>>) semaphore(%run_scoped3A_97 : memref<!tpu.dma_semaphore, #tpu.memory_space<semaphore_mem>>) {add = true}
      %dma_wait3A_104 = arith.constant 0 : i32
      %dma_wait3A_105 = tpu.memref_slice %arg11[%run_scoped3A_69, %dma_wait3A_104] : memref<25x400xi32, #tpu.memory_space<vmem>> -> memref<1x400xi32, #tpu.memory_space<vmem>>
      %dma_wait3A_106 = tpu.memref_squeeze %dma_wait3A_105 : memref<1x400xi32, #tpu.memory_space<vmem>> -> memref<400xi32, #tpu.memory_space<vmem>>
      %dma_wait3A_107 = arith.constant 0 : i32
      %dma_wait3A_108 = arith.constant 0 : i32
      %dma_wait3A_109 = tpu.memref_slice %arg9[%dma_wait3A_107, %dma_wait3A_108] : memref<10240x32xf32, #tpu.memory_space<vmem_shared>> -> memref<10240x32xf32, #tpu.memory_space<vmem_shared>>
      tpu.wait_indirect_dma semaphore(%run_scoped3A_97 : memref<!tpu.dma_semaphore, #tpu.memory_space<semaphore_mem>>) src(%arg12 : memref<400x32xf32, #tpu.memory_space<vmem>>) dst(%dma_wait3A_109 : memref<10240x32xf32, #tpu.memory_space<vmem_shared>>)
      tpu.yield
    }) : () -> ()
    %barrier3A_70 = arith.constant 0 : index
    tpu.barrier barrier_id(%barrier3A_70)
    "tpu.region"() ({
      %run_scoped3A_97 = tpu.sem_alloc : memref<!tpu.dma_semaphore, #tpu.memory_space<semaphore_mem>>
      %dma_start3A_98 = arith.constant 0 : i32
      %dma_start3A_99 = tpu.memref_slice %arg9[%mul3A_0, %dma_start3A_98] : memref<10240x32xf32, #tpu.memory_space<vmem_shared>> -> memref<640x32xf32, #tpu.memory_space<vmem_shared>>
      %dma_start3A_100 = arith.constant 0 : i32
      %dma_start3A_101 = tpu.memref_slice %arg9[%mul3A_0, %dma_start3A_100] : memref<10240x32xf32, #tpu.memory_space<vmem_shared>> -> memref<640x32xf32, #tpu.memory_space<vmem_shared>>
      tpu.enqueue_dma source(%dma_start3A_101 : memref<640x32xf32, #tpu.memory_space<vmem_shared>>) target(%arg16 : memref<640x32xf32, #tpu.memory_space<vmem>>) target_semaphore(%run_scoped3A_97 : memref<!tpu.dma_semaphore, #tpu.memory_space<semaphore_mem>>)
      %dma_wait3A_102 = arith.constant 0 : i32
      %dma_wait3A_103 = tpu.memref_slice %arg9[%mul3A_0, %dma_wait3A_102] : memref<10240x32xf32, #tpu.memory_space<vmem_shared>> -> memref<640x32xf32, #tpu.memory_space<vmem_shared>>
      %dma_wait3A_104 = arith.constant 0 : i32
      %dma_wait3A_105 = tpu.memref_slice %arg9[%mul3A_0, %dma_wait3A_104] : memref<10240x32xf32, #tpu.memory_space<vmem_shared>> -> memref<640x32xf32, #tpu.memory_space<vmem_shared>>
      tpu.wait_dma2 semaphore(%run_scoped3A_97 : memref<!tpu.dma_semaphore, #tpu.memory_space<semaphore_mem>>) src(%dma_wait3A_105 : memref<640x32xf32, #tpu.memory_space<vmem_shared>>) dst(%arg16 : memref<640x32xf32, #tpu.memory_space<vmem>>)
      tpu.yield
    }) : () -> ()
    "tpu.region"() ({
      %run_scoped3A_97 = tpu.sem_alloc : memref<!tpu.dma_semaphore, #tpu.memory_space<semaphore_mem>>
      %dma_start3A_98 = arith.constant 0 : i32
      %dma_start3A_99 = tpu.memref_slice %arg5[%mul3A_0, %dma_start3A_98] : memref<10240x16xf32, #tpu.memory_space<hbm>> -> memref<640x16xf32, #tpu.memory_space<hbm>>
      %dma_start3A_100 = arith.constant 0 : i32
      %dma_start3A_101 = tpu.memref_slice %arg5[%mul3A_0, %dma_start3A_100] : memref<10240x16xf32, #tpu.memory_space<hbm>> -> memref<640x16xf32, #tpu.memory_space<hbm>>
      tpu.enqueue_dma source(%dma_start3A_101 : memref<640x16xf32, #tpu.memory_space<hbm>>) target(%arg15 : memref<640x16xf32, #tpu.memory_space<vmem>>) target_semaphore(%run_scoped3A_97 : memref<!tpu.dma_semaphore, #tpu.memory_space<semaphore_mem>>)
      %dma_wait3A_102 = arith.constant 0 : i32
      %dma_wait3A_103 = tpu.memref_slice %arg5[%mul3A_0, %dma_wait3A_102] : memref<10240x16xf32, #tpu.memory_space<hbm>> -> memref<640x16xf32, #tpu.memory_space<hbm>>
      %dma_wait3A_104 = arith.constant 0 : i32
      %dma_wait3A_105 = tpu.memref_slice %arg5[%mul3A_0, %dma_wait3A_104] : memref<10240x16xf32, #tpu.memory_space<hbm>> -> memref<640x16xf32, #tpu.memory_space<hbm>>
      tpu.wait_dma2 semaphore(%run_scoped3A_97 : memref<!tpu.dma_semaphore, #tpu.memory_space<semaphore_mem>>) src(%dma_wait3A_105 : memref<640x16xf32, #tpu.memory_space<hbm>>) dst(%arg15 : memref<640x16xf32, #tpu.memory_space<vmem>>)
      tpu.yield
    }) : () -> ()
    %mul3A_71 = arith.constant 32 : i32
    %mul3A_72 = arith.muli %arg0, %mul3A_71 : i32
    %get3A = arith.index_cast %mul3A_72 : i32 to index
    %get3A_73 = tpu.vector_load %arg17[%get3A] {strides = array<i32>} : memref<64xf32, #tpu.memory_space<vmem>>, vector<16xf32>,
    %get3A_74 = vector.shape_cast %get3A_73 : vector<16xf32> to vector<16xf32>
    %mul3A_75 = arith.constant 32 : i32
    %mul3A_76 = arith.muli %arg0, %mul3A_75 : i32
    %add3A = arith.constant 16 : i32
    %add3A_77 = arith.addi %mul3A_76, %add3A : i32
    %get3A_78 = arith.index_cast %add3A_77 : i32 to index
    %get3A_79 = tpu.vector_load %arg17[%get3A_78] {strides = array<i32>} : memref<64xf32, #tpu.memory_space<vmem>>, vector<16xf32>,
    %get3A_80 = vector.shape_cast %get3A_79 : vector<16xf32> to vector<16xf32>
    %scan3A_81 = arith.constant 0 : i32
    %scan3A_82 = arith.constant 0 : i32
    %scan3A_83 = arith.constant 640 : i32
    %scan3A_84 = arith.addi %scan3A_82, %scan3A_83 : i32
    %scan3A_85 = arith.constant 1 : i32
    scf.for %scan3A_97 = %scan3A_82 to %scan3A_84 step %scan3A_85  : i32 {
      %get3A_98 = arith.index_cast %scan3A_97 : i32 to index
      %get3A_99 = arith.constant 0 : index
      %get3A_100 = tpu.vector_load %arg15[%get3A_98, %get3A_99] {strides = array<i32>} : memref<640x16xf32, #tpu.memory_space<vmem>>, vector<1x16xf32>,
      %get3A_101 = vector.shape_cast %get3A_100 : vector<1x16xf32> to vector<16xf32>
      %get3A_102 = arith.index_cast %scan3A_97 : i32 to index
      %get3A_103 = arith.constant 0 : index
      %get3A_104 = tpu.vector_load %arg16[%get3A_102, %get3A_103] {strides = array<i32>} : memref<640x32xf32, #tpu.memory_space<vmem>>, vector<1x16xf32>,
      %get3A_105 = vector.shape_cast %get3A_104 : vector<1x16xf32> to vector<16xf32>
      %mul3A_106 = arith.mulf %get3A_105, %get3A_101 : vector<16xf32>
      %add3A_107 = arith.addf %mul3A_106, %get3A_74 : vector<16xf32>
      %swap3A = arith.index_cast %scan3A_97 : i32 to index
      %swap3A_108 = arith.constant 0 : index
      %swap3A_109 = tpu.vector_load %arg16[%swap3A, %swap3A_108] {strides = array<i32>} : memref<640x32xf32, #tpu.memory_space<vmem>>, vector<1x16xf32>,
      %swap3A_110 = vector.shape_cast %swap3A_109 : vector<1x16xf32> to vector<16xf32>
      %swap3A_111 = vector.shape_cast %add3A_107 : vector<16xf32> to vector<1x16xf32>
      tpu.vector_store %arg16[%swap3A, %swap3A_108], %swap3A_111 {strides = array<i32>} : memref<640x32xf32, #tpu.memory_space<vmem>>, vector<1x16xf32>,
      %get3A_112 = arith.index_cast %scan3A_97 : i32 to index
      %get3A_113 = arith.constant 16 : index
      %get3A_114 = tpu.vector_load %arg16[%get3A_112, %get3A_113] {strides = array<i32>} : memref<640x32xf32, #tpu.memory_space<vmem>>, vector<1x16xf32>,
      %get3A_115 = vector.shape_cast %get3A_114 : vector<1x16xf32> to vector<16xf32>
      %mul3A_116 = arith.mulf %get3A_115, %get3A_101 : vector<16xf32>
      %add3A_117 = arith.addf %mul3A_116, %get3A_80 : vector<16xf32>
      %swap3A_118 = arith.index_cast %scan3A_97 : i32 to index
      %swap3A_119 = arith.constant 16 : index
      %swap3A_120 = tpu.vector_load %arg16[%swap3A_118, %swap3A_119] {strides = array<i32>} : memref<640x32xf32, #tpu.memory_space<vmem>>, vector<1x16xf32>,
      %swap3A_121 = vector.shape_cast %swap3A_120 : vector<1x16xf32> to vector<16xf32>
      %swap3A_122 = vector.shape_cast %add3A_117 : vector<16xf32> to vector<1x16xf32>
      tpu.vector_store %arg16[%swap3A_118, %swap3A_119], %swap3A_122 {strides = array<i32>} : memref<640x32xf32, #tpu.memory_space<vmem>>, vector<1x16xf32>,
    }
    %scan3A_86 = arith.constant 640 : i32
    %eq3A_87 = arith.constant 0 : i32
    %eq3A_88 = arith.cmpi eq, %arg0, %eq3A_87 : i32
    %convert_element_type3A_89 = arith.extui %eq3A_88 : i1 to i32
    %cond3A_90 = arith.constant 0 : i32
    %cond3A_91 = arith.cmpi ne, %convert_element_type3A_89, %cond3A_90 : i32
    scf.if %cond3A_91 {
      %lt3A = arith.constant 15 : i32
      %lt3A_97 = arith.cmpi slt, %arg1, %lt3A : i32
      %convert_element_type3A_98 = arith.extui %lt3A_97 : i1 to i32
      %cond3A_99 = arith.constant 0 : i32
      %cond3A_100 = arith.cmpi ne, %convert_element_type3A_98, %cond3A_99 : i32
      scf.if %cond3A_100 {
        "tpu.region"() ({
          %run_scoped3A_106 = tpu.sem_alloc : memref<!tpu.dma_semaphore, #tpu.memory_space<semaphore_mem>>
          %dma_start3A_107 = arith.constant 0 : i32
          %dma_start3A_108 = tpu.memref_slice %arg8[%mul3A_0, %dma_start3A_107] : memref<10000x64xf32, #tpu.memory_space<hbm>> -> memref<640x32xf32, #tpu.memory_space<hbm>>
          %dma_start3A_109 = arith.constant 0 : i32
          %dma_start3A_110 = tpu.memref_slice %arg8[%mul3A_0, %dma_start3A_109] : memref<10000x64xf32, #tpu.memory_space<hbm>> -> memref<640x32xf32, #tpu.memory_space<hbm>>
          tpu.enqueue_dma source(%arg16 : memref<640x32xf32, #tpu.memory_space<vmem>>) target(%dma_start3A_110 : memref<640x32xf32, #tpu.memory_space<hbm>>) target_semaphore(%run_scoped3A_106 : memref<!tpu.dma_semaphore, #tpu.memory_space<semaphore_mem>>)
          %dma_wait3A_111 = arith.constant 0 : i32
          %dma_wait3A_112 = tpu.memref_slice %arg8[%mul3A_0, %dma_wait3A_111] : memref<10000x64xf32, #tpu.memory_space<hbm>> -> memref<640x32xf32, #tpu.memory_space<hbm>>
          %dma_wait3A_113 = arith.constant 0 : i32
          %dma_wait3A_114 = tpu.memref_slice %arg8[%mul3A_0, %dma_wait3A_113] : memref<10000x64xf32, #tpu.memory_space<hbm>> -> memref<640x32xf32, #tpu.memory_space<hbm>>
          tpu.wait_dma2 semaphore(%run_scoped3A_106 : memref<!tpu.dma_semaphore, #tpu.memory_space<semaphore_mem>>) src(%arg16 : memref<640x32xf32, #tpu.memory_space<vmem>>) dst(%dma_wait3A_114 : memref<640x32xf32, #tpu.memory_space<hbm>>)
          tpu.yield
        }) : () -> ()
      } else {
      }
      %eq3A_101 = arith.constant 15 : i32
      %eq3A_102 = arith.cmpi eq, %arg1, %eq3A_101 : i32
      %convert_element_type3A_103 = arith.extui %eq3A_102 : i1 to i32
      %cond3A_104 = arith.constant 0 : i32
      %cond3A_105 = arith.cmpi ne, %convert_element_type3A_103, %cond3A_104 : i32
      scf.if %cond3A_105 {
        "tpu.region"() ({
          %run_scoped3A_106 = tpu.sem_alloc : memref<!tpu.dma_semaphore, #tpu.memory_space<semaphore_mem>>
          %dma_start3A_107 = arith.constant 0 : i32
          %dma_start3A_108 = arith.constant 0 : i32
          %dma_start3A_109 = tpu.memref_slice %arg16[%dma_start3A_107, %dma_start3A_108] : memref<640x32xf32, #tpu.memory_space<vmem>> -> memref<400x32xf32, #tpu.memory_space<vmem>>
          %dma_start3A_110 = arith.constant 9600 : i32
          %dma_start3A_111 = arith.constant 0 : i32
          %dma_start3A_112 = tpu.memref_slice %arg8[%dma_start3A_110, %dma_start3A_111] : memref<10000x64xf32, #tpu.memory_space<hbm>> -> memref<400x32xf32, #tpu.memory_space<hbm>>
          %dma_start3A_113 = arith.constant 9600 : i32
          %dma_start3A_114 = arith.constant 0 : i32
          %dma_start3A_115 = tpu.memref_slice %arg8[%dma_start3A_113, %dma_start3A_114] : memref<10000x64xf32, #tpu.memory_space<hbm>> -> memref<400x32xf32, #tpu.memory_space<hbm>>
          %dma_start3A_116 = arith.constant 0 : i32
          %dma_start3A_117 = arith.constant 0 : i32
          %dma_start3A_118 = tpu.memref_slice %arg16[%dma_start3A_116, %dma_start3A_117] : memref<640x32xf32, #tpu.memory_space<vmem>> -> memref<400x32xf32, #tpu.memory_space<vmem>>
          tpu.enqueue_dma source(%dma_start3A_118 : memref<400x32xf32, #tpu.memory_space<vmem>>) target(%dma_start3A_115 : memref<400x32xf32, #tpu.memory_space<hbm>>) target_semaphore(%run_scoped3A_106 : memref<!tpu.dma_semaphore, #tpu.memory_space<semaphore_mem>>)
          %dma_wait3A_119 = arith.constant 0 : i32
          %dma_wait3A_120 = arith.constant 0 : i32
          %dma_wait3A_121 = tpu.memref_slice %arg16[%dma_wait3A_119, %dma_wait3A_120] : memref<640x32xf32, #tpu.memory_space<vmem>> -> memref<400x32xf32, #tpu.memory_space<vmem>>
          %dma_wait3A_122 = arith.constant 9600 : i32
          %dma_wait3A_123 = arith.constant 0 : i32
          %dma_wait3A_124 = tpu.memref_slice %arg8[%dma_wait3A_122, %dma_wait3A_123] : memref<10000x64xf32, #tpu.memory_space<hbm>> -> memref<400x32xf32, #tpu.memory_space<hbm>>
          %dma_wait3A_125 = arith.constant 9600 : i32
          %dma_wait3A_126 = arith.constant 0 : i32
          %dma_wait3A_127 = tpu.memref_slice %arg8[%dma_wait3A_125, %dma_wait3A_126] : memref<10000x64xf32, #tpu.memory_space<hbm>> -> memref<400x32xf32, #tpu.memory_space<hbm>>
          %dma_wait3A_128 = arith.constant 0 : i32
          %dma_wait3A_129 = arith.constant 0 : i32
          %dma_wait3A_130 = tpu.memref_slice %arg16[%dma_wait3A_128, %dma_wait3A_129] : memref<640x32xf32, #tpu.memory_space<vmem>> -> memref<400x32xf32, #tpu.memory_space<vmem>>
          tpu.wait_dma2 semaphore(%run_scoped3A_106 : memref<!tpu.dma_semaphore, #tpu.memory_space<semaphore_mem>>) src(%dma_wait3A_130 : memref<400x32xf32, #tpu.memory_space<vmem>>) dst(%dma_wait3A_127 : memref<400x32xf32, #tpu.memory_space<hbm>>)
          tpu.yield
        }) : () -> ()
      } else {
      }
    } else {
    }
    %eq3A_92 = arith.constant 1 : i32
    %eq3A_93 = arith.cmpi eq, %arg0, %eq3A_92 : i32
    %convert_element_type3A_94 = arith.extui %eq3A_93 : i1 to i32
    %cond3A_95 = arith.constant 0 : i32
    %cond3A_96 = arith.cmpi ne, %convert_element_type3A_94, %cond3A_95 : i32
    scf.if %cond3A_96 {
      %lt3A = arith.constant 15 : i32
      %lt3A_97 = arith.cmpi slt, %arg1, %lt3A : i32
      %convert_element_type3A_98 = arith.extui %lt3A_97 : i1 to i32
      %cond3A_99 = arith.constant 0 : i32
      %cond3A_100 = arith.cmpi ne, %convert_element_type3A_98, %cond3A_99 : i32
      scf.if %cond3A_100 {
        "tpu.region"() ({
          %run_scoped3A_106 = tpu.sem_alloc : memref<!tpu.dma_semaphore, #tpu.memory_space<semaphore_mem>>
          %dma_start3A_107 = arith.constant 32 : i32
          %dma_start3A_108 = tpu.memref_slice %arg8[%mul3A_0, %dma_start3A_107] : memref<10000x64xf32, #tpu.memory_space<hbm>> -> memref<640x32xf32, #tpu.memory_space<hbm>>
          %dma_start3A_109 = arith.constant 32 : i32
          %dma_start3A_110 = tpu.memref_slice %arg8[%mul3A_0, %dma_start3A_109] : memref<10000x64xf32, #tpu.memory_space<hbm>> -> memref<640x32xf32, #tpu.memory_space<hbm>>
          tpu.enqueue_dma source(%arg16 : memref<640x32xf32, #tpu.memory_space<vmem>>) target(%dma_start3A_110 : memref<640x32xf32, #tpu.memory_space<hbm>>) target_semaphore(%run_scoped3A_106 : memref<!tpu.dma_semaphore, #tpu.memory_space<semaphore_mem>>)
          %dma_wait3A_111 = arith.constant 32 : i32
          %dma_wait3A_112 = tpu.memref_slice %arg8[%mul3A_0, %dma_wait3A_111] : memref<10000x64xf32, #tpu.memory_space<hbm>> -> memref<640x32xf32, #tpu.memory_space<hbm>>
          %dma_wait3A_113 = arith.constant 32 : i32
          %dma_wait3A_114 = tpu.memref_slice %arg8[%mul3A_0, %dma_wait3A_113] : memref<10000x64xf32, #tpu.memory_space<hbm>> -> memref<640x32xf32, #tpu.memory_space<hbm>>
          tpu.wait_dma2 semaphore(%run_scoped3A_106 : memref<!tpu.dma_semaphore, #tpu.memory_space<semaphore_mem>>) src(%arg16 : memref<640x32xf32, #tpu.memory_space<vmem>>) dst(%dma_wait3A_114 : memref<640x32xf32, #tpu.memory_space<hbm>>)
          tpu.yield
        }) : () -> ()
      } else {
      }
      %eq3A_101 = arith.constant 15 : i32
      %eq3A_102 = arith.cmpi eq, %arg1, %eq3A_101 : i32
      %convert_element_type3A_103 = arith.extui %eq3A_102 : i1 to i32
      %cond3A_104 = arith.constant 0 : i32
      %cond3A_105 = arith.cmpi ne, %convert_element_type3A_103, %cond3A_104 : i32
      scf.if %cond3A_105 {
        "tpu.region"() ({
          %run_scoped3A_106 = tpu.sem_alloc : memref<!tpu.dma_semaphore, #tpu.memory_space<semaphore_mem>>
          %dma_start3A_107 = arith.constant 0 : i32
          %dma_start3A_108 = arith.constant 0 : i32
          %dma_start3A_109 = tpu.memref_slice %arg16[%dma_start3A_107, %dma_start3A_108] : memref<640x32xf32, #tpu.memory_space<vmem>> -> memref<400x32xf32, #tpu.memory_space<vmem>>
          %dma_start3A_110 = arith.constant 9600 : i32
          %dma_start3A_111 = arith.constant 32 : i32
          %dma_start3A_112 = tpu.memref_slice %arg8[%dma_start3A_110, %dma_start3A_111] : memref<10000x64xf32, #tpu.memory_space<hbm>> -> memref<400x32xf32, #tpu.memory_space<hbm>>
          %dma_start3A_113 = arith.constant 9600 : i32
          %dma_start3A_114 = arith.constant 32 : i32
          %dma_start3A_115 = tpu.memref_slice %arg8[%dma_start3A_113, %dma_start3A_114] : memref<10000x64xf32, #tpu.memory_space<hbm>> -> memref<400x32xf32, #tpu.memory_space<hbm>>
          %dma_start3A_116 = arith.constant 0 : i32
          %dma_start3A_117 = arith.constant 0 : i32
          %dma_start3A_118 = tpu.memref_slice %arg16[%dma_start3A_116, %dma_start3A_117] : memref<640x32xf32, #tpu.memory_space<vmem>> -> memref<400x32xf32, #tpu.memory_space<vmem>>
          tpu.enqueue_dma source(%dma_start3A_118 : memref<400x32xf32, #tpu.memory_space<vmem>>) target(%dma_start3A_115 : memref<400x32xf32, #tpu.memory_space<hbm>>) target_semaphore(%run_scoped3A_106 : memref<!tpu.dma_semaphore, #tpu.memory_space<semaphore_mem>>)
          %dma_wait3A_119 = arith.constant 0 : i32
          %dma_wait3A_120 = arith.constant 0 : i32
          %dma_wait3A_121 = tpu.memref_slice %arg16[%dma_wait3A_119, %dma_wait3A_120] : memref<640x32xf32, #tpu.memory_space<vmem>> -> memref<400x32xf32, #tpu.memory_space<vmem>>
          %dma_wait3A_122 = arith.constant 9600 : i32
          %dma_wait3A_123 = arith.constant 32 : i32
          %dma_wait3A_124 = tpu.memref_slice %arg8[%dma_wait3A_122, %dma_wait3A_123] : memref<10000x64xf32, #tpu.memory_space<hbm>> -> memref<400x32xf32, #tpu.memory_space<hbm>>
          %dma_wait3A_125 = arith.constant 9600 : i32
          %dma_wait3A_126 = arith.constant 32 : i32
          %dma_wait3A_127 = tpu.memref_slice %arg8[%dma_wait3A_125, %dma_wait3A_126] : memref<10000x64xf32, #tpu.memory_space<hbm>> -> memref<400x32xf32, #tpu.memory_space<hbm>>
          %dma_wait3A_128 = arith.constant 0 : i32
          %dma_wait3A_129 = arith.constant 0 : i32
          %dma_wait3A_130 = tpu.memref_slice %arg16[%dma_wait3A_128, %dma_wait3A_129] : memref<640x32xf32, #tpu.memory_space<vmem>> -> memref<400x32xf32, #tpu.memory_space<vmem>>
          tpu.wait_dma2 semaphore(%run_scoped3A_106 : memref<!tpu.dma_semaphore, #tpu.memory_space<semaphore_mem>>) src(%dma_wait3A_130 : memref<400x32xf32, #tpu.memory_space<vmem>>) dst(%dma_wait3A_127 : memref<400x32xf32, #tpu.memory_space<hbm>>)
          tpu.yield
        }) : () -> ()
      } else {
      }
    } else {
    }
    return
  }
}

module attributes {stable_mosaic.version = 14 : i64} {
  func.func @_mlp_body(%arg0: i32, %arg1: memref<2048x256xf32, #tpu.memory_space<vmem>>, %arg2: memref<2048x16xf32, #tpu.memory_space<vmem>>, %arg3: memref<256x256xf32, #tpu.memory_space<vmem>>, %arg4: memref<1x256xf32, #tpu.memory_space<vmem>>, %arg5: memref<256x64xf32, #tpu.memory_space<vmem>>, %arg6: memref<2048x64xf32, #tpu.memory_space<vmem>>) attributes {dimension_semantics = [#tpu.dimension_semantics<arbitrary>], iteration_bounds = array<i64: 5>, scalar_prefetch = 0 : i64, scratch_operands = 0 : i64, tpu.core_type = #tpu.core_type<tc>, window_params = [{transform_indices = @transform_0, window_bounds = array<i64: 2048, 256>}, {transform_indices = @transform_1, window_bounds = array<i64: 2048, 16>}, {pipeline_mode = #tpu.pipeline_mode<synchronous>, transform_indices = @transform_2, window_bounds = array<i64: 256, 256>}, {pipeline_mode = #tpu.pipeline_mode<synchronous>, transform_indices = @transform_3, window_bounds = array<i64: 1, 256>}, {pipeline_mode = #tpu.pipeline_mode<synchronous>, transform_indices = @transform_4, window_bounds = array<i64: 256, 64>}, {transform_indices = @transform_5, window_bounds = array<i64: 2048, 64>}]} {
    %get3A = arith.constant 0 : index
    %get3A_0 = arith.constant 0 : index
    %get3A_1 = vector.load %arg1[%get3A, %get3A_0] : memref<2048x256xf32, #tpu.memory_space<vmem>>, vector<2048x256xf32>
    %get3A_2 = arith.constant 0 : index
    %get3A_3 = arith.constant 0 : index
    %get3A_4 = vector.load %arg2[%get3A_2, %get3A_3] : memref<2048x16xf32, #tpu.memory_space<vmem>>, vector<2048x16xf32>
    %slice3A = vector.extract_strided_slice %get3A_4 {offsets = [0, 0], sizes = [2048, 1], strides = [1, 1]} : vector<2048x16xf32> to vector<2048x1xf32>
    %mul3A = vector.broadcast %slice3A : vector<2048x1xf32> to vector<2048x256xf32>
    %mul3A_5 = arith.mulf %get3A_1, %mul3A : vector<2048x256xf32>
    %get3A_6 = arith.constant 0 : index
    %get3A_7 = arith.constant 0 : index
    %get3A_8 = vector.load %arg3[%get3A_6, %get3A_7] : memref<256x256xf32, #tpu.memory_space<vmem>>, vector<256x256xf32>
    %dot_general3A = arith.constant dense<0.000000e+00> : vector<2048x256xf32>
    %dot_general3A_9 = tpu.matmul %mul3A_5, %get3A_8, %dot_general3A {dimension_numbers = #tpu.dot_dimension_numbers<[1], [0], [0], [1], [0, 0, 1, 1], [], []>, transpose_lhs_hint = false} : vector<2048x256xf32>, vector<256x256xf32>, vector<2048x256xf32> -> vector<2048x256xf32>
    %get3A_10 = arith.constant 0 : index
    %get3A_11 = arith.constant 0 : index
    %get3A_12 = vector.load %arg4[%get3A_10, %get3A_11] : memref<1x256xf32, #tpu.memory_space<vmem>>, vector<1x256xf32>
    %add3A = vector.broadcast %get3A_12 : vector<1x256xf32> to vector<2048x256xf32>
    %add3A_13 = arith.addf %dot_general3A_9, %add3A : vector<2048x256xf32>
    %max3A = arith.constant 0.000000e+00 : f32
    %max3A_14 = vector.broadcast %max3A : f32 to vector<2048x256xf32>
    %max3A_15 = arith.maximumf %add3A_13, %max3A_14 : vector<2048x256xf32>
    %get3A_16 = arith.constant 0 : index
    %get3A_17 = arith.constant 0 : index
    %get3A_18 = vector.load %arg5[%get3A_16, %get3A_17] : memref<256x64xf32, #tpu.memory_space<vmem>>, vector<256x64xf32>
    %dot_general3A_19 = arith.constant dense<0.000000e+00> : vector<2048x64xf32>
    %dot_general3A_20 = tpu.matmul %max3A_15, %get3A_18, %dot_general3A_19 {dimension_numbers = #tpu.dot_dimension_numbers<[1], [0], [0], [1], [0, 0, 1, 1], [], []>, transpose_lhs_hint = false} : vector<2048x256xf32>, vector<256x64xf32>, vector<2048x64xf32> -> vector<2048x64xf32>
    %swap3A = arith.constant 0 : index
    %swap3A_21 = arith.constant 0 : index
    %swap3A_22 = vector.load %arg6[%swap3A, %swap3A_21] : memref<2048x64xf32, #tpu.memory_space<vmem>>, vector<2048x64xf32>
    tpu.vector_store %arg6[%swap3A, %swap3A_21], %dot_general3A_20 {strides = array<i32>} : memref<2048x64xf32, #tpu.memory_space<vmem>>, vector<2048x64xf32>,
    return
  }
  func.func @transform_0(%arg0: i32) -> (i32, i32) {
    %c0_i32 = arith.constant 0 : i32
    %c0_i32_0 = arith.constant 0 : i32
    return %arg0, %c0_i32 : i32, i32
  }
  func.func @transform_1(%arg0: i32) -> (i32, i32) {
    %c0_i32 = arith.constant 0 : i32
    %c0_i32_0 = arith.constant 0 : i32
    return %arg0, %c0_i32 : i32, i32
  }
  func.func @transform_2(%arg0: i32) -> (i32, i32) {
    %c0_i32 = arith.constant 0 : i32
    %c0_i32_0 = arith.constant 0 : i32
    %c0_i32_1 = arith.constant 0 : i32
    return %c0_i32, %c0_i32_0 : i32, i32
  }
  func.func @transform_3(%arg0: i32) -> (i32, i32) {
    %c0_i32 = arith.constant 0 : i32
    %c0_i32_0 = arith.constant 0 : i32
    %c0_i32_1 = arith.constant 0 : i32
    return %c0_i32, %c0_i32_0 : i32, i32
  }
  func.func @transform_4(%arg0: i32) -> (i32, i32) {
    %c0_i32 = arith.constant 0 : i32
    %c0_i32_0 = arith.constant 0 : i32
    %c0_i32_1 = arith.constant 0 : i32
    return %c0_i32, %c0_i32_0 : i32, i32
  }
  func.func @transform_5(%arg0: i32) -> (i32, i32) {
    %c0_i32 = arith.constant 0 : i32
    %c0_i32_0 = arith.constant 0 : i32
    return %arg0, %c0_i32 : i32, i32
  }
}

</mosaic_0001>

<sc_bundles>
// kernel: kernel.5.cloned.1.call-start
scs
__scs_entry_jumppad:
0x0: {  	(pc) =	sbr.rel $0x88, $3  }
0x1: {  	(tag) =	ssettag $0x0;
	lr =	simm.s32 $0x1  }
0x2: {  	[smem:$0x3F9B] =	sst lr;
	_ =	strace $0xD0000000  }
0x3: {  	_ = 	snop  }
0x4: {  	_ = 	snop  }
0x5: {  	_ = 	snop  }
0x6: {  	_ = 	snop  }
0x7: {  	_ = 	snop  }
__scs_overlays_trampoline_lowered:
0x8: {  	[smem:$0x3FAA] =	sst s0  }
0x9: {  	[smem:$0x3FAB] =	sst s1  }
0xa: {  	[smem:$0x3FAC] =	sst s2  }
0xb: {  	[smem:$0x3FAD] =	sst s3  }
0xc: {  	[smem:$0x3FAE] =	sst s4  }
0xd: {  	[smem:$0x3FAF] =	sst s5  }
0xe: {  	[smem:$0x3FB0] =	sst s6  }
0xf: {  	[smem:$0x3FB1] =	sst s7  }
0x10: {  	[smem:$0x3FB2] =	sst s8  }
0x11: {  	[smem:$0x3FB3] =	sst s9;
	s0 =	simm.s32 @!p0 $0x0  }
0x12: {  	s1 =	sld [smem:$0x3F99];
	s0 =	simm.s32 @p0 $0x1  }
0x13: {  	[smem:$0x3FB4] =	sst s0;
	s0 =	simm.s32 @!p1 $0x0  }
0x14: {  	s2 =	sld [smem:$0x3F98];
	s0 =	simm.s32 @p1 $0x1  }
0x15: {  	[smem:$0x3FB5] =	sst s0;
	s0 =	simm.s32 @!p2 $0x0  }
0x16: {  	s3 =	sld [smem:$0x3FDB];
	s0 =	simm.s32 @p2 $0x1  }
0x17: {  	s4 =	simm.s32 $0x1BF5;
	[smem:$0x3FB7] =	sst s0  }
0x18: {  	s0 =	sld [smem:$0x3F9A];
	_ =	swait.ge [sflag:s4], $0x0  }
0x19: {  	s7 =	sld [smem:$0x3F9B]  }
0x1a: {  	s8 =	sadd.s32 $0xFFFFE003, lr  }
0x1b: {  	s9 =	sadd.s32 $0xFFFFFEF7, lr;
	s5 =	simm.s32 $0xFFFFFFFF;
	p2 =	slt.u32 s8, $0xFFFFF086  }
0x1c: {  	p1 =	slt.u32 s9, $0xF7A;
	s5 =	simm.s32 @!p2 $0x0  }
0x1d: {  	s5 =	simm.s32 @p1 $0x1;
	p0 =	seq.s32 s7, s2  }
0x1e: {  	s7 =	smul.u32 @!p0 $0xF7A, s2;
	p2 =	seq.s32 @!p0 s5, $0x0  }
0x1f: {  	s9 =	smul.u32 $0xF7A, s1;
	s8 =	simm.s32 @!p0 $0x1BF5;
	p2 =	por !p2, p0  }
0x20: {  	[sflag:s8] =	ssyncset.s32 @!p0 $0xFFFFF086;
	s6 =	sadd.s32 @!p0 s3, s7;
	s7 =	simm.s32 @!p0 $0x108  }
0x21: {  	s3 =	sadd.s32 s3, s9;
	s6 =	sadd.s32 @!p0 $0x88, s6;
	s7 =	simm.s32 @p2 $0x1082  }
0x22: {  	[simem:s7], [sflag:s8] =	dma.local @!p0 [hbm:s6], $0xF7A  }
0x23: {  	s9 =	sor.u32 $0xD0000000, s2;
	s6 =	simm.s32 $0x108;
	_ =	swait.ge @!p0 [sflag:s8], $0x0  }
0x24: {  	s3 =	sadd.s32 $0x88, s3;
	s6 =	simm.s32 @!p1 $0x1082;
	[sflag:s4] =	ssyncset.s32 $0xFFFFF086  }
0x25: {  	[simem:s6], [sflag:s4] =	dma.local [hbm:s3], $0xF7A  }
0x26: {  	[smem:$0x3F9B] =	sst s1;
	(tag) =	ssettag s2;
	_ =	strace s9  }
0x27: {  	s1 =	sld [smem:$0x3FAB]  }
0x28: {  	s2 =	sld [smem:$0x3FAC]  }
0x29: {  	s4 =	sld [smem:$0x3FAE]  }
0x2a: {  	p0 =	seq.s32 s5, $0x0;
	s5 =	sld [smem:$0x3FAF]  }
0x2b: {  	s6 =	sld [smem:$0x3FB0]  }
0x2c: {  	s7 =	sld [smem:$0x3FB1]  }
0x2d: {  	s3 =	simm.s32 $0x108;
	s8 =	sld [smem:$0x3FB2]  }
0x2e: {  	s3 =	simm.s32 @!p0 $0x1082;
	s9 =	sld [smem:$0x3FB3]  }
0x2f: {  	lr =	sadd.s32 s0, s3;
	s0 =	sld [smem:$0x3FAA]  }
0x30: {  	s3 =	sld [smem:$0x3FAD]  }
0x31: {  	[smem:$0x3FB6] =	sst s10  }
0x32: {  	s10 =	sld [smem:$0x3FB4];
	_ =	sdelay $0x3  }
0x33: {  	p0 =	seq.s32 s10, $0x1;
	s10 =	sld [smem:$0x3FB6];
	_ =	sdelay $0x3  }
0x34: {  	[smem:$0x3FB6] =	sst s10  }
0x35: {  	s10 =	sld [smem:$0x3FB5];
	_ =	sdelay $0x3  }
0x36: {  	p1 =	seq.s32 s10, $0x1;
	s10 =	sld [smem:$0x3FB6];
	_ =	sdelay $0x3  }
0x37: {  	[smem:$0x3FB6] =	sst s10  }
0x38: {  	s10 =	sld [smem:$0x3FB7]  }
0x39: {  	_ = 	snop;
	(pc) =	sbr.ind lr, $3  }
0x3a: {  	_ = 	snop  }
0x3b: {  	_ = 	snop  }
0x3c: {  	p2 =	seq.s32 s10, $0x1;
	s10 =	sld [smem:$0x3FB6]  }
0x3d: {  	_ =	shalt  }
0x3e: {  	_ =	shalt  }
0x3f: {  	_ =	shalt  }
0x40: {  	_ =	shalt  }
0x41: {  	_ =	shalt  }
0x42: {  	_ =	shalt  }
0x43: {  	_ =	shalt  }
0x44: {  	_ =	shalt  }
0x45: {  	_ =	shalt  }
0x46: {  	_ =	shalt  }
0x47: {  	_ =	shalt  }
0x48: {  	_ =	shalt  }
0x49: {  	_ =	shalt  }
0x4a: {  	_ =	shalt  }
0x4b: {  	_ =	shalt  }
0x4c: {  	_ =	shalt  }
0x4d: {  	_ =	shalt  }
0x4e: {  	_ =	shalt  }
0x4f: {  	_ =	shalt  }
0x50: {  	_ =	shalt  }
0x51: {  	_ =	shalt  }
0x52: {  	_ =	shalt  }
0x53: {  	_ =	shalt  }
0x54: {  	_ =	shalt  }
0x55: {  	_ =	shalt  }
0x56: {  	_ =	shalt  }
0x57: {  	_ =	shalt  }
0x58: {  	_ =	shalt  }
0x59: {  	_ =	shalt  }
0x5a: {  	_ =	shalt  }
0x5b: {  	_ =	shalt  }
0x5c: {  	_ =	shalt  }
0x5d: {  	_ =	shalt  }
0x5e: {  	_ =	shalt  }
0x5f: {  	_ =	shalt  }
0x60: {  	_ =	shalt  }
0x61: {  	_ =	shalt  }
0x62: {  	_ =	shalt  }
0x63: {  	_ =	shalt  }
0x64: {  	_ =	shalt  }
0x65: {  	_ =	shalt  }
0x66: {  	_ =	shalt  }
0x67: {  	_ =	shalt  }
0x68: {  	_ =	shalt  }
0x69: {  	_ =	shalt  }
0x6a: {  	_ =	shalt  }
0x6b: {  	_ =	shalt  }
0x6c: {  	_ =	shalt  }
0x6d: {  	_ =	shalt  }
0x6e: {  	_ =	shalt  }
0x6f: {  	_ =	shalt  }
0x70: {  	_ =	shalt  }
0x71: {  	_ =	shalt  }
0x72: {  	_ =	shalt  }
0x73: {  	_ =	shalt  }
0x74: {  	_ =	shalt  }
0x75: {  	_ =	shalt  }
0x76: {  	_ =	shalt  }
0x77: {  	_ =	shalt  }
0x78: {  	_ =	shalt  }
0x79: {  	_ =	shalt  }
0x7a: {  	_ =	shalt  }
0x7b: {  	_ =	shalt  }
0x7c: {  	_ =	shalt  }
0x7d: {  	_ =	shalt  }
0x7e: {  	_ =	shalt  }
0x7f: {  	_ =	shalt  }
0x80: {  	_ =	shalt  }
0x81: {  	_ =	shalt  }
0x82: {  	_ =	shalt  }
0x83: {  	_ =	shalt  }
0x84: {  	_ =	shalt  }
0x85: {  	_ =	shalt  }
0x86: {  	_ =	shalt  }
0x87: {  	_ =	shalt  }
.Lfunc_end0:
.L_simem_size_0:
called_computation_lowered:
.L_overlay_start_0:
0x88: {  	s2 =	sld [smem:$0x3FD9]  }
0x89: {  	s3 =	sld [smem:$0x3FFE];
	_ =	sdelay $0x1  }
0x8a: {  	s1 =	srdreg.scid  }
0x8b: {  	s0 =	sand.u32 $0x1, s1  }
0x8c: {  	s17 =	sshll.u32 s0, $0xA;
	s2 =	sadd.s32 s3, s2  }
0x8d: {  	s2 =	sadd.s32 s2, s17  }
0x8e: {  	[smem:$0x3FC2] =	sst s2  }
0x8f: {  	_ = 	snop  }
0x90: {  	s2 =	sld [smem:$0x3FD0];
	(tm) =	ssettm $0x1  }
0x91: {  	s18 =	sld [smem:$0x3FFB];
	_ =	sdelay $0x3  }
0x92: {  	_ =	strace s18  }
0x93: {  	s3 =	sld [smem:$0x3FFC];
	_ =	sdelay $0x3  }
0x94: {  	_ =	strace s3  }
0x95: {  	s3 =	sld [smem:$0x3FFD];
	_ =	sdelay $0x3  }
0x96: {  	_ =	strace s3  }
0x97: {  	_ =	strace $0x8FFFFFFF  }
0x98: {  	s19 =	sld [smem:$0x3FDB];
	_ =	sdelay $0x1  }
0x99: {  	s4 =	simm.s32 $_scs_section_size  }
0x9a: {  	s5 =	simm.s32 $_size__tile_overlayer_lowered;
	s6 =	simm.s32 $_tile_overlayer_lowered  }
0x9b: {  	s22 =	simm.s32 $0x1BFF;
	s21 =	sshll.u32 s6, $0x1;
	s3 =	sadd.s32 s4, s19  }
0x9c: {  	s7 =	simm.s32 $0x0;
	s20 =	sshll.u32 s5, $0x1;
	s5 =	sadd.s32 s21, s3  }
0x9d: {  	[timem:s7], [sflag:s22] =	dma.local [hbm:s5], s20  }
0x9e: {  	_ =	swait.ge [sflag:s22], s20  }
0x9f: {  	s4 =	ssub.s32 $0x0, s20;
	[sflag:s22] =	ssyncset.done $0x0  }
0xa0: {  	[sflag:s22] =	ssyncadd.s32 s4;
	_ =	sdelay $0x1  }
0xa1: {  	s23 =	simm.s32 $0x1B8B  }
0xa2: {  	_ =	swait.ge [sflag:s23], $0x1  }
0xa3: {  	[sflag:s23] =	ssyncset.done $0x0  }
0xa4: {  	s25 =	simm.s32 $0x1B8E;
	s24 =	sld [smem:$0x3FFE];
	[sflag:s23] =	ssyncadd.s32 $0xFFFFFFFF  }
0xa5: {  	s26 =	simm.s32 $execute0_lowered;
	[smem:$0x3FD2] =	sst s25  }
0xa6: {  	s5 =	sshll.u32 s26, $0x1;
	_ =	strace $0x80000046;
	[dreg:$0x1] =	wrdreg $0xFFFFFFFF  }
0xa7: {  	s28 =	simm.s32 $_size_execute0_lowered;
	s3 =	sadd.s32 s3, s5;
	[dreg:$0x0] =	wrdreg $0x0  }
0xa8: {  	s5 =	sshll.u32 s28, $0x1;
	[dreg:$0x2] =	wrdreg s3  }
0xa9: {  	[dreg:$0x3] =	wrdreg s5  }
0xaa: {  	[dreg:$0x4] =	wrdreg $0xC0  }
0xab: {  	_ =	task [dreg:s7], $0x5FFFF  }
0xac: {  	[dreg:$0x1] =	wrdreg $0xFFFFFFFF  }
0xad: {  	[dreg:$0x0] =	wrdreg $0x60  }
0xae: {  	[dreg:$0x2] =	wrdreg s24  }
0xaf: {  	[dreg:$0x3] =	wrdreg s2  }
0xb0: {  	[dreg:$0x4] =	wrdreg $0x0  }
0xb1: {  	[dreg:$0x5] =	wrdreg $0xA0000  }
0xb2: {  	[dreg:$0x6] =	wrdreg $0x9  }
0xb3: {  	_ =	task.clear_ibuf [dreg:s7], $0x7FFFF;
	_ =	strace $0x90000046  }
0xb4: {  	s29 =	simm.s32 $0x9;
	_ =	strace $0x80000048  }
0xb5: {  	_ =	swait.ge [sflag:s29], $0x1  }
0xb6: {  	[sflag:s29] =	ssyncadd.s32 $0xFFFFFFFF  }
0xb7: {  	_ =	strace $0x90000048  }
0xb8: {  	_ =	sfence  }
0xb9: {  	s30 =	sld [smem:$0x0];
	_ =	sdelay $0x2  }
0xba: {  	s31 =	sshll.u32 s1, $0xD;
	s1 =	sshrl.u32 s1, $0x2  }
0xbb: {  	s3 =	sand.u32 $0x4000, s31;
	s1 =	sadd.s32 s1, s30  }
0xbc: {  	s0 =	sor.u32 s3, s0;
	s1 =	sshll.u32 s1, $0x11  }
0xbd: {  	s0 =	sor.u32 s1, s0  }
0xbe: {  	s0 =	sadd.s32 $0x8F2B, s0  }
0xbf: {  	[sflag:s0] =	ssyncadd.remote.s32 $0x1  }
0xc0: {  	_ =	sfence.sel $0xFFFF  }
0xc1: {  	[dreg:$0x0] =	wrdreg $0xFFFFFFFF;
	(pc) =	sbr.abs _section_cstart, $3  }
0xc2: {  	[dreg:$0x1] =	wrdreg $0xFFFFFFFF  }
0xc3: {  	_ =	task.clear_ibuf [dreg:s7], $0x2FFFF;
	_ =	strace $0x9FFFFFFF  }
0xc4: {  	(tm) =	ssettm $0x7FFFFFFF  }
0xc5: {  	_ =	shalt  }
tec
execute0_lowered:
.L_overlay_start_1:
0x0: {  	(tag) =	ssettag $0x1  }
0x1: {  	s0 =	rddreg [dreg:$0x0]  }
0x2: {  	s1 =	rddreg [dreg:$0x1]  }
0x3: {  	s2 =	rddreg [dreg:$0x2]  }
0x4: {  	s20 =	stileid.u32;
	s3 =	rddreg [dreg:$0x3];
	s4 =	simm.s32 $0x0  }
0x5: {  	s11 =	srdreg.scid;
	s28 =	simm.s32 $0x14820;
	s29 =	simm.s32 $0x1  }
0x6: {  	s30 =	simm.s32 $0x17A20;
	s31 =	simm.s32 $0x2;
	s7 =	smul.u32 $0x2710, s20  }
0x7: {  	[smem:$0x7FF] =	sst s4;
	s5 =	sadd.s32 $0xA00, s0;
	s10 =	smul.u32 $0x5000, s20  }
0x8: {  	s6 =	sadd.s32 $0x53C00, s0;
	s12 =	sadd.s32 $0x55000, s0;
	s24 =	smul.u32 $0x2800, s20  }
0x9: {  	s25 =	sadd.s32 $0x55600, s0;
	_ =	strace $0x80000047;
	[dreg:$0x5] =	wrdreg s12  }
0xa: {  	s13 =	sand.u32 $0x1, s11;
	s14 =	smul.u32 $0x28000, s20;
	[dreg:$0x6] =	wrdreg s25  }
0xb: {  	s26 =	ssub.s32 $0x2, s13;
	p0 =	seq.s32 s13, $0x0;
	s8 =	sshrl.u32 s7, $0x3  }
0xc: {  	s15 =	sadd.s32 s10, s0;
	s17 =	sshrl.u32 s24, $0x3;
	s16 =	sshrl.u32 s26, $0x1  }
0xd: {  	s18 =	sshrl.u32 s14, $0x2;
	s11 =	sadd.s32 s24, s3;
	s24 =	sshll.u32 s13, $0x4  }
0xe: {  	s13 =	simm.s32 $0x20;
	s14 =	simm.s32 $0x8;
	s9 =	sadd.s32 s8, s0  }
0xf: {  	s0 =	sadd.s32 s17, s0;
	s16 =	ssub.s32 s26, s16;
	s19 =	sadd.s32 s18, s2  }
0x10: {  	s12 =	sadd.s32 $0x9C40, s8;
	s21 =	sadd.s32 $0x55818, s15;
	s22 =	sadd.s32 $0x55800, s15  }
0x11: {  	s23 =	sadd.s32 $0x55808, s15;
	s17 =	simm.s32 $0x27100;
	[dreg:$0x8] =	wrdreg s19  }
0x12: {  	s26 =	sshll.u32 s20, $0x6;
	s20 =	simm.s32 $0x4;
	[dreg:$0x9] =	wrdreg s21  }
0x13: {  	s9 =	sadd.s32 $0x4EC00, s9;
	[dreg:$0xa] =	wrdreg s23;
	s0 =	sadd.s32 $0xA5800, s0  }
0x14: {  	s15 =	smax.u32 s16, $0x1;
	s17 =	simm.s32 @!p0 $0x75300;
	s12 =	smov.u32 @p0 s8  }
0x15: {  	s19 =	simm.s32 $0x1AC20;
	s23 =	simm.s32 $0xC800;
	[dreg:$0x7] =	wrdreg s9  }
.Ltmp0:
0x16: {  	s21 =	simm.s32 $0x0;
	[dreg:$0xb] =	wrdreg s0;
	(pc) =	sbr.rel .LBB2_1-.Ltmp0, $4  }
0x17: {  	s7 =	sadd.s32 s17, s7;
	s16 =	sadd.s32 s1, s12;
	s17 =	sadd.s32 s24, s22  }
0x18: {  	s22 =	sor.u32 $0x1C04, s26;
	s24 =	simm.s32 $0xC8;
	s26 =	simm.s32 $0xC8C8  }
0x19: {  	s0 =	simm.s32 $0x11490;
	s12 =	simm.s32 $0x11558;
	s25 =	sshrl.u32 s7, $0x3  }
0x1a: {  	s18 =	sadd.s32 s1, s25;
	s25 =	simm.s32 $0x11620;
	s1 =	simm.s32 $0x3  }
.LBB2_6:
0x1b: {  	s8 =	rddreg [dreg:$0x9]  }
0x1c: {  	[hbm:s8@s13], [sflag:s22] =	dma.strided [spmem:s7@s14], $0x1400, s29, $0x8   }
0x1d: {  	_ =	swait.ge [sflag:s20], $0x1400  }
0x1e: {  	[sflag:s20] =	ssyncset.done $0x0  }
0x1f: {  	[sflag:s20] =	ssyncadd.s32 $0xFFFFEC00  }
0x20: {  	[bflag:$0x0] =	sbarrier.arrive $0xFFFF  }
.LBB2_10:
0x21: {  	s21 =	sadd.s32 $0x1, s21  }
0x22: {  	p1 =	sne.s32 s21, s15  }
.Ltmp1:
0x23: {  	_ = 	snop;
	(pc) =	sbr.rel @!p1 .LBB2_11-.Ltmp1, $1  }
0x24: {  	_ =	sdelay $0x3  }
.LBB2_1:
0x25: {  	s7 =	rddreg [dreg:$0x6]  }
0x26: {  	[tilespmem:s19], [sflag:$0x4] =	stream.linear.gather [hbm4b:s7+s4], $0xC80, $0x38;
	[tilespmem:$0x1E0A0] =	vst v63  }
0x27: {  	_ =	swait.ge [sflag:s20], $0xC80  }
0x28: {  	[sflag:s20] =	ssyncset.done $0x0  }
0x29: {  	s8 =	simm.s32 $0xEF10;
	s10 =	rddreg [dreg:$0x7];
	[sflag:s20] =	ssyncadd.s32 $0xFFFFF380  }
0x2a: {  	[tilespmem:s8], [sflag:$0x4] =	stream.linear.gather [hbm4b:s10+s4], $0x2710, $0x38;
	[tilespmem:$0x1E0A0] =	vst v63  }
0x2b: {  	_ =	swait.ge [sflag:s20], $0x2710  }
0x2c: {  	[sflag:s20] =	ssyncset.done $0x0;
	s9 =	rddreg [dreg:$0x8]  }
0x2d: {  	[sflag:s20] =	ssyncadd.s32 $0xFFFFD8F0;
	s7 =	sshrl.u32 s9, $0x3  }
0x2e: {  	[spmem:s7], [sflag:s22] =	dma.local [hbm:s6], $0x1400  }
0x2f: {  	_ =	swait.ge [sflag:s20], $0x1400  }
0x30: {  	[sflag:s20] =	ssyncset.done $0x0  }
0x31: {  	s10 =	sshrl.u32 s11, $0x3;
	s9 =	rddreg [dreg:$0x5];
	[sflag:s20] =	ssyncadd.s32 $0xFFFFEC00  }
0x32: {  	[spmem:s10], [sflag:s22] =	dma.local [hbm:s9], $0x500  }
0x33: {  	_ =	swait.ge [sflag:s20], $0x500  }
0x34: {  	[sflag:s20] =	ssyncset.done $0x0  }
0x35: {  	[sflag:s20] =	ssyncadd.s32 $0xFFFFFB00  }
0x36: {  	[tilespmem:s23], [sflag:$0x4] =	stream.linear.gather [hbm4b:s16+s4], $0x2710, $0x38;
	[tilespmem:$0x1E0A0] =	vst v63  }
0x37: {  	_ =	swait.ge [sflag:s20], $0x2710  }
0x38: {  	[sflag:s20] =	ssyncset.done $0x0  }
0x39: {  	[sflag:s20] =	ssyncadd.s32 $0xFFFFD8F0  }
0x3a: {  	[bflag:$0x0] =	sbarrier.arrive $0xFFFF  }
0x3b: {  	[tilespmem:s25], [sflag:$0x1] =	stream.indirect.gather [hbm4b:s5+s24], $0x40, s23, s24, $0xb8;
	[tilespmem:$0x1E0A0] =	vst v63  }
0x3c: {  	_ = 	snop  }
0x3d: {  	[tilespmem:s28], [sflag:$0x2] =	stream.indirect.gather [hbm4b:s5+s24], $0x40, s26, s24, $0xb8;
	[tilespmem:$0x1E0A0] =	vst v63  }
0x3e: {  	_ =	swait.ge [sflag:s29], $0x3200  }
0x3f: {  	[sflag:s29] =	ssyncset.done $0x0  }
0x40: {  	s9 =	simm.s32 $0xC990;
	[sflag:s29] =	ssyncadd.s32 $0xFFFFCE00  }
0x41: {  	[tilespmem:s30], [sflag:$0x3] =	stream.indirect.gather [hbm4b:s5+s24], $0x40, s9, s24, $0xb8;
	[tilespmem:$0x1E0A0] =	vst v63  }
0x42: {  	s10 =	simm.s32 $0xEF10  }
0x43: {  	[spmem:s2] =	stream.indirect.scatter.add.f32 [tilespmem:s25], [sflag:$0x4], $0x40, s10, s24, $0xb8;
	[tilespmem:$0x1E0A0] =	vst v63  }
0x44: {  	_ =	swait.ge [sflag:s20], $0x3200  }
0x45: {  	[sflag:s20] =	ssyncset.done $0x0  }
0x46: {  	[sflag:s20] =	ssyncadd.s32 $0xFFFFCE00  }
0x47: {  	[spmem:s3] =	stream.indirect.scatter.add.f32 [tilespmem:s19], [sflag:$0x4], $0x10, s10, s24, $0xb8;
	[tilespmem:$0x1E0A0] =	vst v63  }
0x48: {  	_ =	swait.ge [sflag:s20], $0xC80  }
0x49: {  	[sflag:s20] =	ssyncset.done $0x0  }
0x4a: {  	[sflag:s20] =	ssyncadd.s32 $0xFFFFF380  }
0x4b: {  	_ =	swait.ge [sflag:s31], $0x3200  }
0x4c: {  	[sflag:s31] =	ssyncset.done $0x0  }
0x4d: {  	s9 =	simm.s32 $0xCA58;
	[sflag:s31] =	ssyncadd.s32 $0xFFFFCE00  }
0x4e: {  	[tilespmem:s25], [sflag:$0x1] =	stream.indirect.gather [hbm4b:s5+s24], $0x40, s9, s24, $0xb8;
	[tilespmem:$0x1E0A0] =	vst v63  }
0x4f: {  	s10 =	simm.s32 $0xEFD8  }
0x50: {  	[spmem:s2] =	stream.indirect.scatter.add.f32 [tilespmem:s28], [sflag:$0x4], $0x40, s10, s24, $0xb8;
	[tilespmem:$0x1E0A0] =	vst v63  }
0x51: {  	_ =	swait.ge [sflag:s20], $0x3200  }
0x52: {  	[sflag:s20] =	ssyncset.done $0x0  }
0x53: {  	[sflag:s20] =	ssyncadd.s32 $0xFFFFCE00  }
0x54: {  	[spmem:s3] =	stream.indirect.scatter.add.f32 [tilespmem:s19], [sflag:$0x4], $0x10, s10, s24, $0xb8;
	[tilespmem:$0x1E0A0] =	vst v63  }
0x55: {  	_ =	swait.ge [sflag:s20], $0xC80  }
0x56: {  	[sflag:s20] =	ssyncset.done $0x0  }
0x57: {  	[sflag:s20] =	ssyncadd.s32 $0xFFFFF380  }
0x58: {  	_ =	swait.ge [sflag:s1], $0x3200  }
0x59: {  	[sflag:s1] =	ssyncset.done $0x0  }
0x5a: {  	s9 =	simm.s32 $0xCB20;
	[sflag:s1] =	ssyncadd.s32 $0xFFFFCE00  }
0x5b: {  	[tilespmem:s28], [sflag:$0x2] =	stream.indirect.gather [hbm4b:s5+s24], $0x40, s9, s24, $0xb8;
	[tilespmem:$0x1E0A0] =	vst v63  }
0x5c: {  	s10 =	simm.s32 $0xF0A0  }
0x5d: {  	[spmem:s2] =	stream.indirect.scatter.add.f32 [tilespmem:s30], [sflag:$0x4], $0x40, s10, s24, $0xb8;
	[tilespmem:$0x1E0A0] =	vst v63  }
0x5e: {  	_ =	swait.ge [sflag:s20], $0x3200  }
0x5f: {  	[sflag:s20] =	ssyncset.done $0x0  }
0x60: {  	[sflag:s20] =	ssyncadd.s32 $0xFFFFCE00  }
0x61: {  	[spmem:s3] =	stream.indirect.scatter.add.f32 [tilespmem:s19], [sflag:$0x4], $0x10, s10, s24, $0xb8;
	[tilespmem:$0x1E0A0] =	vst v63  }
0x62: {  	_ =	swait.ge [sflag:s20], $0xC80  }
0x63: {  	s8 =	simm.s32 $0x960;
	[sflag:s20] =	ssyncset.done $0x0  }
.LBB2_2:
0x64: {  	p1 =	sne.s32 s8, $0x8CA0  }
0x65: {  	[sflag:s20] =	ssyncadd.s32 $0xFFFFF380;
	s9 =	smov.u32 s8;
	s8 =	sadd.s32 $0x960, s8  }
0x66: {  	_ =	swait.ge [sflag:s29], $0x3200  }
0x67: {  	s9 =	sshra.s32 s9, $0x2;
	[sflag:s29] =	ssyncset.done $0x0  }
0x68: {  	s10 =	sadd.s32 $0xC990, s9;
	[sflag:s29] =	ssyncadd.s32 $0xFFFFCE00  }
0x69: {  	[tilespmem:s30], [sflag:$0x3] =	stream.indirect.gather [hbm4b:s5+s24], $0x40, s10, s24, $0xb8;
	[tilespmem:$0x1E0A0] =	vst v63  }
0x6a: {  	s10 =	sadd.s32 $0xEF10, s9  }
0x6b: {  	[spmem:s2] =	stream.indirect.scatter.add.f32 [tilespmem:s25], [sflag:$0x4], $0x40, s10, s24, $0xb8;
	[tilespmem:$0x1E0A0] =	vst v63  }
0x6c: {  	_ =	swait.ge [sflag:s20], $0x3200  }
0x6d: {  	[sflag:s20] =	ssyncset.done $0x0  }
0x6e: {  	[sflag:s20] =	ssyncadd.s32 $0xFFFFCE00  }
0x6f: {  	[spmem:s3] =	stream.indirect.scatter.add.f32 [tilespmem:s19], [sflag:$0x4], $0x10, s10, s24, $0xb8;
	[tilespmem:$0x1E0A0] =	vst v63  }
0x70: {  	_ =	swait.ge [sflag:s20], $0xC80  }
0x71: {  	[sflag:s20] =	ssyncset.done $0x0  }
0x72: {  	[sflag:s20] =	ssyncadd.s32 $0xFFFFF380  }
0x73: {  	_ =	swait.ge [sflag:s31], $0x3200  }
0x74: {  	[sflag:s31] =	ssyncset.done $0x0  }
0x75: {  	s10 =	sadd.s32 $0xCA58, s9;
	[sflag:s31] =	ssyncadd.s32 $0xFFFFCE00  }
0x76: {  	[tilespmem:s25], [sflag:$0x1] =	stream.indirect.gather [hbm4b:s5+s24], $0x40, s10, s24, $0xb8;
	[tilespmem:$0x1E0A0] =	vst v63  }
0x77: {  	s10 =	sadd.s32 $0xEFD8, s9  }
0x78: {  	[spmem:s2] =	stream.indirect.scatter.add.f32 [tilespmem:s28], [sflag:$0x4], $0x40, s10, s24, $0xb8;
	[tilespmem:$0x1E0A0] =	vst v63  }
0x79: {  	_ =	swait.ge [sflag:s20], $0x3200  }
0x7a: {  	[sflag:s20] =	ssyncset.done $0x0  }
0x7b: {  	[sflag:s20] =	ssyncadd.s32 $0xFFFFCE00  }
0x7c: {  	[spmem:s3] =	stream.indirect.scatter.add.f32 [tilespmem:s19], [sflag:$0x4], $0x10, s10, s24, $0xb8;
	[tilespmem:$0x1E0A0] =	vst v63  }
0x7d: {  	_ =	swait.ge [sflag:s20], $0xC80  }
0x7e: {  	[sflag:s20] =	ssyncset.done $0x0  }
0x7f: {  	[sflag:s20] =	ssyncadd.s32 $0xFFFFF380  }
0x80: {  	_ =	swait.ge [sflag:s1], $0x3200  }
0x81: {  	[sflag:s1] =	ssyncset.done $0x0  }
0x82: {  	s10 =	sadd.s32 $0xCB20, s9;
	[sflag:s1] =	ssyncadd.s32 $0xFFFFCE00  }
0x83: {  	[tilespmem:s28], [sflag:$0x2] =	stream.indirect.gather [hbm4b:s5+s24], $0x40, s10, s24, $0xb8;
	[tilespmem:$0x1E0A0] =	vst v63  }
0x84: {  	s9 =	sadd.s32 $0xF0A0, s9  }
0x85: {  	[spmem:s2] =	stream.indirect.scatter.add.f32 [tilespmem:s30], [sflag:$0x4], $0x40, s9, s24, $0xb8;
	[tilespmem:$0x1E0A0] =	vst v63  }
0x86: {  	_ =	swait.ge [sflag:s20], $0x3200  }
.Ltmp2:
0x87: {  	[sflag:s20] =	ssyncset.done $0x0;
	(pc) =	sbr.rel @p1 .LBB2_2-.Ltmp2, $4  }
0x88: {  	[sflag:s20] =	ssyncadd.s32 $0xFFFFCE00  }
0x89: {  	[spmem:s3] =	stream.indirect.scatter.add.f32 [tilespmem:s19], [sflag:$0x4], $0x10, s9, s24, $0xb8;
	[tilespmem:$0x1E0A0] =	vst v63  }
0x8a: {  	_ =	swait.ge [sflag:s20], $0xC80  }
0x8b: {  	[sflag:s20] =	ssyncset.done $0x0  }
0x8c: {  	[sflag:s20] =	ssyncadd.s32 $0xFFFFF380  }
0x8d: {  	_ =	swait.ge [sflag:s29], $0x3200  }
0x8e: {  	[sflag:s29] =	ssyncset.done $0x0  }
0x8f: {  	[sflag:s29] =	ssyncadd.s32 $0xFFFFCE00  }
0x90: {  	[spmem:s2] =	stream.indirect.scatter.add.f32 [tilespmem:s25], [sflag:$0x4], $0x40, s0, s24, $0xb8;
	[tilespmem:$0x1E0A0] =	vst v63  }
0x91: {  	_ =	swait.ge [sflag:s20], $0x3200  }
0x92: {  	[sflag:s20] =	ssyncset.done $0x0  }
0x93: {  	[sflag:s20] =	ssyncadd.s32 $0xFFFFCE00  }
0x94: {  	[spmem:s3] =	stream.indirect.scatter.add.f32 [tilespmem:s19], [sflag:$0x4], $0x10, s0, s24, $0xb8;
	[tilespmem:$0x1E0A0] =	vst v63  }
0x95: {  	_ =	swait.ge [sflag:s20], $0xC80  }
0x96: {  	[sflag:s20] =	ssyncset.done $0x0  }
0x97: {  	[sflag:s20] =	ssyncadd.s32 $0xFFFFF380  }
0x98: {  	_ =	swait.ge [sflag:s31], $0x3200  }
0x99: {  	[sflag:s31] =	ssyncset.done $0x0  }
0x9a: {  	[sflag:s31] =	ssyncadd.s32 $0xFFFFCE00  }
0x9b: {  	[spmem:s2] =	stream.indirect.scatter.add.f32 [tilespmem:s28], [sflag:$0x4], $0x40, s12, s24, $0xb8;
	[tilespmem:$0x1E0A0] =	vst v63  }
0x9c: {  	_ =	swait.ge [sflag:s20], $0x3200  }
0x9d: {  	[sflag:s20] =	ssyncset.done $0x0  }
0x9e: {  	[sflag:s20] =	ssyncadd.s32 $0xFFFFCE00  }
0x9f: {  	[spmem:s3] =	stream.indirect.scatter.add.f32 [tilespmem:s19], [sflag:$0x4], $0x10, s12, s24, $0xb8;
	[tilespmem:$0x1E0A0] =	vst v63  }
0xa0: {  	_ =	swait.ge [sflag:s20], $0xC80  }
0xa1: {  	[sflag:s20] =	ssyncset.done $0x0  }
0xa2: {  	[sflag:s20] =	ssyncadd.s32 $0xFFFFF380  }
0xa3: {  	[bflag:$0x0] =	sbarrier.arrive $0xFFFF  }
0xa4: {  	[hbm:s17@s13], [sflag:s22] =	dma.strided [spmem:s7@s14], $0x1400, s29, $0x8   }
0xa5: {  	_ =	swait.ge [sflag:s20], $0x1400  }
0xa6: {  	[sflag:s20] =	ssyncset.done $0x0  }
0xa7: {  	[sflag:s20] =	ssyncadd.s32 $0xFFFFEC00  }
0xa8: {  	[bflag:$0x0] =	sbarrier.arrive $0xFFFF  }
0xa9: {  	[spmem:s7], [sflag:s22] =	dma.local [hbm:s6], $0x1400  }
0xaa: {  	_ =	swait.ge [sflag:s20], $0x1400  }
0xab: {  	[sflag:s20] =	ssyncset.done $0x0  }
0xac: {  	s8 =	simm.s32 $0x0;
	[sflag:s20] =	ssyncadd.s32 $0xFFFFEC00  }
0xad: {  	[tilespmem:s23], [sflag:$0x4] =	stream.linear.gather [hbm4b:s18+s8], $0x2710, $0x38;
	[tilespmem:$0x1E0A0] =	vst v63  }
0xae: {  	_ =	swait.ge [sflag:s20], $0x2710  }
0xaf: {  	[sflag:s20] =	ssyncset.done $0x0  }
0xb0: {  	[sflag:s20] =	ssyncadd.s32 $0xFFFFD8F0  }
0xb1: {  	[bflag:$0x0] =	sbarrier.arrive $0xFFFF  }
0xb2: {  	[tilespmem:s25], [sflag:$0x1] =	stream.indirect.gather [hbm4b:s5+s24], $0x40, s23, s24, $0xb8;
	[tilespmem:$0x1E0A0] =	vst v63  }
0xb3: {  	_ = 	snop  }
0xb4: {  	[tilespmem:s28], [sflag:$0x2] =	stream.indirect.gather [hbm4b:s5+s24], $0x40, s26, s24, $0xb8;
	[tilespmem:$0x1E0A0] =	vst v63  }
0xb5: {  	_ =	swait.ge [sflag:s29], $0x3200  }
0xb6: {  	[sflag:s29] =	ssyncset.done $0x0  }
0xb7: {  	s9 =	simm.s32 $0xC990;
	[sflag:s29] =	ssyncadd.s32 $0xFFFFCE00  }
0xb8: {  	[tilespmem:s30], [sflag:$0x3] =	stream.indirect.gather [hbm4b:s5+s24], $0x40, s9, s24, $0xb8;
	[tilespmem:$0x1E0A0] =	vst v63  }
0xb9: {  	s10 =	simm.s32 $0xEF10  }
0xba: {  	[spmem:s2] =	stream.indirect.scatter.add.f32 [tilespmem:s25], [sflag:$0x4], $0x40, s10, s24, $0xb8;
	[tilespmem:$0x1E0A0] =	vst v63  }
0xbb: {  	_ =	swait.ge [sflag:s20], $0x3200  }
0xbc: {  	[sflag:s20] =	ssyncset.done $0x0  }
0xbd: {  	[sflag:s20] =	ssyncadd.s32 $0xFFFFCE00  }
0xbe: {  	_ =	swait.ge [sflag:s31], $0x3200  }
0xbf: {  	[sflag:s31] =	ssyncset.done $0x0  }
0xc0: {  	s9 =	simm.s32 $0xCA58;
	[sflag:s31] =	ssyncadd.s32 $0xFFFFCE00  }
0xc1: {  	[tilespmem:s25], [sflag:$0x1] =	stream.indirect.gather [hbm4b:s5+s24], $0x40, s9, s24, $0xb8;
	[tilespmem:$0x1E0A0] =	vst v63  }
0xc2: {  	s10 =	simm.s32 $0xEFD8  }
0xc3: {  	[spmem:s2] =	stream.indirect.scatter.add.f32 [tilespmem:s28], [sflag:$0x4], $0x40, s10, s24, $0xb8;
	[tilespmem:$0x1E0A0] =	vst v63  }
0xc4: {  	_ =	swait.ge [sflag:s20], $0x3200  }
0xc5: {  	[sflag:s20] =	ssyncset.done $0x0  }
0xc6: {  	[sflag:s20] =	ssyncadd.s32 $0xFFFFCE00  }
0xc7: {  	_ =	swait.ge [sflag:s1], $0x3200  }
0xc8: {  	[sflag:s1] =	ssyncset.done $0x0  }
0xc9: {  	s9 =	simm.s32 $0xCB20;
	[sflag:s1] =	ssyncadd.s32 $0xFFFFCE00  }
0xca: {  	[tilespmem:s28], [sflag:$0x2] =	stream.indirect.gather [hbm4b:s5+s24], $0x40, s9, s24, $0xb8;
	[tilespmem:$0x1E0A0] =	vst v63  }
0xcb: {  	s10 =	simm.s32 $0xF0A0  }
0xcc: {  	[spmem:s2] =	stream.indirect.scatter.add.f32 [tilespmem:s30], [sflag:$0x4], $0x40, s10, s24, $0xb8;
	[tilespmem:$0x1E0A0] =	vst v63  }
0xcd: {  	_ =	swait.ge [sflag:s20], $0x3200  }
0xce: {  	s8 =	simm.s32 $0x960;
	[sflag:s20] =	ssyncset.done $0x0  }
.LBB2_4:
0xcf: {  	p1 =	sne.s32 s8, $0x8CA0  }
0xd0: {  	[sflag:s20] =	ssyncadd.s32 $0xFFFFCE00;
	s9 =	smov.u32 s8;
	s8 =	sadd.s32 $0x960, s8  }
0xd1: {  	_ = 	snop  }
0xd2: {  	_ =	swait.ge [sflag:s29], $0x3200  }
0xd3: {  	s9 =	sshra.s32 s9, $0x2;
	[sflag:s29] =	ssyncset.done $0x0  }
0xd4: {  	s10 =	sadd.s32 $0xC990, s9;
	[sflag:s29] =	ssyncadd.s32 $0xFFFFCE00  }
0xd5: {  	[tilespmem:s30], [sflag:$0x3] =	stream.indirect.gather [hbm4b:s5+s24], $0x40, s10, s24, $0xb8;
	[tilespmem:$0x1E0A0] =	vst v63  }
0xd6: {  	s10 =	sadd.s32 $0xEF10, s9  }
0xd7: {  	[spmem:s2] =	stream.indirect.scatter.add.f32 [tilespmem:s25], [sflag:$0x4], $0x40, s10, s24, $0xb8;
	[tilespmem:$0x1E0A0] =	vst v63  }
0xd8: {  	_ =	swait.ge [sflag:s20], $0x3200  }
0xd9: {  	[sflag:s20] =	ssyncset.done $0x0  }
0xda: {  	[sflag:s20] =	ssyncadd.s32 $0xFFFFCE00  }
0xdb: {  	_ =	swait.ge [sflag:s31], $0x3200  }
0xdc: {  	[sflag:s31] =	ssyncset.done $0x0  }
0xdd: {  	s10 =	sadd.s32 $0xCA58, s9;
	[sflag:s31] =	ssyncadd.s32 $0xFFFFCE00  }
0xde: {  	[tilespmem:s25], [sflag:$0x1] =	stream.indirect.gather [hbm4b:s5+s24], $0x40, s10, s24, $0xb8;
	[tilespmem:$0x1E0A0] =	vst v63  }
0xdf: {  	s10 =	sadd.s32 $0xEFD8, s9  }
0xe0: {  	[spmem:s2] =	stream.indirect.scatter.add.f32 [tilespmem:s28], [sflag:$0x4], $0x40, s10, s24, $0xb8;
	[tilespmem:$0x1E0A0] =	vst v63  }
0xe1: {  	_ =	swait.ge [sflag:s20], $0x3200  }
0xe2: {  	[sflag:s20] =	ssyncset.done $0x0  }
0xe3: {  	[sflag:s20] =	ssyncadd.s32 $0xFFFFCE00  }
0xe4: {  	_ =	swait.ge [sflag:s1], $0x3200  }
0xe5: {  	[sflag:s1] =	ssyncset.done $0x0  }
0xe6: {  	s10 =	sadd.s32 $0xCB20, s9;
	[sflag:s1] =	ssyncadd.s32 $0xFFFFCE00  }
0xe7: {  	[tilespmem:s28], [sflag:$0x2] =	stream.indirect.gather [hbm4b:s5+s24], $0x40, s10, s24, $0xb8;
	[tilespmem:$0x1E0A0] =	vst v63  }
.Ltmp3:
0xe8: {  	_ = 	snop;
	(pc) =	sbr.rel @p1 .LBB2_4-.Ltmp3, $4  }
0xe9: {  	s9 =	sadd.s32 $0xF0A0, s9  }
0xea: {  	[spmem:s2] =	stream.indirect.scatter.add.f32 [tilespmem:s30], [sflag:$0x4], $0x40, s9, s24, $0xb8;
	[tilespmem:$0x1E0A0] =	vst v63  }
0xeb: {  	_ =	swait.ge [sflag:s20], $0x3200  }
0xec: {  	[sflag:s20] =	ssyncset.done $0x0  }
0xed: {  	[sflag:s20] =	ssyncadd.s32 $0xFFFFCE00  }
0xee: {  	_ =	swait.ge [sflag:s29], $0x3200  }
0xef: {  	[sflag:s29] =	ssyncset.done $0x0  }
0xf0: {  	[sflag:s29] =	ssyncadd.s32 $0xFFFFCE00  }
0xf1: {  	[spmem:s2] =	stream.indirect.scatter.add.f32 [tilespmem:s25], [sflag:$0x4], $0x40, s0, s24, $0xb8;
	[tilespmem:$0x1E0A0] =	vst v63  }
0xf2: {  	_ =	swait.ge [sflag:s20], $0x3200  }
0xf3: {  	[sflag:s20] =	ssyncset.done $0x0  }
0xf4: {  	[sflag:s20] =	ssyncadd.s32 $0xFFFFCE00  }
0xf5: {  	_ =	swait.ge [sflag:s31], $0x3200  }
0xf6: {  	[sflag:s31] =	ssyncset.done $0x0  }
0xf7: {  	[sflag:s31] =	ssyncadd.s32 $0xFFFFCE00  }
0xf8: {  	[spmem:s2] =	stream.indirect.scatter.add.f32 [tilespmem:s28], [sflag:$0x4], $0x40, s12, s24, $0xb8;
	[tilespmem:$0x1E0A0] =	vst v63  }
.Ltmp4:
0xf9: {  	_ =	swait.ge [sflag:s20], $0x3200;
	(pc) =	sbr.rel @!p0 .LBB2_6-.Ltmp4, $3  }
0xfa: {  	[sflag:s20] =	ssyncset.done $0x0  }
0xfb: {  	[sflag:s20] =	ssyncadd.s32 $0xFFFFCE00  }
0xfc: {  	[bflag:$0x0] =	sbarrier.arrive $0xFFFF;
	_ =	sdelay $0x1  }
0xfd: {  	s8 =	rddreg [dreg:$0xa]  }
0xfe: {  	[hbm:s8@s13], [sflag:s22] =	dma.strided [spmem:s7@s14], $0x1400, s29, $0x8   }
0xff: {  	_ =	swait.ge [sflag:s20], $0x1400  }
0x100: {  	[sflag:s20] =	ssyncset.done $0x0  }
0x101: {  	[sflag:s20] =	ssyncadd.s32 $0xFFFFEC00  }
0x102: {  	s10 =	simm.s32 $0x1B8A0;
	[bflag:$0x0] =	sbarrier.arrive $0xFFFF  }
0x103: {  	[tilespmem:s10], [sflag:$0x4] =	stream.linear.gather [spmem:s11], $0x2800, $0x38;
	[tilespmem:$0x1E0A0] =	vst v63  }
0x104: {  	_ =	swait.ge [sflag:s20], $0x2800  }
0x105: {  	[sflag:s20] =	ssyncset.done $0x0  }
0x106: {  	s7 =	simm.s32 $0x0;
	s8 =	simm.s32 $0x40;
	[sflag:s20] =	ssyncadd.s32 $0xFFFFD800  }
.LBB2_8:
0x107: {  	p1 =	sne.s32 s8, $0x9FC0;
	v0 =	vld [tilespmem:s7+$0x1B8A0];
	_ =	sdelay $0x4  }
0x108: {  	v0 =	vmax.f32 v0, $1.000000000e+00  }
0x109: {  	(erf) = vrcp.f32 v0;
	_ =	sdelay $0x5  }
.Ltmp5:
0x10a: {  	(pc) =	sbr.rel @p1 .LBB2_8-.Ltmp5, $3  }
0x10b: {  	_ =	sdelay $0x1  }
0x10c: {  	v0 =	vpop (erf)  }
0x10d: {  	[tilespmem:s7+$0x1B8A0] =	vst v0;
	s7 =	sshra.s32 s8, $0x2;
	s8 =	sadd.s32 $0x40, s8  }
0x10e: {  	v0 =	vld [tilespmem:s7+$0x1B8A0];
	_ =	sdelay $0x4  }
0x10f: {  	v0 =	vmax.f32 v0, $1.000000000e+00  }
0x110: {  	(erf) = vrcp.f32 v0;
	_ =	sdelay $0x8  }
0x111: {  	v0 =	vpop (erf)  }
.Ltmp6:
0x112: {  	s10 =	rddreg [dreg:$0xb];
	s8 =	simm.s32 $0x1B8A0;
	[tilespmem:s7+$0x1B8A0] =	vst v0;
	(pc) =	sbr.rel .LBB2_10-.Ltmp6, $4  }
0x113: {  	[hbm4b:s10+s4] =	stream.linear.scatter [tilespmem:s8], [sflag:$0x4], $0x2800, $0x38;
	[tilespmem:$0x1E0A0] =	vst v63  }
0x114: {  	_ =	swait.ge [sflag:s20], $0x2800  }
0x115: {  	[sflag:s20] =	ssyncset.done $0x0  }
0x116: {  	[sflag:s20] =	ssyncadd.s32 $0xFFFFD800  }
.LBB2_11:
0x117: {  	_ =	sfence.sel $0x180000  }
0x118: {  	[bflag:$0x0] =	sbarrier.arrive $0xFFFF  }
0x119: {  	_ =	strace $0x90000047  }
0x11a: {  	s0 =	stileid.u32;
	[bflag:$0x2] =	sbarrier.arrive $0xFFFF  }
0x11b: {  	p0 =	sne.s32 s0, $0x0;
	s0 =	rddreg [dreg:$0x4]  }
0x11c: {  	s0 =	sadd.s32 @!p0 $0x100000, s0  }
0x11d: {  	[sflag:s0] =	ssyncadd.tile.s32 @!p0 $0x1;
	_ =	shalt  }
.Lfunc_end2:
_tile_overlayer_lowered:
.L_overlay_start_2:
0x11e: {  	(tag) =	ssettag $0x2  }
0x11f: {  	s0 =	rddreg [dreg:$0x0];
	s2 =	stileid.u32  }
0x120: {  	s1 =	rddreg [dreg:$0x1];
	p0 =	sne.s32 s2, $0x0  }
0x121: {  	s3 =	rddreg [dreg:$0x2];
	[bflag:$0x3] =	sbarrier.arrive $0xFFFF;
	s2 =	simm.s32 @!p0 $0x1C04  }
0x122: {  	[timem:s3], [sflag:s2] =	dma.local @!p0 [hbm:s0], s1  }
0x123: {  	s0 =	simm.s32 @!p0 $0x4  }
0x124: {  	_ =	swait.ge @!p0 [sflag:s0], s1  }
0x125: {  	s1 =	ssub.s32 @!p0 $0x0, s1;
	[sflag:s0] =	ssyncset.done @!p0 $0x0  }
0x126: {  	[sflag:s0] =	ssyncadd.s32 @!p0 s1  }
0x127: {  	[bflag:$0x3] =	sbarrier.arrive $0xFFFF  }
0x128: {  	_ =	shalt  }

// kernel: kernel.8.cloned.1.call-start
scs
__scs_entry_jumppad:
0x0: {  	(pc) =	sbr.rel $0x88, $3  }
0x1: {  	(tag) =	ssettag $0x0;
	lr =	simm.s32 $0x1  }
0x2: {  	[smem:$0x3F9B] =	sst lr;
	_ =	strace $0xD0000000  }
0x3: {  	_ = 	snop  }
0x4: {  	_ = 	snop  }
0x5: {  	_ = 	snop  }
0x6: {  	_ = 	snop  }
0x7: {  	_ = 	snop  }
__scs_overlays_trampoline_lowered:
0x8: {  	[smem:$0x3FAA] =	sst s0  }
0x9: {  	[smem:$0x3FAB] =	sst s1  }
0xa: {  	[smem:$0x3FAC] =	sst s2  }
0xb: {  	[smem:$0x3FAD] =	sst s3  }
0xc: {  	[smem:$0x3FAE] =	sst s4  }
0xd: {  	[smem:$0x3FAF] =	sst s5  }
0xe: {  	[smem:$0x3FB0] =	sst s6  }
0xf: {  	[smem:$0x3FB1] =	sst s7  }
0x10: {  	[smem:$0x3FB2] =	sst s8  }
0x11: {  	[smem:$0x3FB3] =	sst s9;
	s0 =	simm.s32 @!p0 $0x0  }
0x12: {  	s1 =	sld [smem:$0x3F99];
	s0 =	simm.s32 @p0 $0x1  }
0x13: {  	[smem:$0x3FB4] =	sst s0;
	s0 =	simm.s32 @!p1 $0x0  }
0x14: {  	s2 =	sld [smem:$0x3F98];
	s0 =	simm.s32 @p1 $0x1  }
0x15: {  	[smem:$0x3FB5] =	sst s0;
	s0 =	simm.s32 @!p2 $0x0  }
0x16: {  	s3 =	sld [smem:$0x3FDB];
	s0 =	simm.s32 @p2 $0x1  }
0x17: {  	s4 =	simm.s32 $0x1BF5;
	[smem:$0x3FB7] =	sst s0  }
0x18: {  	s0 =	sld [smem:$0x3F9A];
	_ =	swait.ge [sflag:s4], $0x0  }
0x19: {  	s7 =	sld [smem:$0x3F9B]  }
0x1a: {  	s8 =	sadd.s32 $0xFFFFE003, lr  }
0x1b: {  	s9 =	sadd.s32 $0xFFFFFEF7, lr;
	s5 =	simm.s32 $0xFFFFFFFF;
	p2 =	slt.u32 s8, $0xFFFFF086  }
0x1c: {  	p1 =	slt.u32 s9, $0xF7A;
	s5 =	simm.s32 @!p2 $0x0  }
0x1d: {  	s5 =	simm.s32 @p1 $0x1;
	p0 =	seq.s32 s7, s2  }
0x1e: {  	s7 =	smul.u32 @!p0 $0xF7A, s2;
	p2 =	seq.s32 @!p0 s5, $0x0  }
0x1f: {  	s9 =	smul.u32 $0xF7A, s1;
	s8 =	simm.s32 @!p0 $0x1BF5;
	p2 =	por !p2, p0  }
0x20: {  	[sflag:s8] =	ssyncset.s32 @!p0 $0xFFFFF086;
	s6 =	sadd.s32 @!p0 s3, s7;
	s7 =	simm.s32 @!p0 $0x108  }
0x21: {  	s3 =	sadd.s32 s3, s9;
	s6 =	sadd.s32 @!p0 $0x88, s6;
	s7 =	simm.s32 @p2 $0x1082  }
0x22: {  	[simem:s7], [sflag:s8] =	dma.local @!p0 [hbm:s6], $0xF7A  }
0x23: {  	s9 =	sor.u32 $0xD0000000, s2;
	s6 =	simm.s32 $0x108;
	_ =	swait.ge @!p0 [sflag:s8], $0x0  }
0x24: {  	s3 =	sadd.s32 $0x88, s3;
	s6 =	simm.s32 @!p1 $0x1082;
	[sflag:s4] =	ssyncset.s32 $0xFFFFF086  }
0x25: {  	[simem:s6], [sflag:s4] =	dma.local [hbm:s3], $0xF7A  }
0x26: {  	[smem:$0x3F9B] =	sst s1;
	(tag) =	ssettag s2;
	_ =	strace s9  }
0x27: {  	s1 =	sld [smem:$0x3FAB]  }
0x28: {  	s2 =	sld [smem:$0x3FAC]  }
0x29: {  	s4 =	sld [smem:$0x3FAE]  }
0x2a: {  	p0 =	seq.s32 s5, $0x0;
	s5 =	sld [smem:$0x3FAF]  }
0x2b: {  	s6 =	sld [smem:$0x3FB0]  }
0x2c: {  	s7 =	sld [smem:$0x3FB1]  }
0x2d: {  	s3 =	simm.s32 $0x108;
	s8 =	sld [smem:$0x3FB2]  }
0x2e: {  	s3 =	simm.s32 @!p0 $0x1082;
	s9 =	sld [smem:$0x3FB3]  }
0x2f: {  	lr =	sadd.s32 s0, s3;
	s0 =	sld [smem:$0x3FAA]  }
0x30: {  	s3 =	sld [smem:$0x3FAD]  }
0x31: {  	[smem:$0x3FB6] =	sst s10  }
0x32: {  	s10 =	sld [smem:$0x3FB4];
	_ =	sdelay $0x3  }
0x33: {  	p0 =	seq.s32 s10, $0x1;
	s10 =	sld [smem:$0x3FB6];
	_ =	sdelay $0x3  }
0x34: {  	[smem:$0x3FB6] =	sst s10  }
0x35: {  	s10 =	sld [smem:$0x3FB5];
	_ =	sdelay $0x3  }
0x36: {  	p1 =	seq.s32 s10, $0x1;
	s10 =	sld [smem:$0x3FB6];
	_ =	sdelay $0x3  }
0x37: {  	[smem:$0x3FB6] =	sst s10  }
0x38: {  	s10 =	sld [smem:$0x3FB7]  }
0x39: {  	_ = 	snop;
	(pc) =	sbr.ind lr, $3  }
0x3a: {  	_ = 	snop  }
0x3b: {  	_ = 	snop  }
0x3c: {  	p2 =	seq.s32 s10, $0x1;
	s10 =	sld [smem:$0x3FB6]  }
0x3d: {  	_ =	shalt  }
0x3e: {  	_ =	shalt  }
0x3f: {  	_ =	shalt  }
0x40: {  	_ =	shalt  }
0x41: {  	_ =	shalt  }
0x42: {  	_ =	shalt  }
0x43: {  	_ =	shalt  }
0x44: {  	_ =	shalt  }
0x45: {  	_ =	shalt  }
0x46: {  	_ =	shalt  }
0x47: {  	_ =	shalt  }
0x48: {  	_ =	shalt  }
0x49: {  	_ =	shalt  }
0x4a: {  	_ =	shalt  }
0x4b: {  	_ =	shalt  }
0x4c: {  	_ =	shalt  }
0x4d: {  	_ =	shalt  }
0x4e: {  	_ =	shalt  }
0x4f: {  	_ =	shalt  }
0x50: {  	_ =	shalt  }
0x51: {  	_ =	shalt  }
0x52: {  	_ =	shalt  }
0x53: {  	_ =	shalt  }
0x54: {  	_ =	shalt  }
0x55: {  	_ =	shalt  }
0x56: {  	_ =	shalt  }
0x57: {  	_ =	shalt  }
0x58: {  	_ =	shalt  }
0x59: {  	_ =	shalt  }
0x5a: {  	_ =	shalt  }
0x5b: {  	_ =	shalt  }
0x5c: {  	_ =	shalt  }
0x5d: {  	_ =	shalt  }
0x5e: {  	_ =	shalt  }
0x5f: {  	_ =	shalt  }
0x60: {  	_ =	shalt  }
0x61: {  	_ =	shalt  }
0x62: {  	_ =	shalt  }
0x63: {  	_ =	shalt  }
0x64: {  	_ =	shalt  }
0x65: {  	_ =	shalt  }
0x66: {  	_ =	shalt  }
0x67: {  	_ =	shalt  }
0x68: {  	_ =	shalt  }
0x69: {  	_ =	shalt  }
0x6a: {  	_ =	shalt  }
0x6b: {  	_ =	shalt  }
0x6c: {  	_ =	shalt  }
0x6d: {  	_ =	shalt  }
0x6e: {  	_ =	shalt  }
0x6f: {  	_ =	shalt  }
0x70: {  	_ =	shalt  }
0x71: {  	_ =	shalt  }
0x72: {  	_ =	shalt  }
0x73: {  	_ =	shalt  }
0x74: {  	_ =	shalt  }
0x75: {  	_ =	shalt  }
0x76: {  	_ =	shalt  }
0x77: {  	_ =	shalt  }
0x78: {  	_ =	shalt  }
0x79: {  	_ =	shalt  }
0x7a: {  	_ =	shalt  }
0x7b: {  	_ =	shalt  }
0x7c: {  	_ =	shalt  }
0x7d: {  	_ =	shalt  }
0x7e: {  	_ =	shalt  }
0x7f: {  	_ =	shalt  }
0x80: {  	_ =	shalt  }
0x81: {  	_ =	shalt  }
0x82: {  	_ =	shalt  }
0x83: {  	_ =	shalt  }
0x84: {  	_ =	shalt  }
0x85: {  	_ =	shalt  }
0x86: {  	_ =	shalt  }
0x87: {  	_ =	shalt  }
.Lfunc_end0:
.L_simem_size_0:
called_computation.1_lowered:
.L_overlay_start_0:
0x88: {  	s2 =	sld [smem:$0x3FD9]  }
0x89: {  	s3 =	sld [smem:$0x3FFE];
	_ =	sdelay $0x1  }
0x8a: {  	s1 =	srdreg.scid  }
0x8b: {  	s0 =	sand.u32 $0x1, s1  }
0x8c: {  	s17 =	sshll.u32 s0, $0xA;
	s2 =	sadd.s32 s3, s2  }
0x8d: {  	s2 =	sadd.s32 s2, s17  }
0x8e: {  	[smem:$0x3FC2] =	sst s2  }
0x8f: {  	_ = 	snop  }
0x90: {  	s2 =	sld [smem:$0x3FC4]  }
0x91: {  	s18 =	sld [smem:$0x3FD0];
	(tm) =	ssettm $0x1  }
0x92: {  	s4 =	sld [smem:$0x3FFB];
	_ =	sdelay $0x3  }
0x93: {  	_ =	strace s4  }
0x94: {  	s4 =	sld [smem:$0x3FFC];
	_ =	sdelay $0x3  }
0x95: {  	_ =	strace s4  }
0x96: {  	s4 =	sld [smem:$0x3FFD];
	_ =	sdelay $0x3  }
0x97: {  	_ =	strace s4  }
0x98: {  	_ =	strace $0x8FFFFFFF  }
0x99: {  	s19 =	sld [smem:$0x3FDB];
	_ =	sdelay $0x1  }
0x9a: {  	s5 =	simm.s32 $_scs_section_size  }
0x9b: {  	s6 =	simm.s32 $_size__tile_overlayer_lowered;
	s7 =	simm.s32 $_tile_overlayer_lowered  }
0x9c: {  	s22 =	simm.s32 $0x1BFF;
	s21 =	sshll.u32 s7, $0x1;
	s4 =	sadd.s32 s5, s19  }
0x9d: {  	s8 =	simm.s32 $0x0;
	s20 =	sshll.u32 s6, $0x1;
	s6 =	sadd.s32 s21, s4  }
0x9e: {  	[timem:s8], [sflag:s22] =	dma.local [hbm:s6], s20  }
0x9f: {  	_ =	swait.ge [sflag:s22], s20  }
0xa0: {  	s5 =	ssub.s32 $0x0, s20;
	[sflag:s22] =	ssyncset.done $0x0  }
0xa1: {  	[sflag:s22] =	ssyncadd.s32 s5;
	_ =	sdelay $0x1  }
0xa2: {  	s23 =	simm.s32 $0x1B8B  }
0xa3: {  	_ =	swait.ge [sflag:s23], $0x1  }
0xa4: {  	[sflag:s23] =	ssyncset.done $0x0  }
0xa5: {  	s25 =	simm.s32 $0x1B8E;
	s24 =	sld [smem:$0x3FFE];
	[sflag:s23] =	ssyncadd.s32 $0xFFFFFFFF  }
0xa6: {  	s26 =	simm.s32 $execute0_lowered;
	[smem:$0x3FD2] =	sst s25  }
0xa7: {  	s6 =	sshll.u32 s26, $0x1;
	_ =	strace $0x80000049;
	[dreg:$0x1] =	wrdreg $0xFFFFFFFF  }
0xa8: {  	s28 =	simm.s32 $_size_execute0_lowered;
	s4 =	sadd.s32 s4, s6;
	[dreg:$0x0] =	wrdreg $0x0  }
0xa9: {  	s6 =	sshll.u32 s28, $0x1;
	[dreg:$0x2] =	wrdreg s4  }
0xaa: {  	[dreg:$0x3] =	wrdreg s6  }
0xab: {  	[dreg:$0x4] =	wrdreg $0xC0  }
0xac: {  	_ =	task [dreg:s8], $0x5FFFF  }
0xad: {  	[dreg:$0x1] =	wrdreg $0xFFFFFFFF  }
0xae: {  	[dreg:$0x0] =	wrdreg $0x60  }
0xaf: {  	[dreg:$0x2] =	wrdreg s24  }
0xb0: {  	[dreg:$0x3] =	wrdreg s2  }
0xb1: {  	[dreg:$0x4] =	wrdreg s18  }
0xb2: {  	[dreg:$0x5] =	wrdreg $0x0  }
0xb3: {  	[dreg:$0x6] =	wrdreg $0x9  }
0xb4: {  	_ =	task.clear_ibuf [dreg:s8], $0x7FFFF;
	_ =	strace $0x90000049  }
0xb5: {  	s29 =	simm.s32 $0x9;
	_ =	strace $0x8000004B  }
0xb6: {  	_ =	swait.ge [sflag:s29], $0x1  }
0xb7: {  	[sflag:s29] =	ssyncadd.s32 $0xFFFFFFFF  }
0xb8: {  	_ =	strace $0x9000004B  }
0xb9: {  	_ =	sfence  }
0xba: {  	s30 =	sld [smem:$0x0];
	_ =	sdelay $0x2  }
0xbb: {  	s31 =	sshll.u32 s1, $0xD;
	s1 =	sshrl.u32 s1, $0x2  }
0xbc: {  	s3 =	sand.u32 $0x4000, s31;
	s1 =	sadd.s32 s1, s30  }
0xbd: {  	s0 =	sor.u32 s3, s0;
	s1 =	sshll.u32 s1, $0x11  }
0xbe: {  	s0 =	sor.u32 s1, s0  }
0xbf: {  	s0 =	sadd.s32 $0x8F2B, s0  }
0xc0: {  	[sflag:s0] =	ssyncadd.remote.s32 $0x1  }
0xc1: {  	_ =	sfence.sel $0xFFFF  }
0xc2: {  	[dreg:$0x0] =	wrdreg $0xFFFFFFFF;
	(pc) =	sbr.abs _section_cstart, $3  }
0xc3: {  	[dreg:$0x1] =	wrdreg $0xFFFFFFFF  }
0xc4: {  	_ =	task.clear_ibuf [dreg:s8], $0x2FFFF;
	_ =	strace $0x9FFFFFFF  }
0xc5: {  	(tm) =	ssettm $0x7FFFFFFF  }
tec
execute0_lowered:
.L_overlay_start_1:
0x0: {  	(tag) =	ssettag $0x1  }
0x1: {  	s0 =	rddreg [dreg:$0x0]  }
0x2: {  	s1 =	rddreg [dreg:$0x2];
	s25 =	stileid.u32  }
0x3: {  	s3 =	rddreg [dreg:$0x3];
	s5 =	srdreg.scid;
	s4 =	simm.s32 $0x0  }
0x4: {  	s18 =	simm.s32 $0x4;
	s19 =	simm.s32 $0x7710;
	s22 =	simm.s32 $0x5000  }
0x5: {  	s28 =	simm.s32 $0x1;
	s30 =	simm.s32 $0x10220;
	s2 =	smul.u32 $0x2710, s25  }
0x6: {  	s31 =	simm.s32 $0x2;
	s17 =	sand.u32 $0x1, s5;
	s7 =	smul.u32 $0x500, s25  }
0x7: {  	[smem:$0x7FF] =	sst s4;
	s5 =	sadd.s32 $0xA00, s0;
	s8 =	smul.u32 $0x14000, s25  }
0x8: {  	s10 =	smul.u32 $0x1400, s25;
	s13 =	sadd.s32 $0x12C04, s1;
	s14 =	sadd.s32 $0x12C00, s1  }
0x9: {  	s29 =	sshll.u32 s25, $0x6;
	p0 =	seq.s32 s17, $0x0;
	_ =	strace $0x8000004A  }
0xa: {  	s23 =	ssub.s32 $0x2, s17;
	s11 =	sshll.u32 s17, $0x5;
	s20 =	sor.u32 $0x1C04, s29  }
0xb: {  	p3 =	sne.s32 s17, $0x0;
	s2 =	sshrl.u32 s2, $0x3;
	s9 =	sadd.s32 s7, s0  }
0xc: {  	s24 =	sshrl.u32 s23, $0x1;
	s26 =	sshrl.u32 s8, $0x2;
	s10 =	sadd.s32 s1, s10  }
0xd: {  	p1 =	seq.s32 @p3 s25, $0xF;
	p4 =	seq.s32 @!p3 s25, $0xF;
	s25 =	simm.s32 $0x0  }
0xe: {  	s6 =	sadd.s32 $0x4E20, s2;
	s8 =	sadd.s32 s26, s3;
	s9 =	sadd.s32 $0xA5800, s9  }
0xf: {  	s12 =	sadd.s32 $0x4, s10;
	p2 =	por !p4, p3;
	s26 =	simm.s32 $0xD020  }
0x10: {  	s6 =	smov.u32 @p0 s2;
	s2 =	sadd.s32 s2, s0;
	s21 =	sshrl.u32 s8, $0x3  }
0x11: {  	p0 =	por !p1, !p3;
	p1 =	por p1, !p3;
	p3 =	por p4, p3  }
0x12: {  	s16 =	sadd.s32 s6, s0;
	s6 =	sadd.s32 $0x14A00, s0;
	s0 =	ssub.s32 s23, s24  }
0x13: {  	s7 =	sadd.s32 $0x4EC00, s2;
	s23 =	simm.s32 $0x190;
	s24 =	simm.s32 $0x9E20  }
0x14: {  	s2 =	simm.s32 $0x3;
	s15 =	smax.u32 s0, $0x1;
	s16 =	sadd.s32 $0xAA800, s16  }
.LBB2_1:
0x15: {  	s0 =	rddreg [dreg:$0x1];
	s1 =	simm.s32 $0x1AC20  }
0x16: {  	[tilespmem:s1], [sflag:$0x4] =	stream.linear.gather [hbm4b:s0+s4], $0x40, $0x38;
	[tilespmem:$0x1AC60] =	vst v63  }
0x17: {  	_ =	swait.ge [sflag:s18], $0x40  }
0x18: {  	[sflag:s18] =	ssyncset.done $0x0  }
0x19: {  	[sflag:s18] =	ssyncadd.s32 $0xFFFFFFC0  }
0x1a: {  	[tilespmem:s19], [sflag:$0x4] =	stream.linear.gather [hbm4b:s7+s4], $0x2710, $0x38;
	[tilespmem:$0x1AC60] =	vst v63  }
0x1b: {  	_ =	swait.ge [sflag:s18], $0x2710  }
0x1c: {  	[sflag:s18] =	ssyncset.done $0x0  }
0x1d: {  	[sflag:s18] =	ssyncadd.s32 $0xFFFFD8F0  }
0x1e: {  	[spmem:s21], [sflag:s20] =	dma.local [hbm:s6], $0xA00  }
0x1f: {  	_ =	swait.ge [sflag:s18], $0xA00  }
0x20: {  	[sflag:s18] =	ssyncset.done $0x0  }
0x21: {  	[sflag:s18] =	ssyncadd.s32 $0xFFFFF600  }
0x22: {  	[tilespmem:s22], [sflag:$0x4] =	stream.linear.gather [hbm4b:s16+s4], $0x2710, $0x38;
	[tilespmem:$0x1AC60] =	vst v63  }
0x23: {  	_ =	swait.ge [sflag:s18], $0x2710  }
0x24: {  	[sflag:s18] =	ssyncset.done $0x0  }
0x25: {  	[sflag:s18] =	ssyncadd.s32 $0xFFFFD8F0  }
0x26: {  	[bflag:$0x0] =	sbarrier.arrive $0xFFFF  }
0x27: {  	[tilespmem:s24], [sflag:$0x1] =	stream.indirect.gather [hbm4b:s5+s23], $0x20, s22, s23, $0xb8;
	[tilespmem:$0x1AC60] =	vst v63  }
0x28: {  	s17 =	simm.s32 $0x5190  }
0x29: {  	[tilespmem:s26], [sflag:$0x2] =	stream.indirect.gather [hbm4b:s5+s23], $0x20, s17, s23, $0xb8;
	[tilespmem:$0x1AC60] =	vst v63  }
0x2a: {  	_ =	swait.ge [sflag:s28], $0x3200  }
0x2b: {  	[sflag:s28] =	ssyncset.done $0x0  }
0x2c: {  	s1 =	simm.s32 $0x5320;
	[sflag:s28] =	ssyncadd.s32 $0xFFFFCE00  }
0x2d: {  	[tilespmem:s30], [sflag:$0x3] =	stream.indirect.gather [hbm4b:s5+s23], $0x20, s1, s23, $0xb8;
	[tilespmem:$0x1AC60] =	vst v63  }
0x2e: {  	_ = 	snop  }
0x2f: {  	[spmem:s3] =	stream.indirect.scatter.add.f32 [tilespmem:s24], [sflag:$0x4], $0x20, s19, s23, $0xb8;
	[tilespmem:$0x1AC60] =	vst v63  }
0x30: {  	_ =	swait.ge [sflag:s18], $0x3200  }
0x31: {  	[sflag:s18] =	ssyncset.done $0x0  }
0x32: {  	[sflag:s18] =	ssyncadd.s32 $0xFFFFCE00  }
0x33: {  	_ =	swait.ge [sflag:s31], $0x3200  }
0x34: {  	[sflag:s31] =	ssyncset.done $0x0  }
0x35: {  	s17 =	simm.s32 $0x54B0;
	[sflag:s31] =	ssyncadd.s32 $0xFFFFCE00  }
0x36: {  	[tilespmem:s24], [sflag:$0x1] =	stream.indirect.gather [hbm4b:s5+s23], $0x20, s17, s23, $0xb8;
	[tilespmem:$0x1AC60] =	vst v63  }
0x37: {  	s1 =	simm.s32 $0x78A0  }
0x38: {  	[spmem:s3] =	stream.indirect.scatter.add.f32 [tilespmem:s26], [sflag:$0x4], $0x20, s1, s23, $0xb8;
	[tilespmem:$0x1AC60] =	vst v63  }
0x39: {  	_ =	swait.ge [sflag:s18], $0x3200  }
0x3a: {  	[sflag:s18] =	ssyncset.done $0x0  }
0x3b: {  	[sflag:s18] =	ssyncadd.s32 $0xFFFFCE00  }
0x3c: {  	_ =	swait.ge [sflag:s2], $0x3200  }
0x3d: {  	[sflag:s2] =	ssyncset.done $0x0  }
0x3e: {  	s17 =	simm.s32 $0x5640;
	[sflag:s2] =	ssyncadd.s32 $0xFFFFCE00  }
0x3f: {  	[tilespmem:s26], [sflag:$0x2] =	stream.indirect.gather [hbm4b:s5+s23], $0x20, s17, s23, $0xb8;
	[tilespmem:$0x1AC60] =	vst v63  }
0x40: {  	s1 =	simm.s32 $0x7A30  }
0x41: {  	[spmem:s3] =	stream.indirect.scatter.add.f32 [tilespmem:s30], [sflag:$0x4], $0x20, s1, s23, $0xb8;
	[tilespmem:$0x1AC60] =	vst v63  }
0x42: {  	_ =	swait.ge [sflag:s18], $0x3200  }
0x43: {  	[sflag:s18] =	ssyncset.done $0x0  }
0x44: {  	[sflag:s18] =	ssyncadd.s32 $0xFFFFCE00  }
0x45: {  	_ =	swait.ge [sflag:s28], $0x3200  }
0x46: {  	[sflag:s28] =	ssyncset.done $0x0  }
0x47: {  	s17 =	simm.s32 $0x57D0;
	[sflag:s28] =	ssyncadd.s32 $0xFFFFCE00  }
0x48: {  	[tilespmem:s30], [sflag:$0x3] =	stream.indirect.gather [hbm4b:s5+s23], $0x20, s17, s23, $0xb8;
	[tilespmem:$0x1AC60] =	vst v63  }
0x49: {  	s1 =	simm.s32 $0x7BC0  }
0x4a: {  	[spmem:s3] =	stream.indirect.scatter.add.f32 [tilespmem:s24], [sflag:$0x4], $0x20, s1, s23, $0xb8;
	[tilespmem:$0x1AC60] =	vst v63  }
0x4b: {  	_ =	swait.ge [sflag:s18], $0x3200  }
0x4c: {  	[sflag:s18] =	ssyncset.done $0x0  }
0x4d: {  	[sflag:s18] =	ssyncadd.s32 $0xFFFFCE00  }
0x4e: {  	_ =	swait.ge [sflag:s31], $0x3200  }
0x4f: {  	[sflag:s31] =	ssyncset.done $0x0  }
0x50: {  	s17 =	simm.s32 $0x5960;
	[sflag:s31] =	ssyncadd.s32 $0xFFFFCE00  }
0x51: {  	[tilespmem:s24], [sflag:$0x1] =	stream.indirect.gather [hbm4b:s5+s23], $0x20, s17, s23, $0xb8;
	[tilespmem:$0x1AC60] =	vst v63  }
0x52: {  	s1 =	simm.s32 $0x7D50  }
0x53: {  	[spmem:s3] =	stream.indirect.scatter.add.f32 [tilespmem:s26], [sflag:$0x4], $0x20, s1, s23, $0xb8;
	[tilespmem:$0x1AC60] =	vst v63  }
0x54: {  	_ =	swait.ge [sflag:s18], $0x3200  }
0x55: {  	[sflag:s18] =	ssyncset.done $0x0  }
0x56: {  	[sflag:s18] =	ssyncadd.s32 $0xFFFFCE00  }
0x57: {  	_ =	swait.ge [sflag:s2], $0x3200  }
0x58: {  	[sflag:s2] =	ssyncset.done $0x0  }
0x59: {  	s17 =	simm.s32 $0x5AF0;
	[sflag:s2] =	ssyncadd.s32 $0xFFFFCE00  }
0x5a: {  	[tilespmem:s26], [sflag:$0x2] =	stream.indirect.gather [hbm4b:s5+s23], $0x20, s17, s23, $0xb8;
	[tilespmem:$0x1AC60] =	vst v63  }
0x5b: {  	s1 =	simm.s32 $0x7EE0  }
0x5c: {  	[spmem:s3] =	stream.indirect.scatter.add.f32 [tilespmem:s30], [sflag:$0x4], $0x20, s1, s23, $0xb8;
	[tilespmem:$0x1AC60] =	vst v63  }
0x5d: {  	_ =	swait.ge [sflag:s18], $0x3200  }
0x5e: {  	[sflag:s18] =	ssyncset.done $0x0  }
0x5f: {  	[sflag:s18] =	ssyncadd.s32 $0xFFFFCE00  }
0x60: {  	_ =	swait.ge [sflag:s28], $0x3200  }
0x61: {  	[sflag:s28] =	ssyncset.done $0x0  }
0x62: {  	s17 =	simm.s32 $0x5C80;
	[sflag:s28] =	ssyncadd.s32 $0xFFFFCE00  }
0x63: {  	[tilespmem:s30], [sflag:$0x3] =	stream.indirect.gather [hbm4b:s5+s23], $0x20, s17, s23, $0xb8;
	[tilespmem:$0x1AC60] =	vst v63  }
0x64: {  	s1 =	simm.s32 $0x8070  }
0x65: {  	[spmem:s3] =	stream.indirect.scatter.add.f32 [tilespmem:s24], [sflag:$0x4], $0x20, s1, s23, $0xb8;
	[tilespmem:$0x1AC60] =	vst v63  }
0x66: {  	_ =	swait.ge [sflag:s18], $0x3200  }
0x67: {  	[sflag:s18] =	ssyncset.done $0x0  }
0x68: {  	[sflag:s18] =	ssyncadd.s32 $0xFFFFCE00  }
0x69: {  	_ =	swait.ge [sflag:s31], $0x3200  }
0x6a: {  	[sflag:s31] =	ssyncset.done $0x0  }
0x6b: {  	s17 =	simm.s32 $0x5E10;
	[sflag:s31] =	ssyncadd.s32 $0xFFFFCE00  }
0x6c: {  	[tilespmem:s24], [sflag:$0x1] =	stream.indirect.gather [hbm4b:s5+s23], $0x20, s17, s23, $0xb8;
	[tilespmem:$0x1AC60] =	vst v63  }
0x6d: {  	s1 =	simm.s32 $0x8200  }
0x6e: {  	[spmem:s3] =	stream.indirect.scatter.add.f32 [tilespmem:s26], [sflag:$0x4], $0x20, s1, s23, $0xb8;
	[tilespmem:$0x1AC60] =	vst v63  }
0x6f: {  	_ =	swait.ge [sflag:s18], $0x3200  }
0x70: {  	[sflag:s18] =	ssyncset.done $0x0  }
0x71: {  	[sflag:s18] =	ssyncadd.s32 $0xFFFFCE00  }
0x72: {  	_ =	swait.ge [sflag:s2], $0x3200  }
0x73: {  	[sflag:s2] =	ssyncset.done $0x0  }
0x74: {  	s17 =	simm.s32 $0x5FA0;
	[sflag:s2] =	ssyncadd.s32 $0xFFFFCE00  }
0x75: {  	[tilespmem:s26], [sflag:$0x2] =	stream.indirect.gather [hbm4b:s5+s23], $0x20, s17, s23, $0xb8;
	[tilespmem:$0x1AC60] =	vst v63  }
0x76: {  	s1 =	simm.s32 $0x8390  }
0x77: {  	[spmem:s3] =	stream.indirect.scatter.add.f32 [tilespmem:s30], [sflag:$0x4], $0x20, s1, s23, $0xb8;
	[tilespmem:$0x1AC60] =	vst v63  }
0x78: {  	_ =	swait.ge [sflag:s18], $0x3200  }
0x79: {  	[sflag:s18] =	ssyncset.done $0x0  }
0x7a: {  	[sflag:s18] =	ssyncadd.s32 $0xFFFFCE00  }
0x7b: {  	_ =	swait.ge [sflag:s28], $0x3200  }
0x7c: {  	[sflag:s28] =	ssyncset.done $0x0  }
0x7d: {  	s17 =	simm.s32 $0x6130;
	[sflag:s28] =	ssyncadd.s32 $0xFFFFCE00  }
0x7e: {  	[tilespmem:s30], [sflag:$0x3] =	stream.indirect.gather [hbm4b:s5+s23], $0x20, s17, s23, $0xb8;
	[tilespmem:$0x1AC60] =	vst v63  }
0x7f: {  	s1 =	simm.s32 $0x8520  }
0x80: {  	[spmem:s3] =	stream.indirect.scatter.add.f32 [tilespmem:s24], [sflag:$0x4], $0x20, s1, s23, $0xb8;
	[tilespmem:$0x1AC60] =	vst v63  }
0x81: {  	_ =	swait.ge [sflag:s18], $0x3200  }
0x82: {  	[sflag:s18] =	ssyncset.done $0x0  }
0x83: {  	[sflag:s18] =	ssyncadd.s32 $0xFFFFCE00  }
0x84: {  	_ =	swait.ge [sflag:s31], $0x3200  }
0x85: {  	[sflag:s31] =	ssyncset.done $0x0  }
0x86: {  	s17 =	simm.s32 $0x62C0;
	[sflag:s31] =	ssyncadd.s32 $0xFFFFCE00  }
0x87: {  	[tilespmem:s24], [sflag:$0x1] =	stream.indirect.gather [hbm4b:s5+s23], $0x20, s17, s23, $0xb8;
	[tilespmem:$0x1AC60] =	vst v63  }
0x88: {  	s1 =	simm.s32 $0x86B0  }
0x89: {  	[spmem:s3] =	stream.indirect.scatter.add.f32 [tilespmem:s26], [sflag:$0x4], $0x20, s1, s23, $0xb8;
	[tilespmem:$0x1AC60] =	vst v63  }
0x8a: {  	_ =	swait.ge [sflag:s18], $0x3200  }
0x8b: {  	[sflag:s18] =	ssyncset.done $0x0  }
0x8c: {  	[sflag:s18] =	ssyncadd.s32 $0xFFFFCE00  }
0x8d: {  	_ =	swait.ge [sflag:s2], $0x3200  }
0x8e: {  	[sflag:s2] =	ssyncset.done $0x0  }
0x8f: {  	s17 =	simm.s32 $0x6450;
	[sflag:s2] =	ssyncadd.s32 $0xFFFFCE00  }
0x90: {  	[tilespmem:s26], [sflag:$0x2] =	stream.indirect.gather [hbm4b:s5+s23], $0x20, s17, s23, $0xb8;
	[tilespmem:$0x1AC60] =	vst v63  }
0x91: {  	s1 =	simm.s32 $0x8840  }
0x92: {  	[spmem:s3] =	stream.indirect.scatter.add.f32 [tilespmem:s30], [sflag:$0x4], $0x20, s1, s23, $0xb8;
	[tilespmem:$0x1AC60] =	vst v63  }
0x93: {  	_ =	swait.ge [sflag:s18], $0x3200  }
0x94: {  	[sflag:s18] =	ssyncset.done $0x0  }
0x95: {  	[sflag:s18] =	ssyncadd.s32 $0xFFFFCE00  }
0x96: {  	_ =	swait.ge [sflag:s28], $0x3200  }
0x97: {  	[sflag:s28] =	ssyncset.done $0x0  }
0x98: {  	s17 =	simm.s32 $0x65E0;
	[sflag:s28] =	ssyncadd.s32 $0xFFFFCE00  }
0x99: {  	[tilespmem:s30], [sflag:$0x3] =	stream.indirect.gather [hbm4b:s5+s23], $0x20, s17, s23, $0xb8;
	[tilespmem:$0x1AC60] =	vst v63  }
0x9a: {  	s1 =	simm.s32 $0x89D0  }
0x9b: {  	[spmem:s3] =	stream.indirect.scatter.add.f32 [tilespmem:s24], [sflag:$0x4], $0x20, s1, s23, $0xb8;
	[tilespmem:$0x1AC60] =	vst v63  }
0x9c: {  	_ =	swait.ge [sflag:s18], $0x3200  }
0x9d: {  	[sflag:s18] =	ssyncset.done $0x0  }
0x9e: {  	[sflag:s18] =	ssyncadd.s32 $0xFFFFCE00  }
0x9f: {  	_ =	swait.ge [sflag:s31], $0x3200  }
0xa0: {  	[sflag:s31] =	ssyncset.done $0x0  }
0xa1: {  	s17 =	simm.s32 $0x6770;
	[sflag:s31] =	ssyncadd.s32 $0xFFFFCE00  }
0xa2: {  	[tilespmem:s24], [sflag:$0x1] =	stream.indirect.gather [hbm4b:s5+s23], $0x20, s17, s23, $0xb8;
	[tilespmem:$0x1AC60] =	vst v63  }
0xa3: {  	s1 =	simm.s32 $0x8B60  }
0xa4: {  	[spmem:s3] =	stream.indirect.scatter.add.f32 [tilespmem:s26], [sflag:$0x4], $0x20, s1, s23, $0xb8;
	[tilespmem:$0x1AC60] =	vst v63  }
0xa5: {  	_ =	swait.ge [sflag:s18], $0x3200  }
0xa6: {  	[sflag:s18] =	ssyncset.done $0x0  }
0xa7: {  	[sflag:s18] =	ssyncadd.s32 $0xFFFFCE00  }
0xa8: {  	_ =	swait.ge [sflag:s2], $0x3200  }
0xa9: {  	[sflag:s2] =	ssyncset.done $0x0  }
0xaa: {  	s17 =	simm.s32 $0x6900;
	[sflag:s2] =	ssyncadd.s32 $0xFFFFCE00  }
0xab: {  	[tilespmem:s26], [sflag:$0x2] =	stream.indirect.gather [hbm4b:s5+s23], $0x20, s17, s23, $0xb8;
	[tilespmem:$0x1AC60] =	vst v63  }
0xac: {  	s1 =	simm.s32 $0x8CF0  }
0xad: {  	[spmem:s3] =	stream.indirect.scatter.add.f32 [tilespmem:s30], [sflag:$0x4], $0x20, s1, s23, $0xb8;
	[tilespmem:$0x1AC60] =	vst v63  }
0xae: {  	_ =	swait.ge [sflag:s18], $0x3200  }
0xaf: {  	[sflag:s18] =	ssyncset.done $0x0  }
0xb0: {  	[sflag:s18] =	ssyncadd.s32 $0xFFFFCE00  }
0xb1: {  	_ =	swait.ge [sflag:s28], $0x3200  }
0xb2: {  	[sflag:s28] =	ssyncset.done $0x0  }
0xb3: {  	s17 =	simm.s32 $0x6A90;
	[sflag:s28] =	ssyncadd.s32 $0xFFFFCE00  }
0xb4: {  	[tilespmem:s30], [sflag:$0x3] =	stream.indirect.gather [hbm4b:s5+s23], $0x20, s17, s23, $0xb8;
	[tilespmem:$0x1AC60] =	vst v63  }
0xb5: {  	s1 =	simm.s32 $0x8E80  }
0xb6: {  	[spmem:s3] =	stream.indirect.scatter.add.f32 [tilespmem:s24], [sflag:$0x4], $0x20, s1, s23, $0xb8;
	[tilespmem:$0x1AC60] =	vst v63  }
0xb7: {  	_ =	swait.ge [sflag:s18], $0x3200  }
0xb8: {  	[sflag:s18] =	ssyncset.done $0x0  }
0xb9: {  	[sflag:s18] =	ssyncadd.s32 $0xFFFFCE00  }
0xba: {  	_ =	swait.ge [sflag:s31], $0x3200  }
0xbb: {  	[sflag:s31] =	ssyncset.done $0x0  }
0xbc: {  	s17 =	simm.s32 $0x6C20;
	[sflag:s31] =	ssyncadd.s32 $0xFFFFCE00  }
0xbd: {  	[tilespmem:s24], [sflag:$0x1] =	stream.indirect.gather [hbm4b:s5+s23], $0x20, s17, s23, $0xb8;
	[tilespmem:$0x1AC60] =	vst v63  }
0xbe: {  	s1 =	simm.s32 $0x9010  }
0xbf: {  	[spmem:s3] =	stream.indirect.scatter.add.f32 [tilespmem:s26], [sflag:$0x4], $0x20, s1, s23, $0xb8;
	[tilespmem:$0x1AC60] =	vst v63  }
0xc0: {  	_ =	swait.ge [sflag:s18], $0x3200  }
0xc1: {  	[sflag:s18] =	ssyncset.done $0x0  }
0xc2: {  	[sflag:s18] =	ssyncadd.s32 $0xFFFFCE00  }
0xc3: {  	_ =	swait.ge [sflag:s2], $0x3200  }
0xc4: {  	[sflag:s2] =	ssyncset.done $0x0  }
0xc5: {  	s17 =	simm.s32 $0x6DB0;
	[sflag:s2] =	ssyncadd.s32 $0xFFFFCE00  }
0xc6: {  	[tilespmem:s26], [sflag:$0x2] =	stream.indirect.gather [hbm4b:s5+s23], $0x20, s17, s23, $0xb8;
	[tilespmem:$0x1AC60] =	vst v63  }
0xc7: {  	s1 =	simm.s32 $0x91A0  }
0xc8: {  	[spmem:s3] =	stream.indirect.scatter.add.f32 [tilespmem:s30], [sflag:$0x4], $0x20, s1, s23, $0xb8;
	[tilespmem:$0x1AC60] =	vst v63  }
0xc9: {  	_ =	swait.ge [sflag:s18], $0x3200  }
0xca: {  	[sflag:s18] =	ssyncset.done $0x0  }
0xcb: {  	[sflag:s18] =	ssyncadd.s32 $0xFFFFCE00  }
0xcc: {  	_ =	swait.ge [sflag:s28], $0x3200  }
0xcd: {  	[sflag:s28] =	ssyncset.done $0x0  }
0xce: {  	s17 =	simm.s32 $0x6F40;
	[sflag:s28] =	ssyncadd.s32 $0xFFFFCE00  }
0xcf: {  	[tilespmem:s30], [sflag:$0x3] =	stream.indirect.gather [hbm4b:s5+s23], $0x20, s17, s23, $0xb8;
	[tilespmem:$0x1AC60] =	vst v63  }
0xd0: {  	s1 =	simm.s32 $0x9330  }
0xd1: {  	[spmem:s3] =	stream.indirect.scatter.add.f32 [tilespmem:s24], [sflag:$0x4], $0x20, s1, s23, $0xb8;
	[tilespmem:$0x1AC60] =	vst v63  }
0xd2: {  	_ =	swait.ge [sflag:s18], $0x3200  }
0xd3: {  	[sflag:s18] =	ssyncset.done $0x0  }
0xd4: {  	[sflag:s18] =	ssyncadd.s32 $0xFFFFCE00  }
0xd5: {  	_ =	swait.ge [sflag:s31], $0x3200  }
0xd6: {  	[sflag:s31] =	ssyncset.done $0x0  }
0xd7: {  	s17 =	simm.s32 $0x70D0;
	[sflag:s31] =	ssyncadd.s32 $0xFFFFCE00  }
0xd8: {  	[tilespmem:s24], [sflag:$0x1] =	stream.indirect.gather [hbm4b:s5+s23], $0x20, s17, s23, $0xb8;
	[tilespmem:$0x1AC60] =	vst v63  }
0xd9: {  	s1 =	simm.s32 $0x94C0  }
0xda: {  	[spmem:s3] =	stream.indirect.scatter.add.f32 [tilespmem:s26], [sflag:$0x4], $0x20, s1, s23, $0xb8;
	[tilespmem:$0x1AC60] =	vst v63  }
0xdb: {  	_ =	swait.ge [sflag:s18], $0x3200  }
0xdc: {  	[sflag:s18] =	ssyncset.done $0x0  }
0xdd: {  	[sflag:s18] =	ssyncadd.s32 $0xFFFFCE00  }
0xde: {  	_ =	swait.ge [sflag:s2], $0x3200  }
0xdf: {  	[sflag:s2] =	ssyncset.done $0x0  }
0xe0: {  	s17 =	simm.s32 $0x7260;
	[sflag:s2] =	ssyncadd.s32 $0xFFFFCE00  }
0xe1: {  	[tilespmem:s26], [sflag:$0x2] =	stream.indirect.gather [hbm4b:s5+s23], $0x20, s17, s23, $0xb8;
	[tilespmem:$0x1AC60] =	vst v63  }
0xe2: {  	s1 =	simm.s32 $0x9650  }
0xe3: {  	[spmem:s3] =	stream.indirect.scatter.add.f32 [tilespmem:s30], [sflag:$0x4], $0x20, s1, s23, $0xb8;
	[tilespmem:$0x1AC60] =	vst v63  }
0xe4: {  	_ =	swait.ge [sflag:s18], $0x3200  }
0xe5: {  	[sflag:s18] =	ssyncset.done $0x0  }
0xe6: {  	[sflag:s18] =	ssyncadd.s32 $0xFFFFCE00  }
0xe7: {  	_ =	swait.ge [sflag:s28], $0x3200  }
0xe8: {  	[sflag:s28] =	ssyncset.done $0x0  }
0xe9: {  	s17 =	simm.s32 $0x73F0;
	[sflag:s28] =	ssyncadd.s32 $0xFFFFCE00  }
0xea: {  	[tilespmem:s30], [sflag:$0x3] =	stream.indirect.gather [hbm4b:s5+s23], $0x20, s17, s23, $0xb8;
	[tilespmem:$0x1AC60] =	vst v63  }
0xeb: {  	s1 =	simm.s32 $0x97E0  }
0xec: {  	[spmem:s3] =	stream.indirect.scatter.add.f32 [tilespmem:s24], [sflag:$0x4], $0x20, s1, s23, $0xb8;
	[tilespmem:$0x1AC60] =	vst v63  }
0xed: {  	_ =	swait.ge [sflag:s18], $0x3200  }
0xee: {  	[sflag:s18] =	ssyncset.done $0x0  }
0xef: {  	[sflag:s18] =	ssyncadd.s32 $0xFFFFCE00  }
0xf0: {  	_ =	swait.ge [sflag:s31], $0x3200  }
0xf1: {  	[sflag:s31] =	ssyncset.done $0x0  }
0xf2: {  	s17 =	simm.s32 $0x7580;
	[sflag:s31] =	ssyncadd.s32 $0xFFFFCE00  }
0xf3: {  	[tilespmem:s24], [sflag:$0x1] =	stream.indirect.gather [hbm4b:s5+s23], $0x20, s17, s23, $0xb8;
	[tilespmem:$0x1AC60] =	vst v63  }
0xf4: {  	s1 =	simm.s32 $0x9970  }
0xf5: {  	[spmem:s3] =	stream.indirect.scatter.add.f32 [tilespmem:s26], [sflag:$0x4], $0x20, s1, s23, $0xb8;
	[tilespmem:$0x1AC60] =	vst v63  }
0xf6: {  	_ =	swait.ge [sflag:s18], $0x3200  }
0xf7: {  	[sflag:s18] =	ssyncset.done $0x0  }
0xf8: {  	[sflag:s18] =	ssyncadd.s32 $0xFFFFCE00  }
0xf9: {  	_ =	swait.ge [sflag:s2], $0x3200  }
0xfa: {  	[sflag:s2] =	ssyncset.done $0x0  }
0xfb: {  	s17 =	simm.s32 $0x9B00;
	[sflag:s2] =	ssyncadd.s32 $0xFFFFCE00  }
0xfc: {  	[spmem:s3] =	stream.indirect.scatter.add.f32 [tilespmem:s30], [sflag:$0x4], $0x20, s17, s23, $0xb8;
	[tilespmem:$0x1AC60] =	vst v63  }
0xfd: {  	_ =	swait.ge [sflag:s18], $0x3200  }
0xfe: {  	[sflag:s18] =	ssyncset.done $0x0  }
0xff: {  	[sflag:s18] =	ssyncadd.s32 $0xFFFFCE00  }
0x100: {  	_ =	swait.ge [sflag:s28], $0x3200  }
0x101: {  	[sflag:s28] =	ssyncset.done $0x0  }
0x102: {  	s1 =	simm.s32 $0x9C90;
	[sflag:s28] =	ssyncadd.s32 $0xFFFFCE00  }
0x103: {  	[spmem:s3] =	stream.indirect.scatter.add.f32 [tilespmem:s24], [sflag:$0x4], $0x20, s1, s23, $0xb8;
	[tilespmem:$0x1AC60] =	vst v63  }
0x104: {  	_ =	swait.ge [sflag:s18], $0x3200  }
0x105: {  	[sflag:s18] =	ssyncset.done $0x0  }
0x106: {  	[sflag:s18] =	ssyncadd.s32 $0xFFFFCE00  }
0x107: {  	s17 =	simm.s32 $0x15C20;
	[bflag:$0x0] =	sbarrier.arrive $0xFFFF  }
0x108: {  	[tilespmem:s17], [sflag:$0x4] =	stream.linear.gather [spmem:s8], $0x5000, $0x38;
	[tilespmem:$0x1AC60] =	vst v63  }
0x109: {  	_ =	swait.ge [sflag:s18], $0x5000  }
0x10a: {  	[sflag:s18] =	ssyncset.done $0x0  }
0x10b: {  	s1 =	simm.s32 $0x13420;
	[sflag:s18] =	ssyncadd.s32 $0xFFFFB000  }
0x10c: {  	[tilespmem:s1], [sflag:$0x4] =	stream.linear.gather [hbm4b:s9+s4], $0x2800, $0x38;
	[tilespmem:$0x1AC60] =	vst v63  }
0x10d: {  	_ =	swait.ge [sflag:s18], $0x2800  }
0x10e: {  	[sflag:s18] =	ssyncset.done $0x0  }
0x10f: {  	s29 =	simm.s32 $0x15C30;
	[sflag:s18] =	ssyncadd.s32 $0xFFFFD800  }
0x110: {  	s17 =	simm.s32 $0x0;
	v2 =	vld [tilespmem:s29+$0xFFFFFFF0]  }
0x111: {  	v3 =	vld [tilespmem:s17+$0x13420]  }
0x112: {  	v4 =	vld [tilespmem:s29+$0x0]  }
0x113: {  	v0 =	vld [tilespmem:s11+$0x1AC20]  }
0x114: {  	v1 =	vld [tilespmem:s11+$0x1AC30];
	_ =	sdelay $0x2  }
0x115: {  	v2 =	vmul.f32 v2, v3;
	v4 =	vmul.f32 v4, v3;
	_ =	sdelay $0x1  }
0x116: {  	s0 =	simm.s32 $0x15C30;
	s1 =	simm.s32 $0x40;
	v3 =	vadd.f32 v2, v0;
	v2 =	vadd.f32 v4, v1  }
.LBB2_2:
0x117: {  	p4 =	sne.s32 s1, $0x9FC0  }
0x118: {  	[tilespmem:s29+$0xFFFFFFF0] =	vst v3;
	s0 =	sadd.s32 $0x20, s0;
	s17 =	smov.u32 s1;
	s1 =	sadd.s32 $0x40, s1  }
0x119: {  	s17 =	sshra.s32 s17, $0x2;
	v3 =	vld [tilespmem:s0+$0xFFFFFFF0];
	[tilespmem:s29+$0x0] =	vst v2;
	s29 =	smov.u32 s0  }
0x11a: {  	v2 =	vld [tilespmem:s17+$0x13420]  }
0x11b: {  	v4 =	vld [tilespmem:s0+$0x0];
	_ =	sdelay $0x2  }
.Ltmp0:
0x11c: {  	(pc) =	sbr.rel @p4 .LBB2_2-.Ltmp0, $4  }
0x11d: {  	v3 =	vmul.f32 v3, v2  }
0x11e: {  	v2 =	vmul.f32 v4, v2  }
0x11f: {  	v3 =	vadd.f32 v3, v0  }
0x120: {  	v2 =	vadd.f32 v2, v1  }
0x121: {  	[tilespmem:s29+$0xFFFFFFF0] =	vst v3  }
0x122: {  	s0 =	simm.s32 @!p0 $0x20;
	s1 =	simm.s32 @!p0 $0x40;
	s17 =	simm.s32 @!p0 $0x15C20;
	[tilespmem:s29+$0x0] =	vst v2  }
0x123: {  	[hbm4b:s13+s0] =	stream.strided.scatter @!p0 [tilespmem:s17], [sflag:$0x4], $0x3200, s1, s0, $0x38;
	[tilespmem:$0x1AC60] =	vst v63  }
0x124: {  	s0 =	simm.s32 @!p0 $0x4  }
0x125: {  	_ =	swait.ge @!p0 [sflag:s0], $0x3200  }
0x126: {  	s1 =	simm.s32 @!p1 $0x40;
	[sflag:s0] =	ssyncset.done @!p0 $0x0  }
0x127: {  	s17 =	simm.s32 @!p1 $0x15C20;
	[sflag:s0] =	ssyncadd.s32 @!p0 $0xFFFFCE00;
	s0 =	simm.s32 @!p1 $0x20  }
0x128: {  	[hbm4b:s12+s0] =	stream.strided.scatter @!p1 [tilespmem:s17], [sflag:$0x4], $0x5000, s1, s0, $0x38;
	[tilespmem:$0x1AC60] =	vst v63  }
0x129: {  	s0 =	simm.s32 @!p1 $0x4  }
0x12a: {  	_ =	swait.ge @!p1 [sflag:s0], $0x5000  }
0x12b: {  	s1 =	simm.s32 @!p2 $0x40;
	[sflag:s0] =	ssyncset.done @!p1 $0x0  }
0x12c: {  	s17 =	simm.s32 @!p2 $0x15C20;
	[sflag:s0] =	ssyncadd.s32 @!p1 $0xFFFFB000;
	s0 =	simm.s32 @!p2 $0x20  }
0x12d: {  	[hbm4b:s14+s0] =	stream.strided.scatter @!p2 [tilespmem:s17], [sflag:$0x4], $0x3200, s1, s0, $0x38;
	[tilespmem:$0x1AC60] =	vst v63  }
0x12e: {  	s0 =	simm.s32 @!p2 $0x4  }
0x12f: {  	s25 =	sadd.s32 $0x1, s25;
	_ =	swait.ge @!p2 [sflag:s0], $0x3200  }
0x130: {  	p4 =	sne.s32 s25, s15;
	s1 =	simm.s32 @!p3 $0x40;
	[sflag:s0] =	ssyncset.done @!p2 $0x0  }
0x131: {  	s17 =	simm.s32 @!p3 $0x15C20;
	[sflag:s0] =	ssyncadd.s32 @!p2 $0xFFFFCE00;
	s0 =	simm.s32 @!p3 $0x20  }
0x132: {  	[hbm4b:s10+s0] =	stream.strided.scatter @!p3 [tilespmem:s17], [sflag:$0x4], $0x5000, s1, s0, $0x38;
	[tilespmem:$0x1AC60] =	vst v63  }
.Ltmp1:
0x133: {  	_ = 	snop;
	(pc) =	sbr.rel @p4 .LBB2_1-.Ltmp1, $4  }
0x134: {  	s0 =	simm.s32 @!p3 $0x4  }
0x135: {  	_ =	swait.ge @!p3 [sflag:s0], $0x5000  }
0x136: {  	[sflag:s0] =	ssyncset.done @!p3 $0x0  }
0x137: {  	[sflag:s0] =	ssyncadd.s32 @!p3 $0xFFFFB000  }
0x138: {  	_ =	sfence.sel $0x180000  }
0x139: {  	[bflag:$0x0] =	sbarrier.arrive $0xFFFF  }
0x13a: {  	_ =	strace $0x9000004A  }
0x13b: {  	s0 =	stileid.u32;
	[bflag:$0x2] =	sbarrier.arrive $0xFFFF  }
0x13c: {  	p0 =	sne.s32 s0, $0x0;
	s0 =	rddreg [dreg:$0x4]  }
0x13d: {  	s0 =	sadd.s32 @!p0 $0x100000, s0  }
0x13e: {  	[sflag:s0] =	ssyncadd.tile.s32 @!p0 $0x1;
	_ =	shalt  }
.Lfunc_end2:
_tile_overlayer_lowered:
.L_overlay_start_2:
0x13f: {  	(tag) =	ssettag $0x2  }
0x140: {  	s0 =	rddreg [dreg:$0x0];
	s2 =	stileid.u32  }
0x141: {  	s1 =	rddreg [dreg:$0x1];
	p0 =	sne.s32 s2, $0x0  }
0x142: {  	s3 =	rddreg [dreg:$0x2];
	[bflag:$0x3] =	sbarrier.arrive $0xFFFF;
	s2 =	simm.s32 @!p0 $0x1C04  }
0x143: {  	[timem:s3], [sflag:s2] =	dma.local @!p0 [hbm:s0], s1  }
0x144: {  	s0 =	simm.s32 @!p0 $0x4  }
0x145: {  	_ =	swait.ge @!p0 [sflag:s0], s1  }
0x146: {  	s1 =	ssub.s32 @!p0 $0x0, s1;
	[sflag:s0] =	ssyncset.done @!p0 $0x0  }
0x147: {  	[sflag:s0] =	ssyncadd.s32 @!p0 s1  }
0x148: {  	[bflag:$0x3] =	sbarrier.arrive $0xFFFF  }
0x149: {  	_ =	shalt  }

</sc_bundles>
